<compile_context>
chip_gen: v7x
topology: tpu7x:2x2x1
jax: 0.10.2.dev20260603
libtpu: 0.0.44.dev20260713+nightly
codegen_flags: <defaults>
</compile_context>

<pallas_src>
import numpy as np
import jax
import jax.numpy as jnp
from jax import lax
from jax.experimental import pallas as pl
from jax.experimental.pallas import tpu as pltpu
from jax.experimental.pallas import tpu_sc as plsc

_LOG_K = float(np.log(64))
_NW = 32
_CH = 128


def _sc_body(u_hbm, v_hbm, b_hbm, ts_hbm, la_hbm, l1_hbm,
             uv_hbm, ut_hbm, c1_hbm, lai_hbm, l1i_hbm,
             u_vm0, u_vm1, v_vm0, v_vm1, b_vm0, b_vm1,
             ts_vm, la_vm, l1_vm,
             uv_vm0, uv_vm1, ut_vm0, ut_vm1, c1_vm0, c1_vm1,
             lai_vm0, lai_vm1, l1i_vm0, l1i_vm1,
             in_sem0, in_sem1, out_sem0, out_sem1):
    n = u_hbm.shape[0]
    per_w = n // _NW
    nchunks = per_w // _CH
    wid = lax.axis_index("s") * 2 + lax.axis_index("c")
    base_w = wid * per_w

    u_vm = (u_vm0, u_vm1)
    v_vm = (v_vm0, v_vm1)
    b_vm = (b_vm0, b_vm1)
    uv_vm = (uv_vm0, uv_vm1)
    ut_vm = (ut_vm0, ut_vm1)
    c1_vm = (c1_vm0, c1_vm1)
    lai_vm = (lai_vm0, lai_vm1)
    l1i_vm = (l1i_vm0, l1i_vm1)
    in_sem = (in_sem0, in_sem1)
    out_sem = (out_sem0, out_sem1)

    pltpu.sync_copy(ts_hbm, ts_vm)
    pltpu.sync_copy(la_hbm, la_vm)
    pltpu.sync_copy(l1_hbm, l1_vm)

    def fire_in(b, base):
        pltpu.async_copy(u_hbm.at[pl.ds(base, _CH)], u_vm[b], in_sem[b])
        pltpu.async_copy(v_hbm.at[pl.ds(base, _CH)], v_vm[b], in_sem[b])
        pltpu.async_copy(b_hbm.at[pl.ds(base, _CH)], b_vm[b], in_sem[b])

    def wait_in(b, base):
        pltpu.make_async_copy(u_hbm.at[pl.ds(base, _CH)], u_vm[b],
                              in_sem[b]).wait()
        pltpu.make_async_copy(v_hbm.at[pl.ds(base, _CH)], v_vm[b],
                              in_sem[b]).wait()
        pltpu.make_async_copy(b_hbm.at[pl.ds(base, _CH)], b_vm[b],
                              in_sem[b]).wait()

    def fire_out(b, base):
        pltpu.async_copy(uv_vm[b], uv_hbm.at[pl.ds(base, _CH)], out_sem[b])
        pltpu.async_copy(ut_vm[b], ut_hbm.at[pl.ds(base, _CH)], out_sem[b])
        pltpu.async_copy(c1_vm[b], c1_hbm.at[pl.ds(base, _CH)], out_sem[b])
        pltpu.async_copy(lai_vm[b], lai_hbm.at[pl.ds(base, _CH)], out_sem[b])
        pltpu.async_copy(l1i_vm[b], l1i_hbm.at[pl.ds(base, _CH)], out_sem[b])

    def wait_out(b, base):
        pltpu.make_async_copy(uv_vm[b], uv_hbm.at[pl.ds(base, _CH)],
                              out_sem[b]).wait()
        pltpu.make_async_copy(ut_vm[b], ut_hbm.at[pl.ds(base, _CH)],
                              out_sem[b]).wait()
        pltpu.make_async_copy(c1_vm[b], c1_hbm.at[pl.ds(base, _CH)],
                              out_sem[b]).wait()
        pltpu.make_async_copy(lai_vm[b], lai_hbm.at[pl.ds(base, _CH)],
                              out_sem[b]).wait()
        pltpu.make_async_copy(l1i_vm[b], l1i_hbm.at[pl.ds(base, _CH)],
                              out_sem[b]).wait()

    def compute_chunk(b):
        def group(g, carry):
            rows = lax.iota(jnp.int32, 16) + (g * 16)
            v_vec = v_vm[b][pl.ds(g * 16, 16)]
            b_vec = b_vm[b][pl.ds(g * 16, 16)]
            t_vec = plsc.load_gather(ts_vm, [b_vec])
            la_vec = plsc.load_gather(la_vm, [t_vec])
            l1_vec = plsc.load_gather(l1_vm, [t_vec])
            uv_vec = plsc.load_gather(u_vm[b], [rows, v_vec])
            plsc.store_scatter(u_vm[b], [rows, v_vec],
                               jnp.full((16,), -1.0, jnp.float32))
            ms, cs = [], []
            for j in range(4):
                mj = jnp.full((16,), -1.0, jnp.float32)
                cj = jnp.full((16,), 64, jnp.int32)
                for cc in range(16):
                    c = 16 * j + cc
                    col = plsc.load_gather(
                        u_vm[b], [rows, jnp.full((16,), c, jnp.int32)])
                    gt = col > mj
                    mj = jnp.where(gt, col, mj)
                    cj = jnp.where(gt, c, cj)
                ms.append(mj)
                cs.append(cj)
            m, c1 = ms[0], cs[0]
            for j in range(1, 4):
                win = ms[j] > m
                m = jnp.where(win, ms[j], m)
                c1 = jnp.where(win, cs[j], c1)
            uv_vm[b][pl.ds(g * 16, 16)] = uv_vec
            ut_vm[b][pl.ds(g * 16, 16)] = m
            c1_vm[b][pl.ds(g * 16, 16)] = c1
            lai_vm[b][pl.ds(g * 16, 16)] = la_vec
            l1i_vm[b][pl.ds(g * 16, 16)] = l1_vec
            return carry
        lax.fori_loop(0, _CH // 16, group, 0)

    fire_in(0, base_w)
    fire_in(1, base_w + _CH)

    def pair(k, carry):
        for b in range(2):
            ci = 2 * k + b
            base = base_w + ci * _CH
            wait_in(b, base)

            @pl.when(k > 0)
            def _():
                wait_out(b, base)

            compute_chunk(b)
            fire_out(b, base)

            @pl.when(ci + 2 < nchunks)
            def _():
                fire_in(b, base + 2 * _CH)
        return carry

    lax.fori_loop(0, nchunks // 2, pair, 0)
    wait_out(0, base_w)
    wait_out(1, base_w)


def _sc_stage(u, v, batch, time_step, la_pad, l1_pad):
    n = u.shape[0]
    f32 = jnp.float32
    i32 = jnp.int32
    mesh = plsc.VectorSubcoreMesh(core_axis_name="c", subcore_axis_name="s")
    out_type = [
        jax.ShapeDtypeStruct((n,), f32),
        jax.ShapeDtypeStruct((n,), f32),
        jax.ShapeDtypeStruct((n,), i32),
        jax.ShapeDtypeStruct((n,), f32),
        jax.ShapeDtypeStruct((n,), f32),
    ]
    scratch = [
        pltpu.VMEM((_CH, 64), f32), pltpu.VMEM((_CH, 64), f32),
        pltpu.VMEM((_CH,), i32), pltpu.VMEM((_CH,), i32),
        pltpu.VMEM((_CH,), i32), pltpu.VMEM((_CH,), i32),
        pltpu.VMEM((64,), i32),
        pltpu.VMEM((128,), f32),
        pltpu.VMEM((128,), f32),
        pltpu.VMEM((_CH,), f32), pltpu.VMEM((_CH,), f32),
        pltpu.VMEM((_CH,), f32), pltpu.VMEM((_CH,), f32),
        pltpu.VMEM((_CH,), i32), pltpu.VMEM((_CH,), i32),
        pltpu.VMEM((_CH,), f32), pltpu.VMEM((_CH,), f32),
        pltpu.VMEM((_CH,), f32), pltpu.VMEM((_CH,), f32),
        pltpu.SemaphoreType.DMA, pltpu.SemaphoreType.DMA,
        pltpu.SemaphoreType.DMA, pltpu.SemaphoreType.DMA,
    ]
    fn = pl.kernel(_sc_body, mesh=mesh, out_type=out_type, scratch_types=scratch,
                   compiler_params=pltpu.CompilerParams(needs_layout_passes=False))
    return fn(u, v, batch, time_step, la_pad, l1_pad)


def _tc_body(vi_ref, uv_ref, ut_ref, c1_ref, lai_ref, l1i_ref,
             vp_ref, lnvt_ref, lv0_ref):
    BI = vi_ref.shape[0]
    vi = vi_ref[...]
    u_v = uv_ref[...]
    u_top = ut_ref[...]
    c1 = c1_ref[...]
    la = lai_ref[...]
    l1ma = l1i_ref[...]

    z = u_v[0:1, 0:1] * 0.0
    neg30 = jnp.log(z + 1e-30)
    pos = jnp.log(z + 1.0)

    b = l1ma - _LOG_K
    a_hit = pos + la
    m_h = jnp.maximum(a_hit, b)
    q_hit = m_h + jnp.log(jnp.exp(a_hit - m_h) + jnp.exp(b - m_h))
    a_miss = neg30 + la
    m_m = jnp.maximum(a_miss, b)
    q_miss = m_m + jnp.log(jnp.exp(a_miss - m_m) + jnp.exp(b - m_m))

    g_v = -jnp.log(-jnp.log(u_v + 1e-30) + 1e-30)
    g_1 = -jnp.log(-jnp.log(u_top + 1e-30) + 1e-30)
    s_v = g_v + q_hit
    s_1 = g_1 + q_miss

    widx = jnp.where(s_v > s_1, vi,
                     jnp.where(s_1 > s_v, c1, jnp.minimum(vi, c1)))

    iota_c = lax.broadcasted_iota(jnp.int32, (BI, 128, 64), 2)
    eq_w = iota_c == widx[:, :, None]
    oh_v = iota_c == vi[:, :, None]
    pos3 = pos[:, :, None]
    neg3 = neg30[:, :, None]
    vp_ref[...] = eq_w.astype(jnp.float32)
    lnvt_ref[...] = jnp.where(eq_w, pos3, neg3)
    lv0_ref[...] = jnp.where(oh_v, pos3, neg3)


def kernel(v, time_step, batch, u, log_alphas_bar, log_1_min_alphas_bar):
    N, C = u.shape
    T = log_alphas_bar.shape[0]
    la_pad = jnp.zeros((128,), jnp.float32).at[:T].set(log_alphas_bar)
    l1_pad = jnp.zeros((128,), jnp.float32).at[:T].set(log_1_min_alphas_bar)

    u_v, u_top, c1, la_i, l1_i = _sc_stage(u, v, batch, time_step,
                                           la_pad, l1_pad)

    BI = 32
    NR = N // 128
    G = NR // BI
    col = lambda x: x.reshape(NR, 128)
    col_spec = pl.BlockSpec((BI, 128), lambda i: (i, 0))
    out_spec = pl.BlockSpec((BI, 128, C), lambda i: (i, 0, 0))
    out_sds = jax.ShapeDtypeStruct((NR, 128, C), jnp.float32)

    vp, lnvt, lv0 = pl.pallas_call(
        _tc_body,
        grid=(G,),
        in_specs=[col_spec] * 6,
        out_specs=[out_spec, out_spec, out_spec],
        out_shape=[out_sds, out_sds, out_sds],
    )(col(v), col(u_v), col(u_top), col(c1), col(la_i), col(l1_i))
    return (vp.reshape(N, C), lnvt.reshape(N, C), lv0.reshape(N, C))

# --- scband reference (transcript-rebuilt; emitter-appended) ---
"""Pipeline reference for scband-categorical-transition-12017318494537 (READ-ONLY COPY).

The authoritative reference and input builder live on the scoring server;
editing this copy changes nothing except your own understanding.
"""

import jax, jax.numpy as jnp
import numpy as np

NUM_CLASSES = 64
T = 100
N = 131072
B = 64


def _index_to_log_onehot(v, num_classes):
    oh = jax.nn.one_hot(v, num_classes, dtype=jnp.float32)
    return jnp.log(jnp.clip(oh, 1e-30, 1.0))


def _log_add_exp(a, b):
    m = jnp.maximum(a, b)
    return m + jnp.log(jnp.exp(a - m) + jnp.exp(b - m))


def _schedule():
    betas = np.arange(1, T + 1, dtype=np.float64) * 0.0002
    alphas = 1.0 - betas
    log_alphas = np.log(alphas)
    log_alphas_bar = np.cumsum(log_alphas)
    log_1_min_alphas_bar = np.log(1.0 - np.exp(log_alphas_bar) + 1e-40)
    return (jnp.asarray(log_alphas_bar, dtype=jnp.float32),
            jnp.asarray(log_1_min_alphas_bar, dtype=jnp.float32))


def setup_inputs(seed: int = 0) -> dict:
    key = jax.random.key(seed)
    k1, k2, k3, k4 = jax.random.split(key, 4)
    v = jax.random.randint(k1, (N,), 0, NUM_CLASSES, dtype=jnp.int32)
    time_step = jax.random.randint(k2, (B,), 0, T, dtype=jnp.int32)
    batch = jnp.sort(jax.random.randint(k3, (N,), 0, B, dtype=jnp.int32))
    u = jax.random.uniform(k4, (N, NUM_CLASSES), dtype=jnp.float32)
    log_alphas_bar, log_1_min_alphas_bar = _schedule()
    return {"v": v, "time_step": time_step, "batch": batch, "u": u,
            "log_alphas_bar": log_alphas_bar,
            "log_1_min_alphas_bar": log_1_min_alphas_bar}


def reference(v, time_step, batch, u, log_alphas_bar, log_1_min_alphas_bar):
    # add_noise(v, time_step, batch)
    log_v0 = _index_to_log_onehot(v, NUM_CLASSES)
    # extract(coef, t, batch, ndim=2) == coef[t][batch].unsqueeze(-1)
    t_per_node = time_step[batch]
    la = jnp.take(log_alphas_bar, t_per_node, axis=0)[:, None]
    l1ma = jnp.take(log_1_min_alphas_bar, t_per_node, axis=0)[:, None]
    # q_vt_pred
    log_q_vt_v0 = _log_add_exp(log_v0 + la, l1ma - float(np.log(NUM_CLASSES)))
    # log_sample_categorical (gumbel-max trick)
    gumbel = -jnp.log(-jnp.log(u + 1e-30) + 1e-30)
    sample_class = jnp.argmax(gumbel + log_q_vt_v0, axis=-1)
    log_node_vt = _index_to_log_onehot(sample_class, NUM_CLASSES)
    v_perturbed = jax.nn.one_hot(sample_class, NUM_CLASSES, dtype=jnp.float32)
    return (v_perturbed, log_node_vt, log_v0)

if __name__ == "__main__":
    import jax
    _d = setup_inputs()
    print(jax.jit(kernel)(*tuple(_d.values())))

</pallas_src>

<mosaic_0001>
#map = affine_map<(d0, d1) -> (0, 0)>
#map1 = affine_map<(d0, d1) -> (0)>
module attributes {stable_mosaic.version = 14 : i64} {
  func.func @_sc_body(%arg0: i32, %arg1: i32, %arg2: memref<131072x64xf32, #tpu.memory_space<hbm>>, %arg3: memref<131072xi32, #tpu.memory_space<hbm>>, %arg4: memref<131072xi32, #tpu.memory_space<hbm>>, %arg5: memref<64xi32, #tpu.memory_space<hbm>>, %arg6: memref<128xf32, #tpu.memory_space<hbm>>, %arg7: memref<128xf32, #tpu.memory_space<hbm>>, %arg8: memref<131072xf32, #tpu.memory_space<hbm>>, %arg9: memref<131072xf32, #tpu.memory_space<hbm>>, %arg10: memref<131072xi32, #tpu.memory_space<hbm>>, %arg11: memref<131072xf32, #tpu.memory_space<hbm>>, %arg12: memref<131072xf32, #tpu.memory_space<hbm>>, %arg13: memref<128x64xf32, #tpu.memory_space<vmem>>, %arg14: memref<128x64xf32, #tpu.memory_space<vmem>>, %arg15: memref<128xi32, #tpu.memory_space<vmem>>, %arg16: memref<128xi32, #tpu.memory_space<vmem>>, %arg17: memref<128xi32, #tpu.memory_space<vmem>>, %arg18: memref<128xi32, #tpu.memory_space<vmem>>, %arg19: memref<64xi32, #tpu.memory_space<vmem>>, %arg20: memref<128xf32, #tpu.memory_space<vmem>>, %arg21: memref<128xf32, #tpu.memory_space<vmem>>, %arg22: memref<128xf32, #tpu.memory_space<vmem>>, %arg23: memref<128xf32, #tpu.memory_space<vmem>>, %arg24: memref<128xf32, #tpu.memory_space<vmem>>, %arg25: memref<128xf32, #tpu.memory_space<vmem>>, %arg26: memref<128xi32, #tpu.memory_space<vmem>>, %arg27: memref<128xi32, #tpu.memory_space<vmem>>, %arg28: memref<128xf32, #tpu.memory_space<vmem>>, %arg29: memref<128xf32, #tpu.memory_space<vmem>>, %arg30: memref<128xf32, #tpu.memory_space<vmem>>, %arg31: memref<128xf32, #tpu.memory_space<vmem>>, %arg32: memref<!tpu.dma_semaphore, #tpu.memory_space<semaphore_mem>>, %arg33: memref<!tpu.dma_semaphore, #tpu.memory_space<semaphore_mem>>, %arg34: memref<!tpu.dma_semaphore, #tpu.memory_space<semaphore_mem>>, %arg35: memref<!tpu.dma_semaphore, #tpu.memory_space<semaphore_mem>>) attributes {dimension_semantics = [#tpu.dimension_semantics<core_parallel>, #tpu.dimension_semantics<subcore_parallel>], iteration_bounds = array<i64: 2, 16>, scalar_prefetch = 0 : i64, scratch_operands = 23 : i64, tpu.core_type = #tpu.core_type<sc_vector_subcore>, window_params = [{transform_indices = #map}, {transform_indices = #map1}, {transform_indices = #map1}, {transform_indices = #map1}, {transform_indices = #map1}, {transform_indices = #map1}, {transform_indices = #map1}, {transform_indices = #map1}, {transform_indices = #map1}, {transform_indices = #map1}, {transform_indices = #map1}]} {
    %mul3A = arith.constant 2 : i32
    %mul3A_0 = arith.muli %arg1, %mul3A : i32
    %add3A = arith.addi %mul3A_0, %arg0 : i32
    %mul3A_1 = arith.constant 4096 : i32
    %mul3A_2 = arith.muli %add3A, %mul3A_1 : i32
    "tpu.region"() ({
      %run_scoped3A = tpu.sem_alloc : memref<!tpu.dma_semaphore, #tpu.memory_space<semaphore_mem>>
      tpu.enqueue_dma source(%arg5 : memref<64xi32, #tpu.memory_space<hbm>>) target(%arg19 : memref<64xi32, #tpu.memory_space<vmem>>) target_semaphore(%run_scoped3A : memref<!tpu.dma_semaphore, #tpu.memory_space<semaphore_mem>>)
      tpu.wait_dma2 semaphore(%run_scoped3A : memref<!tpu.dma_semaphore, #tpu.memory_space<semaphore_mem>>) src(%arg5 : memref<64xi32, #tpu.memory_space<hbm>>) dst(%arg19 : memref<64xi32, #tpu.memory_space<vmem>>)
      tpu.yield
    }) : () -> ()
    "tpu.region"() ({
      %run_scoped3A = tpu.sem_alloc : memref<!tpu.dma_semaphore, #tpu.memory_space<semaphore_mem>>
      tpu.enqueue_dma source(%arg6 : memref<128xf32, #tpu.memory_space<hbm>>) target(%arg20 : memref<128xf32, #tpu.memory_space<vmem>>) target_semaphore(%run_scoped3A : memref<!tpu.dma_semaphore, #tpu.memory_space<semaphore_mem>>)
      tpu.wait_dma2 semaphore(%run_scoped3A : memref<!tpu.dma_semaphore, #tpu.memory_space<semaphore_mem>>) src(%arg6 : memref<128xf32, #tpu.memory_space<hbm>>) dst(%arg20 : memref<128xf32, #tpu.memory_space<vmem>>)
      tpu.yield
    }) : () -> ()
    "tpu.region"() ({
      %run_scoped3A = tpu.sem_alloc : memref<!tpu.dma_semaphore, #tpu.memory_space<semaphore_mem>>
      tpu.enqueue_dma source(%arg7 : memref<128xf32, #tpu.memory_space<hbm>>) target(%arg21 : memref<128xf32, #tpu.memory_space<vmem>>) target_semaphore(%run_scoped3A : memref<!tpu.dma_semaphore, #tpu.memory_space<semaphore_mem>>)
      tpu.wait_dma2 semaphore(%run_scoped3A : memref<!tpu.dma_semaphore, #tpu.memory_space<semaphore_mem>>) src(%arg7 : memref<128xf32, #tpu.memory_space<hbm>>) dst(%arg21 : memref<128xf32, #tpu.memory_space<vmem>>)
      tpu.yield
    }) : () -> ()
    %dma_start3A = arith.constant 0 : i32
    %dma_start3A_3 = tpu.memref_slice %arg2[%mul3A_2, %dma_start3A] : memref<131072x64xf32, #tpu.memory_space<hbm>> -> memref<128x64xf32, #tpu.memory_space<hbm>>
    %dma_start3A_4 = arith.constant 0 : i32
    %dma_start3A_5 = tpu.memref_slice %arg2[%mul3A_2, %dma_start3A_4] : memref<131072x64xf32, #tpu.memory_space<hbm>> -> memref<128x64xf32, #tpu.memory_space<hbm>>
    tpu.enqueue_dma source(%dma_start3A_5 : memref<128x64xf32, #tpu.memory_space<hbm>>) target(%arg13 : memref<128x64xf32, #tpu.memory_space<vmem>>) target_semaphore(%arg32 : memref<!tpu.dma_semaphore, #tpu.memory_space<semaphore_mem>>)
    %dma_start3A_6 = tpu.memref_slice %arg3[%mul3A_2] : memref<131072xi32, #tpu.memory_space<hbm>> -> memref<128xi32, #tpu.memory_space<hbm>>
    %dma_start3A_7 = tpu.memref_slice %arg3[%mul3A_2] : memref<131072xi32, #tpu.memory_space<hbm>> -> memref<128xi32, #tpu.memory_space<hbm>>
    tpu.enqueue_dma source(%dma_start3A_7 : memref<128xi32, #tpu.memory_space<hbm>>) target(%arg15 : memref<128xi32, #tpu.memory_space<vmem>>) target_semaphore(%arg32 : memref<!tpu.dma_semaphore, #tpu.memory_space<semaphore_mem>>)
    %dma_start3A_8 = tpu.memref_slice %arg4[%mul3A_2] : memref<131072xi32, #tpu.memory_space<hbm>> -> memref<128xi32, #tpu.memory_space<hbm>>
    %dma_start3A_9 = tpu.memref_slice %arg4[%mul3A_2] : memref<131072xi32, #tpu.memory_space<hbm>> -> memref<128xi32, #tpu.memory_space<hbm>>
    tpu.enqueue_dma source(%dma_start3A_9 : memref<128xi32, #tpu.memory_space<hbm>>) target(%arg17 : memref<128xi32, #tpu.memory_space<vmem>>) target_semaphore(%arg32 : memref<!tpu.dma_semaphore, #tpu.memory_space<semaphore_mem>>)
    %add3A_10 = arith.constant 128 : i32
    %add3A_11 = arith.addi %mul3A_2, %add3A_10 : i32
    %dma_start3A_12 = arith.constant 0 : i32
    %dma_start3A_13 = tpu.memref_slice %arg2[%add3A_11, %dma_start3A_12] : memref<131072x64xf32, #tpu.memory_space<hbm>> -> memref<128x64xf32, #tpu.memory_space<hbm>>
    %dma_start3A_14 = arith.constant 0 : i32
    %dma_start3A_15 = tpu.memref_slice %arg2[%add3A_11, %dma_start3A_14] : memref<131072x64xf32, #tpu.memory_space<hbm>> -> memref<128x64xf32, #tpu.memory_space<hbm>>
    tpu.enqueue_dma source(%dma_start3A_15 : memref<128x64xf32, #tpu.memory_space<hbm>>) target(%arg14 : memref<128x64xf32, #tpu.memory_space<vmem>>) target_semaphore(%arg33 : memref<!tpu.dma_semaphore, #tpu.memory_space<semaphore_mem>>)
    %dma_start3A_16 = tpu.memref_slice %arg3[%add3A_11] : memref<131072xi32, #tpu.memory_space<hbm>> -> memref<128xi32, #tpu.memory_space<hbm>>
    %dma_start3A_17 = tpu.memref_slice %arg3[%add3A_11] : memref<131072xi32, #tpu.memory_space<hbm>> -> memref<128xi32, #tpu.memory_space<hbm>>
    tpu.enqueue_dma source(%dma_start3A_17 : memref<128xi32, #tpu.memory_space<hbm>>) target(%arg16 : memref<128xi32, #tpu.memory_space<vmem>>) target_semaphore(%arg33 : memref<!tpu.dma_semaphore, #tpu.memory_space<semaphore_mem>>)
    %dma_start3A_18 = tpu.memref_slice %arg4[%add3A_11] : memref<131072xi32, #tpu.memory_space<hbm>> -> memref<128xi32, #tpu.memory_space<hbm>>
    %dma_start3A_19 = tpu.memref_slice %arg4[%add3A_11] : memref<131072xi32, #tpu.memory_space<hbm>> -> memref<128xi32, #tpu.memory_space<hbm>>
    tpu.enqueue_dma source(%dma_start3A_19 : memref<128xi32, #tpu.memory_space<hbm>>) target(%arg18 : memref<128xi32, #tpu.memory_space<vmem>>) target_semaphore(%arg33 : memref<!tpu.dma_semaphore, #tpu.memory_space<semaphore_mem>>)
    %scan3A = arith.constant 0 : i32
    %scan3A_20 = arith.constant 0 : i32
    %scan3A_21 = arith.constant 16 : i32
    %scan3A_22 = arith.addi %scan3A_20, %scan3A_21 : i32
    %scan3A_23 = arith.constant 1 : i32
    scf.for %scan3A_44 = %scan3A_20 to %scan3A_22 step %scan3A_23  : i32 {
      %mul3A_45 = arith.constant 2 : i32
      %mul3A_46 = arith.muli %mul3A_45, %scan3A_44 : i32
      %add3A_47 = arith.constant 0 : i32
      %add3A_48 = arith.addi %mul3A_46, %add3A_47 : i32
      %mul3A_49 = arith.constant 128 : i32
      %mul3A_50 = arith.muli %add3A_48, %mul3A_49 : i32
      %add3A_51 = arith.addi %mul3A_2, %mul3A_50 : i32
      %dma_wait3A_52 = arith.constant 0 : i32
      %dma_wait3A_53 = tpu.memref_slice %arg2[%add3A_51, %dma_wait3A_52] : memref<131072x64xf32, #tpu.memory_space<hbm>> -> memref<128x64xf32, #tpu.memory_space<hbm>>
      %dma_wait3A_54 = arith.constant 0 : i32
      %dma_wait3A_55 = tpu.memref_slice %arg2[%add3A_51, %dma_wait3A_54] : memref<131072x64xf32, #tpu.memory_space<hbm>> -> memref<128x64xf32, #tpu.memory_space<hbm>>
      tpu.wait_dma2 semaphore(%arg32 : memref<!tpu.dma_semaphore, #tpu.memory_space<semaphore_mem>>) src(%dma_wait3A_55 : memref<128x64xf32, #tpu.memory_space<hbm>>) dst(%arg13 : memref<128x64xf32, #tpu.memory_space<vmem>>)
      %dma_wait3A_56 = tpu.memref_slice %arg3[%add3A_51] : memref<131072xi32, #tpu.memory_space<hbm>> -> memref<128xi32, #tpu.memory_space<hbm>>
      %dma_wait3A_57 = tpu.memref_slice %arg3[%add3A_51] : memref<131072xi32, #tpu.memory_space<hbm>> -> memref<128xi32, #tpu.memory_space<hbm>>
      tpu.wait_dma2 semaphore(%arg32 : memref<!tpu.dma_semaphore, #tpu.memory_space<semaphore_mem>>) src(%dma_wait3A_57 : memref<128xi32, #tpu.memory_space<hbm>>) dst(%arg15 : memref<128xi32, #tpu.memory_space<vmem>>)
      %dma_wait3A_58 = tpu.memref_slice %arg4[%add3A_51] : memref<131072xi32, #tpu.memory_space<hbm>> -> memref<128xi32, #tpu.memory_space<hbm>>
      %dma_wait3A_59 = tpu.memref_slice %arg4[%add3A_51] : memref<131072xi32, #tpu.memory_space<hbm>> -> memref<128xi32, #tpu.memory_space<hbm>>
      tpu.wait_dma2 semaphore(%arg32 : memref<!tpu.dma_semaphore, #tpu.memory_space<semaphore_mem>>) src(%dma_wait3A_59 : memref<128xi32, #tpu.memory_space<hbm>>) dst(%arg17 : memref<128xi32, #tpu.memory_space<vmem>>)
      %gt3A = arith.constant 0 : i32
      %gt3A_60 = arith.cmpi sgt, %scan3A_44, %gt3A : i32
      %convert_element_type3A = arith.extui %gt3A_60 : i1 to i32
      %cond3A = arith.constant 0 : i32
      %cond3A_61 = arith.cmpi ne, %convert_element_type3A, %cond3A : i32
      scf.if %cond3A_61 {
        %dma_wait3A_127 = tpu.memref_slice %arg8[%add3A_51] : memref<131072xf32, #tpu.memory_space<hbm>> -> memref<128xf32, #tpu.memory_space<hbm>>
        %dma_wait3A_128 = tpu.memref_slice %arg8[%add3A_51] : memref<131072xf32, #tpu.memory_space<hbm>> -> memref<128xf32, #tpu.memory_space<hbm>>
        tpu.wait_dma2 semaphore(%arg34 : memref<!tpu.dma_semaphore, #tpu.memory_space<semaphore_mem>>) src(%arg22 : memref<128xf32, #tpu.memory_space<vmem>>) dst(%dma_wait3A_128 : memref<128xf32, #tpu.memory_space<hbm>>)
        %dma_wait3A_129 = tpu.memref_slice %arg9[%add3A_51] : memref<131072xf32, #tpu.memory_space<hbm>> -> memref<128xf32, #tpu.memory_space<hbm>>
        %dma_wait3A_130 = tpu.memref_slice %arg9[%add3A_51] : memref<131072xf32, #tpu.memory_space<hbm>> -> memref<128xf32, #tpu.memory_space<hbm>>
        tpu.wait_dma2 semaphore(%arg34 : memref<!tpu.dma_semaphore, #tpu.memory_space<semaphore_mem>>) src(%arg24 : memref<128xf32, #tpu.memory_space<vmem>>) dst(%dma_wait3A_130 : memref<128xf32, #tpu.memory_space<hbm>>)
        %dma_wait3A_131 = tpu.memref_slice %arg10[%add3A_51] : memref<131072xi32, #tpu.memory_space<hbm>> -> memref<128xi32, #tpu.memory_space<hbm>>
        %dma_wait3A_132 = tpu.memref_slice %arg10[%add3A_51] : memref<131072xi32, #tpu.memory_space<hbm>> -> memref<128xi32, #tpu.memory_space<hbm>>
        tpu.wait_dma2 semaphore(%arg34 : memref<!tpu.dma_semaphore, #tpu.memory_space<semaphore_mem>>) src(%arg26 : memref<128xi32, #tpu.memory_space<vmem>>) dst(%dma_wait3A_132 : memref<128xi32, #tpu.memory_space<hbm>>)
        %dma_wait3A_133 = tpu.memref_slice %arg11[%add3A_51] : memref<131072xf32, #tpu.memory_space<hbm>> -> memref<128xf32, #tpu.memory_space<hbm>>
        %dma_wait3A_134 = tpu.memref_slice %arg11[%add3A_51] : memref<131072xf32, #tpu.memory_space<hbm>> -> memref<128xf32, #tpu.memory_space<hbm>>
        tpu.wait_dma2 semaphore(%arg34 : memref<!tpu.dma_semaphore, #tpu.memory_space<semaphore_mem>>) src(%arg28 : memref<128xf32, #tpu.memory_space<vmem>>) dst(%dma_wait3A_134 : memref<128xf32, #tpu.memory_space<hbm>>)
        %dma_wait3A_135 = tpu.memref_slice %arg12[%add3A_51] : memref<131072xf32, #tpu.memory_space<hbm>> -> memref<128xf32, #tpu.memory_space<hbm>>
        %dma_wait3A_136 = tpu.memref_slice %arg12[%add3A_51] : memref<131072xf32, #tpu.memory_space<hbm>> -> memref<128xf32, #tpu.memory_space<hbm>>
        tpu.wait_dma2 semaphore(%arg34 : memref<!tpu.dma_semaphore, #tpu.memory_space<semaphore_mem>>) src(%arg30 : memref<128xf32, #tpu.memory_space<vmem>>) dst(%dma_wait3A_136 : memref<128xf32, #tpu.memory_space<hbm>>)
      } else {
      }
      %scan3A_62 = arith.constant 0 : i32
      %scan3A_63 = arith.constant 0 : i32
      %scan3A_64 = arith.constant 8 : i32
      %scan3A_65 = arith.addi %scan3A_63, %scan3A_64 : i32
      %scan3A_66 = arith.constant 1 : i32
      scf.for %scan3A_127 = %scan3A_63 to %scan3A_65 step %scan3A_66  : i32 {
        %iota3A = tpu.iota {dimensions = array<i32: 0>} : vector<16xi32>
        %mul3A_128 = arith.constant 16 : i32
        %mul3A_129 = arith.muli %scan3A_127, %mul3A_128 : i32
        %add3A_130 = vector.broadcast %mul3A_129 : i32 to vector<16xi32>
        %add3A_131 = arith.addi %iota3A, %add3A_130 : vector<16xi32>
        %mul3A_132 = arith.constant 16 : i32
        %mul3A_133 = arith.muli %scan3A_127, %mul3A_132 : i32
        %get3A = arith.index_cast %mul3A_133 : i32 to index
        %get3A_134 = tpu.vector_load %arg15[%get3A] {strides = array<i32>} : memref<128xi32, #tpu.memory_space<vmem>>, vector<16xi32>,
        %mul3A_135 = arith.constant 16 : i32
        %mul3A_136 = arith.muli %scan3A_127, %mul3A_135 : i32
        %get3A_137 = arith.index_cast %mul3A_136 : i32 to index
        %get3A_138 = tpu.vector_load %arg17[%get3A_137] {strides = array<i32>} : memref<128xi32, #tpu.memory_space<vmem>>, vector<16xi32>,
        %gather3A = tpu.vector_load_idx %arg19[%get3A_138] : memref<64xi32, #tpu.memory_space<vmem>>[vector<16xi32>], vector<16xi32>,
        %gather3A_139 = tpu.vector_load_idx %arg20[%gather3A] : memref<128xf32, #tpu.memory_space<vmem>>[vector<16xi32>], vector<16xf32>,
        %gather3A_140 = tpu.vector_load_idx %arg21[%gather3A] : memref<128xf32, #tpu.memory_space<vmem>>[vector<16xi32>], vector<16xf32>,
        %gather3A_141 = tpu.vector_load_idx %arg13[%add3A_131, %get3A_134] : memref<128x64xf32, #tpu.memory_space<vmem>>[vector<16xi32>, vector<16xi32>], vector<16xf32>,
        %broadcast_in_dim3A = arith.constant -1.000000e+00 : f32
        %broadcast_in_dim3A_142 = vector.broadcast %broadcast_in_dim3A : f32 to vector<16xf32>
        tpu.vector_store_idx %arg13[%add3A_131, %get3A_134], %broadcast_in_dim3A_142 : memref<128x64xf32, #tpu.memory_space<vmem>>[vector<16xi32>, vector<16xi32>], vector<16xf32>,
        %broadcast_in_dim3A_143 = arith.constant -1.000000e+00 : f32
        %broadcast_in_dim3A_144 = vector.broadcast %broadcast_in_dim3A_143 : f32 to vector<16xf32>
        %broadcast_in_dim3A_145 = arith.constant 64 : i32
        %broadcast_in_dim3A_146 = vector.broadcast %broadcast_in_dim3A_145 : i32 to vector<16xi32>
        %broadcast_in_dim3A_147 = arith.constant 0 : i32
        %broadcast_in_dim3A_148 = vector.broadcast %broadcast_in_dim3A_147 : i32 to vector<16xi32>
        %gather3A_149 = tpu.vector_load_idx %arg13[%add3A_131, %broadcast_in_dim3A_148] : memref<128x64xf32, #tpu.memory_space<vmem>>[vector<16xi32>, vector<16xi32>], vector<16xf32>,
        %gt3A_150 = arith.cmpf ogt, %gather3A_149, %broadcast_in_dim3A_144 : vector<16xf32>
        %select_n3A = arith.select %gt3A_150, %gather3A_149, %broadcast_in_dim3A_144 : vector<16xi1>, vector<16xf32>
        %jit3A = arith.constant 0 : i32
        %broadcast_in_dim3A_151 = vector.broadcast %jit3A : i32 to vector<16xi32>
        %select_n3A_152 = arith.select %gt3A_150, %broadcast_in_dim3A_151, %broadcast_in_dim3A_146 : vector<16xi1>, vector<16xi32>
        %broadcast_in_dim3A_153 = arith.constant 1 : i32
        %broadcast_in_dim3A_154 = vector.broadcast %broadcast_in_dim3A_153 : i32 to vector<16xi32>
        %gather3A_155 = tpu.vector_load_idx %arg13[%add3A_131, %broadcast_in_dim3A_154] : memref<128x64xf32, #tpu.memory_space<vmem>>[vector<16xi32>, vector<16xi32>], vector<16xf32>,
        %gt3A_156 = arith.cmpf ogt, %gather3A_155, %select_n3A : vector<16xf32>
        %select_n3A_157 = arith.select %gt3A_156, %gather3A_155, %select_n3A : vector<16xi1>, vector<16xf32>
        %jit3A_158 = arith.constant 1 : i32
        %broadcast_in_dim3A_159 = vector.broadcast %jit3A_158 : i32 to vector<16xi32>
        %select_n3A_160 = arith.select %gt3A_156, %broadcast_in_dim3A_159, %select_n3A_152 : vector<16xi1>, vector<16xi32>
        %broadcast_in_dim3A_161 = arith.constant 2 : i32
        %broadcast_in_dim3A_162 = vector.broadcast %broadcast_in_dim3A_161 : i32 to vector<16xi32>
        %gather3A_163 = tpu.vector_load_idx %arg13[%add3A_131, %broadcast_in_dim3A_162] : memref<128x64xf32, #tpu.memory_space<vmem>>[vector<16xi32>, vector<16xi32>], vector<16xf32>,
        %gt3A_164 = arith.cmpf ogt, %gather3A_163, %select_n3A_157 : vector<16xf32>
        %select_n3A_165 = arith.select %gt3A_164, %gather3A_163, %select_n3A_157 : vector<16xi1>, vector<16xf32>
        %jit3A_166 = arith.constant 2 : i32
        %broadcast_in_dim3A_167 = vector.broadcast %jit3A_166 : i32 to vector<16xi32>
        %select_n3A_168 = arith.select %gt3A_164, %broadcast_in_dim3A_167, %select_n3A_160 : vector<16xi1>, vector<16xi32>
        %broadcast_in_dim3A_169 = arith.constant 3 : i32
        %broadcast_in_dim3A_170 = vector.broadcast %broadcast_in_dim3A_169 : i32 to vector<16xi32>
        %gather3A_171 = tpu.vector_load_idx %arg13[%add3A_131, %broadcast_in_dim3A_170] : memref<128x64xf32, #tpu.memory_space<vmem>>[vector<16xi32>, vector<16xi32>], vector<16xf32>,
        %gt3A_172 = arith.cmpf ogt, %gather3A_171, %select_n3A_165 : vector<16xf32>
        %select_n3A_173 = arith.select %gt3A_172, %gather3A_171, %select_n3A_165 : vector<16xi1>, vector<16xf32>
        %jit3A_174 = arith.constant 3 : i32
        %broadcast_in_dim3A_175 = vector.broadcast %jit3A_174 : i32 to vector<16xi32>
        %select_n3A_176 = arith.select %gt3A_172, %broadcast_in_dim3A_175, %select_n3A_168 : vector<16xi1>, vector<16xi32>
        %broadcast_in_dim3A_177 = arith.constant 4 : i32
        %broadcast_in_dim3A_178 = vector.broadcast %broadcast_in_dim3A_177 : i32 to vector<16xi32>
        %gather3A_179 = tpu.vector_load_idx %arg13[%add3A_131, %broadcast_in_dim3A_178] : memref<128x64xf32, #tpu.memory_space<vmem>>[vector<16xi32>, vector<16xi32>], vector<16xf32>,
        %gt3A_180 = arith.cmpf ogt, %gather3A_179, %select_n3A_173 : vector<16xf32>
        %select_n3A_181 = arith.select %gt3A_180, %gather3A_179, %select_n3A_173 : vector<16xi1>, vector<16xf32>
        %jit3A_182 = arith.constant 4 : i32
        %broadcast_in_dim3A_183 = vector.broadcast %jit3A_182 : i32 to vector<16xi32>
        %select_n3A_184 = arith.select %gt3A_180, %broadcast_in_dim3A_183, %select_n3A_176 : vector<16xi1>, vector<16xi32>
        %broadcast_in_dim3A_185 = arith.constant 5 : i32
        %broadcast_in_dim3A_186 = vector.broadcast %broadcast_in_dim3A_185 : i32 to vector<16xi32>
        %gather3A_187 = tpu.vector_load_idx %arg13[%add3A_131, %broadcast_in_dim3A_186] : memref<128x64xf32, #tpu.memory_space<vmem>>[vector<16xi32>, vector<16xi32>], vector<16xf32>,
        %gt3A_188 = arith.cmpf ogt, %gather3A_187, %select_n3A_181 : vector<16xf32>
        %select_n3A_189 = arith.select %gt3A_188, %gather3A_187, %select_n3A_181 : vector<16xi1>, vector<16xf32>
        %jit3A_190 = arith.constant 5 : i32
        %broadcast_in_dim3A_191 = vector.broadcast %jit3A_190 : i32 to vector<16xi32>
        %select_n3A_192 = arith.select %gt3A_188, %broadcast_in_dim3A_191, %select_n3A_184 : vector<16xi1>, vector<16xi32>
        %broadcast_in_dim3A_193 = arith.constant 6 : i32
        %broadcast_in_dim3A_194 = vector.broadcast %broadcast_in_dim3A_193 : i32 to vector<16xi32>
        %gather3A_195 = tpu.vector_load_idx %arg13[%add3A_131, %broadcast_in_dim3A_194] : memref<128x64xf32, #tpu.memory_space<vmem>>[vector<16xi32>, vector<16xi32>], vector<16xf32>,
        %gt3A_196 = arith.cmpf ogt, %gather3A_195, %select_n3A_189 : vector<16xf32>
        %select_n3A_197 = arith.select %gt3A_196, %gather3A_195, %select_n3A_189 : vector<16xi1>, vector<16xf32>
        %jit3A_198 = arith.constant 6 : i32
        %broadcast_in_dim3A_199 = vector.broadcast %jit3A_198 : i32 to vector<16xi32>
        %select_n3A_200 = arith.select %gt3A_196, %broadcast_in_dim3A_199, %select_n3A_192 : vector<16xi1>, vector<16xi32>
        %broadcast_in_dim3A_201 = arith.constant 7 : i32
        %broadcast_in_dim3A_202 = vector.broadcast %broadcast_in_dim3A_201 : i32 to vector<16xi32>
        %gather3A_203 = tpu.vector_load_idx %arg13[%add3A_131, %broadcast_in_dim3A_202] : memref<128x64xf32, #tpu.memory_space<vmem>>[vector<16xi32>, vector<16xi32>], vector<16xf32>,
        %gt3A_204 = arith.cmpf ogt, %gather3A_203, %select_n3A_197 : vector<16xf32>
        %select_n3A_205 = arith.select %gt3A_204, %gather3A_203, %select_n3A_197 : vector<16xi1>, vector<16xf32>
        %jit3A_206 = arith.constant 7 : i32
        %broadcast_in_dim3A_207 = vector.broadcast %jit3A_206 : i32 to vector<16xi32>
        %select_n3A_208 = arith.select %gt3A_204, %broadcast_in_dim3A_207, %select_n3A_200 : vector<16xi1>, vector<16xi32>
        %broadcast_in_dim3A_209 = arith.constant 8 : i32
        %broadcast_in_dim3A_210 = vector.broadcast %broadcast_in_dim3A_209 : i32 to vector<16xi32>
        %gather3A_211 = tpu.vector_load_idx %arg13[%add3A_131, %broadcast_in_dim3A_210] : memref<128x64xf32, #tpu.memory_space<vmem>>[vector<16xi32>, vector<16xi32>], vector<16xf32>,
        %gt3A_212 = arith.cmpf ogt, %gather3A_211, %select_n3A_205 : vector<16xf32>
        %select_n3A_213 = arith.select %gt3A_212, %gather3A_211, %select_n3A_205 : vector<16xi1>, vector<16xf32>
        %jit3A_214 = arith.constant 8 : i32
        %broadcast_in_dim3A_215 = vector.broadcast %jit3A_214 : i32 to vector<16xi32>
        %select_n3A_216 = arith.select %gt3A_212, %broadcast_in_dim3A_215, %select_n3A_208 : vector<16xi1>, vector<16xi32>
        %broadcast_in_dim3A_217 = arith.constant 9 : i32
        %broadcast_in_dim3A_218 = vector.broadcast %broadcast_in_dim3A_217 : i32 to vector<16xi32>
        %gather3A_219 = tpu.vector_load_idx %arg13[%add3A_131, %broadcast_in_dim3A_218] : memref<128x64xf32, #tpu.memory_space<vmem>>[vector<16xi32>, vector<16xi32>], vector<16xf32>,
        %gt3A_220 = arith.cmpf ogt, %gather3A_219, %select_n3A_213 : vector<16xf32>
        %select_n3A_221 = arith.select %gt3A_220, %gather3A_219, %select_n3A_213 : vector<16xi1>, vector<16xf32>
        %jit3A_222 = arith.constant 9 : i32
        %broadcast_in_dim3A_223 = vector.broadcast %jit3A_222 : i32 to vector<16xi32>
        %select_n3A_224 = arith.select %gt3A_220, %broadcast_in_dim3A_223, %select_n3A_216 : vector<16xi1>, vector<16xi32>
        %broadcast_in_dim3A_225 = arith.constant 10 : i32
        %broadcast_in_dim3A_226 = vector.broadcast %broadcast_in_dim3A_225 : i32 to vector<16xi32>
        %gather3A_227 = tpu.vector_load_idx %arg13[%add3A_131, %broadcast_in_dim3A_226] : memref<128x64xf32, #tpu.memory_space<vmem>>[vector<16xi32>, vector<16xi32>], vector<16xf32>,
        %gt3A_228 = arith.cmpf ogt, %gather3A_227, %select_n3A_221 : vector<16xf32>
        %select_n3A_229 = arith.select %gt3A_228, %gather3A_227, %select_n3A_221 : vector<16xi1>, vector<16xf32>
        %jit3A_230 = arith.constant 10 : i32
        %broadcast_in_dim3A_231 = vector.broadcast %jit3A_230 : i32 to vector<16xi32>
        %select_n3A_232 = arith.select %gt3A_228, %broadcast_in_dim3A_231, %select_n3A_224 : vector<16xi1>, vector<16xi32>
        %broadcast_in_dim3A_233 = arith.constant 11 : i32
        %broadcast_in_dim3A_234 = vector.broadcast %broadcast_in_dim3A_233 : i32 to vector<16xi32>
        %gather3A_235 = tpu.vector_load_idx %arg13[%add3A_131, %broadcast_in_dim3A_234] : memref<128x64xf32, #tpu.memory_space<vmem>>[vector<16xi32>, vector<16xi32>], vector<16xf32>,
        %gt3A_236 = arith.cmpf ogt, %gather3A_235, %select_n3A_229 : vector<16xf32>
        %select_n3A_237 = arith.select %gt3A_236, %gather3A_235, %select_n3A_229 : vector<16xi1>, vector<16xf32>
        %jit3A_238 = arith.constant 11 : i32
        %broadcast_in_dim3A_239 = vector.broadcast %jit3A_238 : i32 to vector<16xi32>
        %select_n3A_240 = arith.select %gt3A_236, %broadcast_in_dim3A_239, %select_n3A_232 : vector<16xi1>, vector<16xi32>
        %broadcast_in_dim3A_241 = arith.constant 12 : i32
        %broadcast_in_dim3A_242 = vector.broadcast %broadcast_in_dim3A_241 : i32 to vector<16xi32>
        %gather3A_243 = tpu.vector_load_idx %arg13[%add3A_131, %broadcast_in_dim3A_242] : memref<128x64xf32, #tpu.memory_space<vmem>>[vector<16xi32>, vector<16xi32>], vector<16xf32>,
        %gt3A_244 = arith.cmpf ogt, %gather3A_243, %select_n3A_237 : vector<16xf32>
        %select_n3A_245 = arith.select %gt3A_244, %gather3A_243, %select_n3A_237 : vector<16xi1>, vector<16xf32>
        %jit3A_246 = arith.constant 12 : i32
        %broadcast_in_dim3A_247 = vector.broadcast %jit3A_246 : i32 to vector<16xi32>
        %select_n3A_248 = arith.select %gt3A_244, %broadcast_in_dim3A_247, %select_n3A_240 : vector<16xi1>, vector<16xi32>
        %broadcast_in_dim3A_249 = arith.constant 13 : i32
        %broadcast_in_dim3A_250 = vector.broadcast %broadcast_in_dim3A_249 : i32 to vector<16xi32>
        %gather3A_251 = tpu.vector_load_idx %arg13[%add3A_131, %broadcast_in_dim3A_250] : memref<128x64xf32, #tpu.memory_space<vmem>>[vector<16xi32>, vector<16xi32>], vector<16xf32>,
        %gt3A_252 = arith.cmpf ogt, %gather3A_251, %select_n3A_245 : vector<16xf32>
        %select_n3A_253 = arith.select %gt3A_252, %gather3A_251, %select_n3A_245 : vector<16xi1>, vector<16xf32>
        %jit3A_254 = arith.constant 13 : i32
        %broadcast_in_dim3A_255 = vector.broadcast %jit3A_254 : i32 to vector<16xi32>
        %select_n3A_256 = arith.select %gt3A_252, %broadcast_in_dim3A_255, %select_n3A_248 : vector<16xi1>, vector<16xi32>
        %broadcast_in_dim3A_257 = arith.constant 14 : i32
        %broadcast_in_dim3A_258 = vector.broadcast %broadcast_in_dim3A_257 : i32 to vector<16xi32>
        %gather3A_259 = tpu.vector_load_idx %arg13[%add3A_131, %broadcast_in_dim3A_258] : memref<128x64xf32, #tpu.memory_space<vmem>>[vector<16xi32>, vector<16xi32>], vector<16xf32>,
        %gt3A_260 = arith.cmpf ogt, %gather3A_259, %select_n3A_253 : vector<16xf32>
        %select_n3A_261 = arith.select %gt3A_260, %gather3A_259, %select_n3A_253 : vector<16xi1>, vector<16xf32>
        %jit3A_262 = arith.constant 14 : i32
        %broadcast_in_dim3A_263 = vector.broadcast %jit3A_262 : i32 to vector<16xi32>
        %select_n3A_264 = arith.select %gt3A_260, %broadcast_in_dim3A_263, %select_n3A_256 : vector<16xi1>, vector<16xi32>
        %broadcast_in_dim3A_265 = arith.constant 15 : i32
        %broadcast_in_dim3A_266 = vector.broadcast %broadcast_in_dim3A_265 : i32 to vector<16xi32>
        %gather3A_267 = tpu.vector_load_idx %arg13[%add3A_131, %broadcast_in_dim3A_266] : memref<128x64xf32, #tpu.memory_space<vmem>>[vector<16xi32>, vector<16xi32>], vector<16xf32>,
        %gt3A_268 = arith.cmpf ogt, %gather3A_267, %select_n3A_261 : vector<16xf32>
        %select_n3A_269 = arith.select %gt3A_268, %gather3A_267, %select_n3A_261 : vector<16xi1>, vector<16xf32>
        %jit3A_270 = arith.constant 15 : i32
        %broadcast_in_dim3A_271 = vector.broadcast %jit3A_270 : i32 to vector<16xi32>
        %select_n3A_272 = arith.select %gt3A_268, %broadcast_in_dim3A_271, %select_n3A_264 : vector<16xi1>, vector<16xi32>
        %broadcast_in_dim3A_273 = arith.constant -1.000000e+00 : f32
        %broadcast_in_dim3A_274 = vector.broadcast %broadcast_in_dim3A_273 : f32 to vector<16xf32>
        %broadcast_in_dim3A_275 = arith.constant 64 : i32
        %broadcast_in_dim3A_276 = vector.broadcast %broadcast_in_dim3A_275 : i32 to vector<16xi32>
        %broadcast_in_dim3A_277 = arith.constant 16 : i32
        %broadcast_in_dim3A_278 = vector.broadcast %broadcast_in_dim3A_277 : i32 to vector<16xi32>
        %gather3A_279 = tpu.vector_load_idx %arg13[%add3A_131, %broadcast_in_dim3A_278] : memref<128x64xf32, #tpu.memory_space<vmem>>[vector<16xi32>, vector<16xi32>], vector<16xf32>,
        %gt3A_280 = arith.cmpf ogt, %gather3A_279, %broadcast_in_dim3A_274 : vector<16xf32>
        %select_n3A_281 = arith.select %gt3A_280, %gather3A_279, %broadcast_in_dim3A_274 : vector<16xi1>, vector<16xf32>
        %jit3A_282 = arith.constant 16 : i32
        %broadcast_in_dim3A_283 = vector.broadcast %jit3A_282 : i32 to vector<16xi32>
        %select_n3A_284 = arith.select %gt3A_280, %broadcast_in_dim3A_283, %broadcast_in_dim3A_276 : vector<16xi1>, vector<16xi32>
        %broadcast_in_dim3A_285 = arith.constant 17 : i32
        %broadcast_in_dim3A_286 = vector.broadcast %broadcast_in_dim3A_285 : i32 to vector<16xi32>
        %gather3A_287 = tpu.vector_load_idx %arg13[%add3A_131, %broadcast_in_dim3A_286] : memref<128x64xf32, #tpu.memory_space<vmem>>[vector<16xi32>, vector<16xi32>], vector<16xf32>,
        %gt3A_288 = arith.cmpf ogt, %gather3A_287, %select_n3A_281 : vector<16xf32>
        %select_n3A_289 = arith.select %gt3A_288, %gather3A_287, %select_n3A_281 : vector<16xi1>, vector<16xf32>
        %jit3A_290 = arith.constant 17 : i32
        %broadcast_in_dim3A_291 = vector.broadcast %jit3A_290 : i32 to vector<16xi32>
        %select_n3A_292 = arith.select %gt3A_288, %broadcast_in_dim3A_291, %select_n3A_284 : vector<16xi1>, vector<16xi32>
        %broadcast_in_dim3A_293 = arith.constant 18 : i32
        %broadcast_in_dim3A_294 = vector.broadcast %broadcast_in_dim3A_293 : i32 to vector<16xi32>
        %gather3A_295 = tpu.vector_load_idx %arg13[%add3A_131, %broadcast_in_dim3A_294] : memref<128x64xf32, #tpu.memory_space<vmem>>[vector<16xi32>, vector<16xi32>], vector<16xf32>,
        %gt3A_296 = arith.cmpf ogt, %gather3A_295, %select_n3A_289 : vector<16xf32>
        %select_n3A_297 = arith.select %gt3A_296, %gather3A_295, %select_n3A_289 : vector<16xi1>, vector<16xf32>
        %jit3A_298 = arith.constant 18 : i32
        %broadcast_in_dim3A_299 = vector.broadcast %jit3A_298 : i32 to vector<16xi32>
        %select_n3A_300 = arith.select %gt3A_296, %broadcast_in_dim3A_299, %select_n3A_292 : vector<16xi1>, vector<16xi32>
        %broadcast_in_dim3A_301 = arith.constant 19 : i32
        %broadcast_in_dim3A_302 = vector.broadcast %broadcast_in_dim3A_301 : i32 to vector<16xi32>
        %gather3A_303 = tpu.vector_load_idx %arg13[%add3A_131, %broadcast_in_dim3A_302] : memref<128x64xf32, #tpu.memory_space<vmem>>[vector<16xi32>, vector<16xi32>], vector<16xf32>,
        %gt3A_304 = arith.cmpf ogt, %gather3A_303, %select_n3A_297 : vector<16xf32>
        %select_n3A_305 = arith.select %gt3A_304, %gather3A_303, %select_n3A_297 : vector<16xi1>, vector<16xf32>
        %jit3A_306 = arith.constant 19 : i32
        %broadcast_in_dim3A_307 = vector.broadcast %jit3A_306 : i32 to vector<16xi32>
        %select_n3A_308 = arith.select %gt3A_304, %broadcast_in_dim3A_307, %select_n3A_300 : vector<16xi1>, vector<16xi32>
        %broadcast_in_dim3A_309 = arith.constant 20 : i32
        %broadcast_in_dim3A_310 = vector.broadcast %broadcast_in_dim3A_309 : i32 to vector<16xi32>
        %gather3A_311 = tpu.vector_load_idx %arg13[%add3A_131, %broadcast_in_dim3A_310] : memref<128x64xf32, #tpu.memory_space<vmem>>[vector<16xi32>, vector<16xi32>], vector<16xf32>,
        %gt3A_312 = arith.cmpf ogt, %gather3A_311, %select_n3A_305 : vector<16xf32>
        %select_n3A_313 = arith.select %gt3A_312, %gather3A_311, %select_n3A_305 : vector<16xi1>, vector<16xf32>
        %jit3A_314 = arith.constant 20 : i32
        %broadcast_in_dim3A_315 = vector.broadcast %jit3A_314 : i32 to vector<16xi32>
        %select_n3A_316 = arith.select %gt3A_312, %broadcast_in_dim3A_315, %select_n3A_308 : vector<16xi1>, vector<16xi32>
        %broadcast_in_dim3A_317 = arith.constant 21 : i32
        %broadcast_in_dim3A_318 = vector.broadcast %broadcast_in_dim3A_317 : i32 to vector<16xi32>
        %gather3A_319 = tpu.vector_load_idx %arg13[%add3A_131, %broadcast_in_dim3A_318] : memref<128x64xf32, #tpu.memory_space<vmem>>[vector<16xi32>, vector<16xi32>], vector<16xf32>,
        %gt3A_320 = arith.cmpf ogt, %gather3A_319, %select_n3A_313 : vector<16xf32>
        %select_n3A_321 = arith.select %gt3A_320, %gather3A_319, %select_n3A_313 : vector<16xi1>, vector<16xf32>
        %jit3A_322 = arith.constant 21 : i32
        %broadcast_in_dim3A_323 = vector.broadcast %jit3A_322 : i32 to vector<16xi32>
        %select_n3A_324 = arith.select %gt3A_320, %broadcast_in_dim3A_323, %select_n3A_316 : vector<16xi1>, vector<16xi32>
        %broadcast_in_dim3A_325 = arith.constant 22 : i32
        %broadcast_in_dim3A_326 = vector.broadcast %broadcast_in_dim3A_325 : i32 to vector<16xi32>
        %gather3A_327 = tpu.vector_load_idx %arg13[%add3A_131, %broadcast_in_dim3A_326] : memref<128x64xf32, #tpu.memory_space<vmem>>[vector<16xi32>, vector<16xi32>], vector<16xf32>,
        %gt3A_328 = arith.cmpf ogt, %gather3A_327, %select_n3A_321 : vector<16xf32>
        %select_n3A_329 = arith.select %gt3A_328, %gather3A_327, %select_n3A_321 : vector<16xi1>, vector<16xf32>
        %jit3A_330 = arith.constant 22 : i32
        %broadcast_in_dim3A_331 = vector.broadcast %jit3A_330 : i32 to vector<16xi32>
        %select_n3A_332 = arith.select %gt3A_328, %broadcast_in_dim3A_331, %select_n3A_324 : vector<16xi1>, vector<16xi32>
        %broadcast_in_dim3A_333 = arith.constant 23 : i32
        %broadcast_in_dim3A_334 = vector.broadcast %broadcast_in_dim3A_333 : i32 to vector<16xi32>
        %gather3A_335 = tpu.vector_load_idx %arg13[%add3A_131, %broadcast_in_dim3A_334] : memref<128x64xf32, #tpu.memory_space<vmem>>[vector<16xi32>, vector<16xi32>], vector<16xf32>,
        %gt3A_336 = arith.cmpf ogt, %gather3A_335, %select_n3A_329 : vector<16xf32>
        %select_n3A_337 = arith.select %gt3A_336, %gather3A_335, %select_n3A_329 : vector<16xi1>, vector<16xf32>
        %jit3A_338 = arith.constant 23 : i32
        %broadcast_in_dim3A_339 = vector.broadcast %jit3A_338 : i32 to vector<16xi32>
        %select_n3A_340 = arith.select %gt3A_336, %broadcast_in_dim3A_339, %select_n3A_332 : vector<16xi1>, vector<16xi32>
        %broadcast_in_dim3A_341 = arith.constant 24 : i32
        %broadcast_in_dim3A_342 = vector.broadcast %broadcast_in_dim3A_341 : i32 to vector<16xi32>
        %gather3A_343 = tpu.vector_load_idx %arg13[%add3A_131, %broadcast_in_dim3A_342] : memref<128x64xf32, #tpu.memory_space<vmem>>[vector<16xi32>, vector<16xi32>], vector<16xf32>,
        %gt3A_344 = arith.cmpf ogt, %gather3A_343, %select_n3A_337 : vector<16xf32>
        %select_n3A_345 = arith.select %gt3A_344, %gather3A_343, %select_n3A_337 : vector<16xi1>, vector<16xf32>
        %jit3A_346 = arith.constant 24 : i32
        %broadcast_in_dim3A_347 = vector.broadcast %jit3A_346 : i32 to vector<16xi32>
        %select_n3A_348 = arith.select %gt3A_344, %broadcast_in_dim3A_347, %select_n3A_340 : vector<16xi1>, vector<16xi32>
        %broadcast_in_dim3A_349 = arith.constant 25 : i32
        %broadcast_in_dim3A_350 = vector.broadcast %broadcast_in_dim3A_349 : i32 to vector<16xi32>
        %gather3A_351 = tpu.vector_load_idx %arg13[%add3A_131, %broadcast_in_dim3A_350] : memref<128x64xf32, #tpu.memory_space<vmem>>[vector<16xi32>, vector<16xi32>], vector<16xf32>,
        %gt3A_352 = arith.cmpf ogt, %gather3A_351, %select_n3A_345 : vector<16xf32>
        %select_n3A_353 = arith.select %gt3A_352, %gather3A_351, %select_n3A_345 : vector<16xi1>, vector<16xf32>
        %jit3A_354 = arith.constant 25 : i32
        %broadcast_in_dim3A_355 = vector.broadcast %jit3A_354 : i32 to vector<16xi32>
        %select_n3A_356 = arith.select %gt3A_352, %broadcast_in_dim3A_355, %select_n3A_348 : vector<16xi1>, vector<16xi32>
        %broadcast_in_dim3A_357 = arith.constant 26 : i32
        %broadcast_in_dim3A_358 = vector.broadcast %broadcast_in_dim3A_357 : i32 to vector<16xi32>
        %gather3A_359 = tpu.vector_load_idx %arg13[%add3A_131, %broadcast_in_dim3A_358] : memref<128x64xf32, #tpu.memory_space<vmem>>[vector<16xi32>, vector<16xi32>], vector<16xf32>,
        %gt3A_360 = arith.cmpf ogt, %gather3A_359, %select_n3A_353 : vector<16xf32>
        %select_n3A_361 = arith.select %gt3A_360, %gather3A_359, %select_n3A_353 : vector<16xi1>, vector<16xf32>
        %jit3A_362 = arith.constant 26 : i32
        %broadcast_in_dim3A_363 = vector.broadcast %jit3A_362 : i32 to vector<16xi32>
        %select_n3A_364 = arith.select %gt3A_360, %broadcast_in_dim3A_363, %select_n3A_356 : vector<16xi1>, vector<16xi32>
        %broadcast_in_dim3A_365 = arith.constant 27 : i32
        %broadcast_in_dim3A_366 = vector.broadcast %broadcast_in_dim3A_365 : i32 to vector<16xi32>
        %gather3A_367 = tpu.vector_load_idx %arg13[%add3A_131, %broadcast_in_dim3A_366] : memref<128x64xf32, #tpu.memory_space<vmem>>[vector<16xi32>, vector<16xi32>], vector<16xf32>,
        %gt3A_368 = arith.cmpf ogt, %gather3A_367, %select_n3A_361 : vector<16xf32>
        %select_n3A_369 = arith.select %gt3A_368, %gather3A_367, %select_n3A_361 : vector<16xi1>, vector<16xf32>
        %jit3A_370 = arith.constant 27 : i32
        %broadcast_in_dim3A_371 = vector.broadcast %jit3A_370 : i32 to vector<16xi32>
        %select_n3A_372 = arith.select %gt3A_368, %broadcast_in_dim3A_371, %select_n3A_364 : vector<16xi1>, vector<16xi32>
        %broadcast_in_dim3A_373 = arith.constant 28 : i32
        %broadcast_in_dim3A_374 = vector.broadcast %broadcast_in_dim3A_373 : i32 to vector<16xi32>
        %gather3A_375 = tpu.vector_load_idx %arg13[%add3A_131, %broadcast_in_dim3A_374] : memref<128x64xf32, #tpu.memory_space<vmem>>[vector<16xi32>, vector<16xi32>], vector<16xf32>,
        %gt3A_376 = arith.cmpf ogt, %gather3A_375, %select_n3A_369 : vector<16xf32>
        %select_n3A_377 = arith.select %gt3A_376, %gather3A_375, %select_n3A_369 : vector<16xi1>, vector<16xf32>
        %jit3A_378 = arith.constant 28 : i32
        %broadcast_in_dim3A_379 = vector.broadcast %jit3A_378 : i32 to vector<16xi32>
        %select_n3A_380 = arith.select %gt3A_376, %broadcast_in_dim3A_379, %select_n3A_372 : vector<16xi1>, vector<16xi32>
        %broadcast_in_dim3A_381 = arith.constant 29 : i32
        %broadcast_in_dim3A_382 = vector.broadcast %broadcast_in_dim3A_381 : i32 to vector<16xi32>
        %gather3A_383 = tpu.vector_load_idx %arg13[%add3A_131, %broadcast_in_dim3A_382] : memref<128x64xf32, #tpu.memory_space<vmem>>[vector<16xi32>, vector<16xi32>], vector<16xf32>,
        %gt3A_384 = arith.cmpf ogt, %gather3A_383, %select_n3A_377 : vector<16xf32>
        %select_n3A_385 = arith.select %gt3A_384, %gather3A_383, %select_n3A_377 : vector<16xi1>, vector<16xf32>
        %jit3A_386 = arith.constant 29 : i32
        %broadcast_in_dim3A_387 = vector.broadcast %jit3A_386 : i32 to vector<16xi32>
        %select_n3A_388 = arith.select %gt3A_384, %broadcast_in_dim3A_387, %select_n3A_380 : vector<16xi1>, vector<16xi32>
        %broadcast_in_dim3A_389 = arith.constant 30 : i32
        %broadcast_in_dim3A_390 = vector.broadcast %broadcast_in_dim3A_389 : i32 to vector<16xi32>
        %gather3A_391 = tpu.vector_load_idx %arg13[%add3A_131, %broadcast_in_dim3A_390] : memref<128x64xf32, #tpu.memory_space<vmem>>[vector<16xi32>, vector<16xi32>], vector<16xf32>,
        %gt3A_392 = arith.cmpf ogt, %gather3A_391, %select_n3A_385 : vector<16xf32>
        %select_n3A_393 = arith.select %gt3A_392, %gather3A_391, %select_n3A_385 : vector<16xi1>, vector<16xf32>
        %jit3A_394 = arith.constant 30 : i32
        %broadcast_in_dim3A_395 = vector.broadcast %jit3A_394 : i32 to vector<16xi32>
        %select_n3A_396 = arith.select %gt3A_392, %broadcast_in_dim3A_395, %select_n3A_388 : vector<16xi1>, vector<16xi32>
        %broadcast_in_dim3A_397 = arith.constant 31 : i32
        %broadcast_in_dim3A_398 = vector.broadcast %broadcast_in_dim3A_397 : i32 to vector<16xi32>
        %gather3A_399 = tpu.vector_load_idx %arg13[%add3A_131, %broadcast_in_dim3A_398] : memref<128x64xf32, #tpu.memory_space<vmem>>[vector<16xi32>, vector<16xi32>], vector<16xf32>,
        %gt3A_400 = arith.cmpf ogt, %gather3A_399, %select_n3A_393 : vector<16xf32>
        %select_n3A_401 = arith.select %gt3A_400, %gather3A_399, %select_n3A_393 : vector<16xi1>, vector<16xf32>
        %jit3A_402 = arith.constant 31 : i32
        %broadcast_in_dim3A_403 = vector.broadcast %jit3A_402 : i32 to vector<16xi32>
        %select_n3A_404 = arith.select %gt3A_400, %broadcast_in_dim3A_403, %select_n3A_396 : vector<16xi1>, vector<16xi32>
        %broadcast_in_dim3A_405 = arith.constant -1.000000e+00 : f32
        %broadcast_in_dim3A_406 = vector.broadcast %broadcast_in_dim3A_405 : f32 to vector<16xf32>
        %broadcast_in_dim3A_407 = arith.constant 64 : i32
        %broadcast_in_dim3A_408 = vector.broadcast %broadcast_in_dim3A_407 : i32 to vector<16xi32>
        %broadcast_in_dim3A_409 = arith.constant 32 : i32
        %broadcast_in_dim3A_410 = vector.broadcast %broadcast_in_dim3A_409 : i32 to vector<16xi32>
        %gather3A_411 = tpu.vector_load_idx %arg13[%add3A_131, %broadcast_in_dim3A_410] : memref<128x64xf32, #tpu.memory_space<vmem>>[vector<16xi32>, vector<16xi32>], vector<16xf32>,
        %gt3A_412 = arith.cmpf ogt, %gather3A_411, %broadcast_in_dim3A_406 : vector<16xf32>
        %select_n3A_413 = arith.select %gt3A_412, %gather3A_411, %broadcast_in_dim3A_406 : vector<16xi1>, vector<16xf32>
        %jit3A_414 = arith.constant 32 : i32
        %broadcast_in_dim3A_415 = vector.broadcast %jit3A_414 : i32 to vector<16xi32>
        %select_n3A_416 = arith.select %gt3A_412, %broadcast_in_dim3A_415, %broadcast_in_dim3A_408 : vector<16xi1>, vector<16xi32>
        %broadcast_in_dim3A_417 = arith.constant 33 : i32
        %broadcast_in_dim3A_418 = vector.broadcast %broadcast_in_dim3A_417 : i32 to vector<16xi32>
        %gather3A_419 = tpu.vector_load_idx %arg13[%add3A_131, %broadcast_in_dim3A_418] : memref<128x64xf32, #tpu.memory_space<vmem>>[vector<16xi32>, vector<16xi32>], vector<16xf32>,
        %gt3A_420 = arith.cmpf ogt, %gather3A_419, %select_n3A_413 : vector<16xf32>
        %select_n3A_421 = arith.select %gt3A_420, %gather3A_419, %select_n3A_413 : vector<16xi1>, vector<16xf32>
        %jit3A_422 = arith.constant 33 : i32
        %broadcast_in_dim3A_423 = vector.broadcast %jit3A_422 : i32 to vector<16xi32>
        %select_n3A_424 = arith.select %gt3A_420, %broadcast_in_dim3A_423, %select_n3A_416 : vector<16xi1>, vector<16xi32>
        %broadcast_in_dim3A_425 = arith.constant 34 : i32
        %broadcast_in_dim3A_426 = vector.broadcast %broadcast_in_dim3A_425 : i32 to vector<16xi32>
        %gather3A_427 = tpu.vector_load_idx %arg13[%add3A_131, %broadcast_in_dim3A_426] : memref<128x64xf32, #tpu.memory_space<vmem>>[vector<16xi32>, vector<16xi32>], vector<16xf32>,
        %gt3A_428 = arith.cmpf ogt, %gather3A_427, %select_n3A_421 : vector<16xf32>
        %select_n3A_429 = arith.select %gt3A_428, %gather3A_427, %select_n3A_421 : vector<16xi1>, vector<16xf32>
        %jit3A_430 = arith.constant 34 : i32
        %broadcast_in_dim3A_431 = vector.broadcast %jit3A_430 : i32 to vector<16xi32>
        %select_n3A_432 = arith.select %gt3A_428, %broadcast_in_dim3A_431, %select_n3A_424 : vector<16xi1>, vector<16xi32>
        %broadcast_in_dim3A_433 = arith.constant 35 : i32
        %broadcast_in_dim3A_434 = vector.broadcast %broadcast_in_dim3A_433 : i32 to vector<16xi32>
        %gather3A_435 = tpu.vector_load_idx %arg13[%add3A_131, %broadcast_in_dim3A_434] : memref<128x64xf32, #tpu.memory_space<vmem>>[vector<16xi32>, vector<16xi32>], vector<16xf32>,
        %gt3A_436 = arith.cmpf ogt, %gather3A_435, %select_n3A_429 : vector<16xf32>
        %select_n3A_437 = arith.select %gt3A_436, %gather3A_435, %select_n3A_429 : vector<16xi1>, vector<16xf32>
        %jit3A_438 = arith.constant 35 : i32
        %broadcast_in_dim3A_439 = vector.broadcast %jit3A_438 : i32 to vector<16xi32>
        %select_n3A_440 = arith.select %gt3A_436, %broadcast_in_dim3A_439, %select_n3A_432 : vector<16xi1>, vector<16xi32>
        %broadcast_in_dim3A_441 = arith.constant 36 : i32
        %broadcast_in_dim3A_442 = vector.broadcast %broadcast_in_dim3A_441 : i32 to vector<16xi32>
        %gather3A_443 = tpu.vector_load_idx %arg13[%add3A_131, %broadcast_in_dim3A_442] : memref<128x64xf32, #tpu.memory_space<vmem>>[vector<16xi32>, vector<16xi32>], vector<16xf32>,
        %gt3A_444 = arith.cmpf ogt, %gather3A_443, %select_n3A_437 : vector<16xf32>
        %select_n3A_445 = arith.select %gt3A_444, %gather3A_443, %select_n3A_437 : vector<16xi1>, vector<16xf32>
        %jit3A_446 = arith.constant 36 : i32
        %broadcast_in_dim3A_447 = vector.broadcast %jit3A_446 : i32 to vector<16xi32>
        %select_n3A_448 = arith.select %gt3A_444, %broadcast_in_dim3A_447, %select_n3A_440 : vector<16xi1>, vector<16xi32>
        %broadcast_in_dim3A_449 = arith.constant 37 : i32
        %broadcast_in_dim3A_450 = vector.broadcast %broadcast_in_dim3A_449 : i32 to vector<16xi32>
        %gather3A_451 = tpu.vector_load_idx %arg13[%add3A_131, %broadcast_in_dim3A_450] : memref<128x64xf32, #tpu.memory_space<vmem>>[vector<16xi32>, vector<16xi32>], vector<16xf32>,
        %gt3A_452 = arith.cmpf ogt, %gather3A_451, %select_n3A_445 : vector<16xf32>
        %select_n3A_453 = arith.select %gt3A_452, %gather3A_451, %select_n3A_445 : vector<16xi1>, vector<16xf32>
        %jit3A_454 = arith.constant 37 : i32
        %broadcast_in_dim3A_455 = vector.broadcast %jit3A_454 : i32 to vector<16xi32>
        %select_n3A_456 = arith.select %gt3A_452, %broadcast_in_dim3A_455, %select_n3A_448 : vector<16xi1>, vector<16xi32>
        %broadcast_in_dim3A_457 = arith.constant 38 : i32
        %broadcast_in_dim3A_458 = vector.broadcast %broadcast_in_dim3A_457 : i32 to vector<16xi32>
        %gather3A_459 = tpu.vector_load_idx %arg13[%add3A_131, %broadcast_in_dim3A_458] : memref<128x64xf32, #tpu.memory_space<vmem>>[vector<16xi32>, vector<16xi32>], vector<16xf32>,
        %gt3A_460 = arith.cmpf ogt, %gather3A_459, %select_n3A_453 : vector<16xf32>
        %select_n3A_461 = arith.select %gt3A_460, %gather3A_459, %select_n3A_453 : vector<16xi1>, vector<16xf32>
        %jit3A_462 = arith.constant 38 : i32
        %broadcast_in_dim3A_463 = vector.broadcast %jit3A_462 : i32 to vector<16xi32>
        %select_n3A_464 = arith.select %gt3A_460, %broadcast_in_dim3A_463, %select_n3A_456 : vector<16xi1>, vector<16xi32>
        %broadcast_in_dim3A_465 = arith.constant 39 : i32
        %broadcast_in_dim3A_466 = vector.broadcast %broadcast_in_dim3A_465 : i32 to vector<16xi32>
        %gather3A_467 = tpu.vector_load_idx %arg13[%add3A_131, %broadcast_in_dim3A_466] : memref<128x64xf32, #tpu.memory_space<vmem>>[vector<16xi32>, vector<16xi32>], vector<16xf32>,
        %gt3A_468 = arith.cmpf ogt, %gather3A_467, %select_n3A_461 : vector<16xf32>
        %select_n3A_469 = arith.select %gt3A_468, %gather3A_467, %select_n3A_461 : vector<16xi1>, vector<16xf32>
        %jit3A_470 = arith.constant 39 : i32
        %broadcast_in_dim3A_471 = vector.broadcast %jit3A_470 : i32 to vector<16xi32>
        %select_n3A_472 = arith.select %gt3A_468, %broadcast_in_dim3A_471, %select_n3A_464 : vector<16xi1>, vector<16xi32>
        %broadcast_in_dim3A_473 = arith.constant 40 : i32
        %broadcast_in_dim3A_474 = vector.broadcast %broadcast_in_dim3A_473 : i32 to vector<16xi32>
        %gather3A_475 = tpu.vector_load_idx %arg13[%add3A_131, %broadcast_in_dim3A_474] : memref<128x64xf32, #tpu.memory_space<vmem>>[vector<16xi32>, vector<16xi32>], vector<16xf32>,
        %gt3A_476 = arith.cmpf ogt, %gather3A_475, %select_n3A_469 : vector<16xf32>
        %select_n3A_477 = arith.select %gt3A_476, %gather3A_475, %select_n3A_469 : vector<16xi1>, vector<16xf32>
        %jit3A_478 = arith.constant 40 : i32
        %broadcast_in_dim3A_479 = vector.broadcast %jit3A_478 : i32 to vector<16xi32>
        %select_n3A_480 = arith.select %gt3A_476, %broadcast_in_dim3A_479, %select_n3A_472 : vector<16xi1>, vector<16xi32>
        %broadcast_in_dim3A_481 = arith.constant 41 : i32
        %broadcast_in_dim3A_482 = vector.broadcast %broadcast_in_dim3A_481 : i32 to vector<16xi32>
        %gather3A_483 = tpu.vector_load_idx %arg13[%add3A_131, %broadcast_in_dim3A_482] : memref<128x64xf32, #tpu.memory_space<vmem>>[vector<16xi32>, vector<16xi32>], vector<16xf32>,
        %gt3A_484 = arith.cmpf ogt, %gather3A_483, %select_n3A_477 : vector<16xf32>
        %select_n3A_485 = arith.select %gt3A_484, %gather3A_483, %select_n3A_477 : vector<16xi1>, vector<16xf32>
        %jit3A_486 = arith.constant 41 : i32
        %broadcast_in_dim3A_487 = vector.broadcast %jit3A_486 : i32 to vector<16xi32>
        %select_n3A_488 = arith.select %gt3A_484, %broadcast_in_dim3A_487, %select_n3A_480 : vector<16xi1>, vector<16xi32>
        %broadcast_in_dim3A_489 = arith.constant 42 : i32
        %broadcast_in_dim3A_490 = vector.broadcast %broadcast_in_dim3A_489 : i32 to vector<16xi32>
        %gather3A_491 = tpu.vector_load_idx %arg13[%add3A_131, %broadcast_in_dim3A_490] : memref<128x64xf32, #tpu.memory_space<vmem>>[vector<16xi32>, vector<16xi32>], vector<16xf32>,
        %gt3A_492 = arith.cmpf ogt, %gather3A_491, %select_n3A_485 : vector<16xf32>
        %select_n3A_493 = arith.select %gt3A_492, %gather3A_491, %select_n3A_485 : vector<16xi1>, vector<16xf32>
        %jit3A_494 = arith.constant 42 : i32
        %broadcast_in_dim3A_495 = vector.broadcast %jit3A_494 : i32 to vector<16xi32>
        %select_n3A_496 = arith.select %gt3A_492, %broadcast_in_dim3A_495, %select_n3A_488 : vector<16xi1>, vector<16xi32>
        %broadcast_in_dim3A_497 = arith.constant 43 : i32
        %broadcast_in_dim3A_498 = vector.broadcast %broadcast_in_dim3A_497 : i32 to vector<16xi32>
        %gather3A_499 = tpu.vector_load_idx %arg13[%add3A_131, %broadcast_in_dim3A_498] : memref<128x64xf32, #tpu.memory_space<vmem>>[vector<16xi32>, vector<16xi32>], vector<16xf32>,
        %gt3A_500 = arith.cmpf ogt, %gather3A_499, %select_n3A_493 : vector<16xf32>
        %select_n3A_501 = arith.select %gt3A_500, %gather3A_499, %select_n3A_493 : vector<16xi1>, vector<16xf32>
        %jit3A_502 = arith.constant 43 : i32
        %broadcast_in_dim3A_503 = vector.broadcast %jit3A_502 : i32 to vector<16xi32>
        %select_n3A_504 = arith.select %gt3A_500, %broadcast_in_dim3A_503, %select_n3A_496 : vector<16xi1>, vector<16xi32>
        %broadcast_in_dim3A_505 = arith.constant 44 : i32
        %broadcast_in_dim3A_506 = vector.broadcast %broadcast_in_dim3A_505 : i32 to vector<16xi32>
        %gather3A_507 = tpu.vector_load_idx %arg13[%add3A_131, %broadcast_in_dim3A_506] : memref<128x64xf32, #tpu.memory_space<vmem>>[vector<16xi32>, vector<16xi32>], vector<16xf32>,
        %gt3A_508 = arith.cmpf ogt, %gather3A_507, %select_n3A_501 : vector<16xf32>
        %select_n3A_509 = arith.select %gt3A_508, %gather3A_507, %select_n3A_501 : vector<16xi1>, vector<16xf32>
        %jit3A_510 = arith.constant 44 : i32
        %broadcast_in_dim3A_511 = vector.broadcast %jit3A_510 : i32 to vector<16xi32>
        %select_n3A_512 = arith.select %gt3A_508, %broadcast_in_dim3A_511, %select_n3A_504 : vector<16xi1>, vector<16xi32>
        %broadcast_in_dim3A_513 = arith.constant 45 : i32
        %broadcast_in_dim3A_514 = vector.broadcast %broadcast_in_dim3A_513 : i32 to vector<16xi32>
        %gather3A_515 = tpu.vector_load_idx %arg13[%add3A_131, %broadcast_in_dim3A_514] : memref<128x64xf32, #tpu.memory_space<vmem>>[vector<16xi32>, vector<16xi32>], vector<16xf32>,
        %gt3A_516 = arith.cmpf ogt, %gather3A_515, %select_n3A_509 : vector<16xf32>
        %select_n3A_517 = arith.select %gt3A_516, %gather3A_515, %select_n3A_509 : vector<16xi1>, vector<16xf32>
        %jit3A_518 = arith.constant 45 : i32
        %broadcast_in_dim3A_519 = vector.broadcast %jit3A_518 : i32 to vector<16xi32>
        %select_n3A_520 = arith.select %gt3A_516, %broadcast_in_dim3A_519, %select_n3A_512 : vector<16xi1>, vector<16xi32>
        %broadcast_in_dim3A_521 = arith.constant 46 : i32
        %broadcast_in_dim3A_522 = vector.broadcast %broadcast_in_dim3A_521 : i32 to vector<16xi32>
        %gather3A_523 = tpu.vector_load_idx %arg13[%add3A_131, %broadcast_in_dim3A_522] : memref<128x64xf32, #tpu.memory_space<vmem>>[vector<16xi32>, vector<16xi32>], vector<16xf32>,
        %gt3A_524 = arith.cmpf ogt, %gather3A_523, %select_n3A_517 : vector<16xf32>
        %select_n3A_525 = arith.select %gt3A_524, %gather3A_523, %select_n3A_517 : vector<16xi1>, vector<16xf32>
        %jit3A_526 = arith.constant 46 : i32
        %broadcast_in_dim3A_527 = vector.broadcast %jit3A_526 : i32 to vector<16xi32>
        %select_n3A_528 = arith.select %gt3A_524, %broadcast_in_dim3A_527, %select_n3A_520 : vector<16xi1>, vector<16xi32>
        %broadcast_in_dim3A_529 = arith.constant 47 : i32
        %broadcast_in_dim3A_530 = vector.broadcast %broadcast_in_dim3A_529 : i32 to vector<16xi32>
        %gather3A_531 = tpu.vector_load_idx %arg13[%add3A_131, %broadcast_in_dim3A_530] : memref<128x64xf32, #tpu.memory_space<vmem>>[vector<16xi32>, vector<16xi32>], vector<16xf32>,
        %gt3A_532 = arith.cmpf ogt, %gather3A_531, %select_n3A_525 : vector<16xf32>
        %select_n3A_533 = arith.select %gt3A_532, %gather3A_531, %select_n3A_525 : vector<16xi1>, vector<16xf32>
        %jit3A_534 = arith.constant 47 : i32
        %broadcast_in_dim3A_535 = vector.broadcast %jit3A_534 : i32 to vector<16xi32>
        %select_n3A_536 = arith.select %gt3A_532, %broadcast_in_dim3A_535, %select_n3A_528 : vector<16xi1>, vector<16xi32>
        %broadcast_in_dim3A_537 = arith.constant -1.000000e+00 : f32
        %broadcast_in_dim3A_538 = vector.broadcast %broadcast_in_dim3A_537 : f32 to vector<16xf32>
        %broadcast_in_dim3A_539 = arith.constant 64 : i32
        %broadcast_in_dim3A_540 = vector.broadcast %broadcast_in_dim3A_539 : i32 to vector<16xi32>
        %broadcast_in_dim3A_541 = arith.constant 48 : i32
        %broadcast_in_dim3A_542 = vector.broadcast %broadcast_in_dim3A_541 : i32 to vector<16xi32>
        %gather3A_543 = tpu.vector_load_idx %arg13[%add3A_131, %broadcast_in_dim3A_542] : memref<128x64xf32, #tpu.memory_space<vmem>>[vector<16xi32>, vector<16xi32>], vector<16xf32>,
        %gt3A_544 = arith.cmpf ogt, %gather3A_543, %broadcast_in_dim3A_538 : vector<16xf32>
        %select_n3A_545 = arith.select %gt3A_544, %gather3A_543, %broadcast_in_dim3A_538 : vector<16xi1>, vector<16xf32>
        %jit3A_546 = arith.constant 48 : i32
        %broadcast_in_dim3A_547 = vector.broadcast %jit3A_546 : i32 to vector<16xi32>
        %select_n3A_548 = arith.select %gt3A_544, %broadcast_in_dim3A_547, %broadcast_in_dim3A_540 : vector<16xi1>, vector<16xi32>
        %broadcast_in_dim3A_549 = arith.constant 49 : i32
        %broadcast_in_dim3A_550 = vector.broadcast %broadcast_in_dim3A_549 : i32 to vector<16xi32>
        %gather3A_551 = tpu.vector_load_idx %arg13[%add3A_131, %broadcast_in_dim3A_550] : memref<128x64xf32, #tpu.memory_space<vmem>>[vector<16xi32>, vector<16xi32>], vector<16xf32>,
        %gt3A_552 = arith.cmpf ogt, %gather3A_551, %select_n3A_545 : vector<16xf32>
        %select_n3A_553 = arith.select %gt3A_552, %gather3A_551, %select_n3A_545 : vector<16xi1>, vector<16xf32>
        %jit3A_554 = arith.constant 49 : i32
        %broadcast_in_dim3A_555 = vector.broadcast %jit3A_554 : i32 to vector<16xi32>
        %select_n3A_556 = arith.select %gt3A_552, %broadcast_in_dim3A_555, %select_n3A_548 : vector<16xi1>, vector<16xi32>
        %broadcast_in_dim3A_557 = arith.constant 50 : i32
        %broadcast_in_dim3A_558 = vector.broadcast %broadcast_in_dim3A_557 : i32 to vector<16xi32>
        %gather3A_559 = tpu.vector_load_idx %arg13[%add3A_131, %broadcast_in_dim3A_558] : memref<128x64xf32, #tpu.memory_space<vmem>>[vector<16xi32>, vector<16xi32>], vector<16xf32>,
        %gt3A_560 = arith.cmpf ogt, %gather3A_559, %select_n3A_553 : vector<16xf32>
        %select_n3A_561 = arith.select %gt3A_560, %gather3A_559, %select_n3A_553 : vector<16xi1>, vector<16xf32>
        %jit3A_562 = arith.constant 50 : i32
        %broadcast_in_dim3A_563 = vector.broadcast %jit3A_562 : i32 to vector<16xi32>
        %select_n3A_564 = arith.select %gt3A_560, %broadcast_in_dim3A_563, %select_n3A_556 : vector<16xi1>, vector<16xi32>
        %broadcast_in_dim3A_565 = arith.constant 51 : i32
        %broadcast_in_dim3A_566 = vector.broadcast %broadcast_in_dim3A_565 : i32 to vector<16xi32>
        %gather3A_567 = tpu.vector_load_idx %arg13[%add3A_131, %broadcast_in_dim3A_566] : memref<128x64xf32, #tpu.memory_space<vmem>>[vector<16xi32>, vector<16xi32>], vector<16xf32>,
        %gt3A_568 = arith.cmpf ogt, %gather3A_567, %select_n3A_561 : vector<16xf32>
        %select_n3A_569 = arith.select %gt3A_568, %gather3A_567, %select_n3A_561 : vector<16xi1>, vector<16xf32>
        %jit3A_570 = arith.constant 51 : i32
        %broadcast_in_dim3A_571 = vector.broadcast %jit3A_570 : i32 to vector<16xi32>
        %select_n3A_572 = arith.select %gt3A_568, %broadcast_in_dim3A_571, %select_n3A_564 : vector<16xi1>, vector<16xi32>
        %broadcast_in_dim3A_573 = arith.constant 52 : i32
        %broadcast_in_dim3A_574 = vector.broadcast %broadcast_in_dim3A_573 : i32 to vector<16xi32>
        %gather3A_575 = tpu.vector_load_idx %arg13[%add3A_131, %broadcast_in_dim3A_574] : memref<128x64xf32, #tpu.memory_space<vmem>>[vector<16xi32>, vector<16xi32>], vector<16xf32>,
        %gt3A_576 = arith.cmpf ogt, %gather3A_575, %select_n3A_569 : vector<16xf32>
        %select_n3A_577 = arith.select %gt3A_576, %gather3A_575, %select_n3A_569 : vector<16xi1>, vector<16xf32>
        %jit3A_578 = arith.constant 52 : i32
        %broadcast_in_dim3A_579 = vector.broadcast %jit3A_578 : i32 to vector<16xi32>
        %select_n3A_580 = arith.select %gt3A_576, %broadcast_in_dim3A_579, %select_n3A_572 : vector<16xi1>, vector<16xi32>
        %broadcast_in_dim3A_581 = arith.constant 53 : i32
        %broadcast_in_dim3A_582 = vector.broadcast %broadcast_in_dim3A_581 : i32 to vector<16xi32>
        %gather3A_583 = tpu.vector_load_idx %arg13[%add3A_131, %broadcast_in_dim3A_582] : memref<128x64xf32, #tpu.memory_space<vmem>>[vector<16xi32>, vector<16xi32>], vector<16xf32>,
        %gt3A_584 = arith.cmpf ogt, %gather3A_583, %select_n3A_577 : vector<16xf32>
        %select_n3A_585 = arith.select %gt3A_584, %gather3A_583, %select_n3A_577 : vector<16xi1>, vector<16xf32>
        %jit3A_586 = arith.constant 53 : i32
        %broadcast_in_dim3A_587 = vector.broadcast %jit3A_586 : i32 to vector<16xi32>
        %select_n3A_588 = arith.select %gt3A_584, %broadcast_in_dim3A_587, %select_n3A_580 : vector<16xi1>, vector<16xi32>
        %broadcast_in_dim3A_589 = arith.constant 54 : i32
        %broadcast_in_dim3A_590 = vector.broadcast %broadcast_in_dim3A_589 : i32 to vector<16xi32>
        %gather3A_591 = tpu.vector_load_idx %arg13[%add3A_131, %broadcast_in_dim3A_590] : memref<128x64xf32, #tpu.memory_space<vmem>>[vector<16xi32>, vector<16xi32>], vector<16xf32>,
        %gt3A_592 = arith.cmpf ogt, %gather3A_591, %select_n3A_585 : vector<16xf32>
        %select_n3A_593 = arith.select %gt3A_592, %gather3A_591, %select_n3A_585 : vector<16xi1>, vector<16xf32>
        %jit3A_594 = arith.constant 54 : i32
        %broadcast_in_dim3A_595 = vector.broadcast %jit3A_594 : i32 to vector<16xi32>
        %select_n3A_596 = arith.select %gt3A_592, %broadcast_in_dim3A_595, %select_n3A_588 : vector<16xi1>, vector<16xi32>
        %broadcast_in_dim3A_597 = arith.constant 55 : i32
        %broadcast_in_dim3A_598 = vector.broadcast %broadcast_in_dim3A_597 : i32 to vector<16xi32>
        %gather3A_599 = tpu.vector_load_idx %arg13[%add3A_131, %broadcast_in_dim3A_598] : memref<128x64xf32, #tpu.memory_space<vmem>>[vector<16xi32>, vector<16xi32>], vector<16xf32>,
        %gt3A_600 = arith.cmpf ogt, %gather3A_599, %select_n3A_593 : vector<16xf32>
        %select_n3A_601 = arith.select %gt3A_600, %gather3A_599, %select_n3A_593 : vector<16xi1>, vector<16xf32>
        %jit3A_602 = arith.constant 55 : i32
        %broadcast_in_dim3A_603 = vector.broadcast %jit3A_602 : i32 to vector<16xi32>
        %select_n3A_604 = arith.select %gt3A_600, %broadcast_in_dim3A_603, %select_n3A_596 : vector<16xi1>, vector<16xi32>
        %broadcast_in_dim3A_605 = arith.constant 56 : i32
        %broadcast_in_dim3A_606 = vector.broadcast %broadcast_in_dim3A_605 : i32 to vector<16xi32>
        %gather3A_607 = tpu.vector_load_idx %arg13[%add3A_131, %broadcast_in_dim3A_606] : memref<128x64xf32, #tpu.memory_space<vmem>>[vector<16xi32>, vector<16xi32>], vector<16xf32>,
        %gt3A_608 = arith.cmpf ogt, %gather3A_607, %select_n3A_601 : vector<16xf32>
        %select_n3A_609 = arith.select %gt3A_608, %gather3A_607, %select_n3A_601 : vector<16xi1>, vector<16xf32>
        %jit3A_610 = arith.constant 56 : i32
        %broadcast_in_dim3A_611 = vector.broadcast %jit3A_610 : i32 to vector<16xi32>
        %select_n3A_612 = arith.select %gt3A_608, %broadcast_in_dim3A_611, %select_n3A_604 : vector<16xi1>, vector<16xi32>
        %broadcast_in_dim3A_613 = arith.constant 57 : i32
        %broadcast_in_dim3A_614 = vector.broadcast %broadcast_in_dim3A_613 : i32 to vector<16xi32>
        %gather3A_615 = tpu.vector_load_idx %arg13[%add3A_131, %broadcast_in_dim3A_614] : memref<128x64xf32, #tpu.memory_space<vmem>>[vector<16xi32>, vector<16xi32>], vector<16xf32>,
        %gt3A_616 = arith.cmpf ogt, %gather3A_615, %select_n3A_609 : vector<16xf32>
        %select_n3A_617 = arith.select %gt3A_616, %gather3A_615, %select_n3A_609 : vector<16xi1>, vector<16xf32>
        %jit3A_618 = arith.constant 57 : i32
        %broadcast_in_dim3A_619 = vector.broadcast %jit3A_618 : i32 to vector<16xi32>
        %select_n3A_620 = arith.select %gt3A_616, %broadcast_in_dim3A_619, %select_n3A_612 : vector<16xi1>, vector<16xi32>
        %broadcast_in_dim3A_621 = arith.constant 58 : i32
        %broadcast_in_dim3A_622 = vector.broadcast %broadcast_in_dim3A_621 : i32 to vector<16xi32>
        %gather3A_623 = tpu.vector_load_idx %arg13[%add3A_131, %broadcast_in_dim3A_622] : memref<128x64xf32, #tpu.memory_space<vmem>>[vector<16xi32>, vector<16xi32>], vector<16xf32>,
        %gt3A_624 = arith.cmpf ogt, %gather3A_623, %select_n3A_617 : vector<16xf32>
        %select_n3A_625 = arith.select %gt3A_624, %gather3A_623, %select_n3A_617 : vector<16xi1>, vector<16xf32>
        %jit3A_626 = arith.constant 58 : i32
        %broadcast_in_dim3A_627 = vector.broadcast %jit3A_626 : i32 to vector<16xi32>
        %select_n3A_628 = arith.select %gt3A_624, %broadcast_in_dim3A_627, %select_n3A_620 : vector<16xi1>, vector<16xi32>
        %broadcast_in_dim3A_629 = arith.constant 59 : i32
        %broadcast_in_dim3A_630 = vector.broadcast %broadcast_in_dim3A_629 : i32 to vector<16xi32>
        %gather3A_631 = tpu.vector_load_idx %arg13[%add3A_131, %broadcast_in_dim3A_630] : memref<128x64xf32, #tpu.memory_space<vmem>>[vector<16xi32>, vector<16xi32>], vector<16xf32>,
        %gt3A_632 = arith.cmpf ogt, %gather3A_631, %select_n3A_625 : vector<16xf32>
        %select_n3A_633 = arith.select %gt3A_632, %gather3A_631, %select_n3A_625 : vector<16xi1>, vector<16xf32>
        %jit3A_634 = arith.constant 59 : i32
        %broadcast_in_dim3A_635 = vector.broadcast %jit3A_634 : i32 to vector<16xi32>
        %select_n3A_636 = arith.select %gt3A_632, %broadcast_in_dim3A_635, %select_n3A_628 : vector<16xi1>, vector<16xi32>
        %broadcast_in_dim3A_637 = arith.constant 60 : i32
        %broadcast_in_dim3A_638 = vector.broadcast %broadcast_in_dim3A_637 : i32 to vector<16xi32>
        %gather3A_639 = tpu.vector_load_idx %arg13[%add3A_131, %broadcast_in_dim3A_638] : memref<128x64xf32, #tpu.memory_space<vmem>>[vector<16xi32>, vector<16xi32>], vector<16xf32>,
        %gt3A_640 = arith.cmpf ogt, %gather3A_639, %select_n3A_633 : vector<16xf32>
        %select_n3A_641 = arith.select %gt3A_640, %gather3A_639, %select_n3A_633 : vector<16xi1>, vector<16xf32>
        %jit3A_642 = arith.constant 60 : i32
        %broadcast_in_dim3A_643 = vector.broadcast %jit3A_642 : i32 to vector<16xi32>
        %select_n3A_644 = arith.select %gt3A_640, %broadcast_in_dim3A_643, %select_n3A_636 : vector<16xi1>, vector<16xi32>
        %broadcast_in_dim3A_645 = arith.constant 61 : i32
        %broadcast_in_dim3A_646 = vector.broadcast %broadcast_in_dim3A_645 : i32 to vector<16xi32>
        %gather3A_647 = tpu.vector_load_idx %arg13[%add3A_131, %broadcast_in_dim3A_646] : memref<128x64xf32, #tpu.memory_space<vmem>>[vector<16xi32>, vector<16xi32>], vector<16xf32>,
        %gt3A_648 = arith.cmpf ogt, %gather3A_647, %select_n3A_641 : vector<16xf32>
        %select_n3A_649 = arith.select %gt3A_648, %gather3A_647, %select_n3A_641 : vector<16xi1>, vector<16xf32>
        %jit3A_650 = arith.constant 61 : i32
        %broadcast_in_dim3A_651 = vector.broadcast %jit3A_650 : i32 to vector<16xi32>
        %select_n3A_652 = arith.select %gt3A_648, %broadcast_in_dim3A_651, %select_n3A_644 : vector<16xi1>, vector<16xi32>
        %broadcast_in_dim3A_653 = arith.constant 62 : i32
        %broadcast_in_dim3A_654 = vector.broadcast %broadcast_in_dim3A_653 : i32 to vector<16xi32>
        %gather3A_655 = tpu.vector_load_idx %arg13[%add3A_131, %broadcast_in_dim3A_654] : memref<128x64xf32, #tpu.memory_space<vmem>>[vector<16xi32>, vector<16xi32>], vector<16xf32>,
        %gt3A_656 = arith.cmpf ogt, %gather3A_655, %select_n3A_649 : vector<16xf32>
        %select_n3A_657 = arith.select %gt3A_656, %gather3A_655, %select_n3A_649 : vector<16xi1>, vector<16xf32>
        %jit3A_658 = arith.constant 62 : i32
        %broadcast_in_dim3A_659 = vector.broadcast %jit3A_658 : i32 to vector<16xi32>
        %select_n3A_660 = arith.select %gt3A_656, %broadcast_in_dim3A_659, %select_n3A_652 : vector<16xi1>, vector<16xi32>
        %broadcast_in_dim3A_661 = arith.constant 63 : i32
        %broadcast_in_dim3A_662 = vector.broadcast %broadcast_in_dim3A_661 : i32 to vector<16xi32>
        %gather3A_663 = tpu.vector_load_idx %arg13[%add3A_131, %broadcast_in_dim3A_662] : memref<128x64xf32, #tpu.memory_space<vmem>>[vector<16xi32>, vector<16xi32>], vector<16xf32>,
        %gt3A_664 = arith.cmpf ogt, %gather3A_663, %select_n3A_657 : vector<16xf32>
        %select_n3A_665 = arith.select %gt3A_664, %gather3A_663, %select_n3A_657 : vector<16xi1>, vector<16xf32>
        %jit3A_666 = arith.constant 63 : i32
        %broadcast_in_dim3A_667 = vector.broadcast %jit3A_666 : i32 to vector<16xi32>
        %select_n3A_668 = arith.select %gt3A_664, %broadcast_in_dim3A_667, %select_n3A_660 : vector<16xi1>, vector<16xi32>
        %gt3A_669 = arith.cmpf ogt, %select_n3A_401, %select_n3A_269 : vector<16xf32>
        %select_n3A_670 = arith.select %gt3A_669, %select_n3A_401, %select_n3A_269 : vector<16xi1>, vector<16xf32>
        %select_n3A_671 = arith.select %gt3A_669, %select_n3A_404, %select_n3A_272 : vector<16xi1>, vector<16xi32>
        %gt3A_672 = arith.cmpf ogt, %select_n3A_533, %select_n3A_670 : vector<16xf32>
        %select_n3A_673 = arith.select %gt3A_672, %select_n3A_533, %select_n3A_670 : vector<16xi1>, vector<16xf32>
        %select_n3A_674 = arith.select %gt3A_672, %select_n3A_536, %select_n3A_671 : vector<16xi1>, vector<16xi32>
        %gt3A_675 = arith.cmpf ogt, %select_n3A_665, %select_n3A_673 : vector<16xf32>
        %select_n3A_676 = arith.select %gt3A_675, %select_n3A_665, %select_n3A_673 : vector<16xi1>, vector<16xf32>
        %select_n3A_677 = arith.select %gt3A_675, %select_n3A_668, %select_n3A_674 : vector<16xi1>, vector<16xi32>
        %mul3A_678 = arith.constant 16 : i32
        %mul3A_679 = arith.muli %scan3A_127, %mul3A_678 : i32
        %swap3A = arith.index_cast %mul3A_679 : i32 to index
        %swap3A_680 = tpu.vector_load %arg22[%swap3A] {strides = array<i32>} : memref<128xf32, #tpu.memory_space<vmem>>, vector<16xf32>,
        tpu.vector_store %arg22[%swap3A], %gather3A_141 {strides = array<i32>} : memref<128xf32, #tpu.memory_space<vmem>>, vector<16xf32>,
        %mul3A_681 = arith.constant 16 : i32
        %mul3A_682 = arith.muli %scan3A_127, %mul3A_681 : i32
        %swap3A_683 = arith.index_cast %mul3A_682 : i32 to index
        %swap3A_684 = tpu.vector_load %arg24[%swap3A_683] {strides = array<i32>} : memref<128xf32, #tpu.memory_space<vmem>>, vector<16xf32>,
        tpu.vector_store %arg24[%swap3A_683], %select_n3A_676 {strides = array<i32>} : memref<128xf32, #tpu.memory_space<vmem>>, vector<16xf32>,
        %mul3A_685 = arith.constant 16 : i32
        %mul3A_686 = arith.muli %scan3A_127, %mul3A_685 : i32
        %swap3A_687 = arith.index_cast %mul3A_686 : i32 to index
        %swap3A_688 = tpu.vector_load %arg26[%swap3A_687] {strides = array<i32>} : memref<128xi32, #tpu.memory_space<vmem>>, vector<16xi32>,
        tpu.vector_store %arg26[%swap3A_687], %select_n3A_677 {strides = array<i32>} : memref<128xi32, #tpu.memory_space<vmem>>, vector<16xi32>,
        %mul3A_689 = arith.constant 16 : i32
        %mul3A_690 = arith.muli %scan3A_127, %mul3A_689 : i32
        %swap3A_691 = arith.index_cast %mul3A_690 : i32 to index
        %swap3A_692 = tpu.vector_load %arg28[%swap3A_691] {strides = array<i32>} : memref<128xf32, #tpu.memory_space<vmem>>, vector<16xf32>,
        tpu.vector_store %arg28[%swap3A_691], %gather3A_139 {strides = array<i32>} : memref<128xf32, #tpu.memory_space<vmem>>, vector<16xf32>,
        %mul3A_693 = arith.constant 16 : i32
        %mul3A_694 = arith.muli %scan3A_127, %mul3A_693 : i32
        %swap3A_695 = arith.index_cast %mul3A_694 : i32 to index
        %swap3A_696 = tpu.vector_load %arg30[%swap3A_695] {strides = array<i32>} : memref<128xf32, #tpu.memory_space<vmem>>, vector<16xf32>,
        tpu.vector_store %arg30[%swap3A_695], %gather3A_140 {strides = array<i32>} : memref<128xf32, #tpu.memory_space<vmem>>, vector<16xf32>,
      }
      %scan3A_67 = arith.constant 8 : i32
      %dma_start3A_68 = tpu.memref_slice %arg8[%add3A_51] : memref<131072xf32, #tpu.memory_space<hbm>> -> memref<128xf32, #tpu.memory_space<hbm>>
      %dma_start3A_69 = tpu.memref_slice %arg8[%add3A_51] : memref<131072xf32, #tpu.memory_space<hbm>> -> memref<128xf32, #tpu.memory_space<hbm>>
      tpu.enqueue_dma source(%arg22 : memref<128xf32, #tpu.memory_space<vmem>>) target(%dma_start3A_69 : memref<128xf32, #tpu.memory_space<hbm>>) target_semaphore(%arg34 : memref<!tpu.dma_semaphore, #tpu.memory_space<semaphore_mem>>)
      %dma_start3A_70 = tpu.memref_slice %arg9[%add3A_51] : memref<131072xf32, #tpu.memory_space<hbm>> -> memref<128xf32, #tpu.memory_space<hbm>>
      %dma_start3A_71 = tpu.memref_slice %arg9[%add3A_51] : memref<131072xf32, #tpu.memory_space<hbm>> -> memref<128xf32, #tpu.memory_space<hbm>>
      tpu.enqueue_dma source(%arg24 : memref<128xf32, #tpu.memory_space<vmem>>) target(%dma_start3A_71 : memref<128xf32, #tpu.memory_space<hbm>>) target_semaphore(%arg34 : memref<!tpu.dma_semaphore, #tpu.memory_space<semaphore_mem>>)
      %dma_start3A_72 = tpu.memref_slice %arg10[%add3A_51] : memref<131072xi32, #tpu.memory_space<hbm>> -> memref<128xi32, #tpu.memory_space<hbm>>
      %dma_start3A_73 = tpu.memref_slice %arg10[%add3A_51] : memref<131072xi32, #tpu.memory_space<hbm>> -> memref<128xi32, #tpu.memory_space<hbm>>
      tpu.enqueue_dma source(%arg26 : memref<128xi32, #tpu.memory_space<vmem>>) target(%dma_start3A_73 : memref<128xi32, #tpu.memory_space<hbm>>) target_semaphore(%arg34 : memref<!tpu.dma_semaphore, #tpu.memory_space<semaphore_mem>>)
      %dma_start3A_74 = tpu.memref_slice %arg11[%add3A_51] : memref<131072xf32, #tpu.memory_space<hbm>> -> memref<128xf32, #tpu.memory_space<hbm>>
      %dma_start3A_75 = tpu.memref_slice %arg11[%add3A_51] : memref<131072xf32, #tpu.memory_space<hbm>> -> memref<128xf32, #tpu.memory_space<hbm>>
      tpu.enqueue_dma source(%arg28 : memref<128xf32, #tpu.memory_space<vmem>>) target(%dma_start3A_75 : memref<128xf32, #tpu.memory_space<hbm>>) target_semaphore(%arg34 : memref<!tpu.dma_semaphore, #tpu.memory_space<semaphore_mem>>)
      %dma_start3A_76 = tpu.memref_slice %arg12[%add3A_51] : memref<131072xf32, #tpu.memory_space<hbm>> -> memref<128xf32, #tpu.memory_space<hbm>>
      %dma_start3A_77 = tpu.memref_slice %arg12[%add3A_51] : memref<131072xf32, #tpu.memory_space<hbm>> -> memref<128xf32, #tpu.memory_space<hbm>>
      tpu.enqueue_dma source(%arg30 : memref<128xf32, #tpu.memory_space<vmem>>) target(%dma_start3A_77 : memref<128xf32, #tpu.memory_space<hbm>>) target_semaphore(%arg34 : memref<!tpu.dma_semaphore, #tpu.memory_space<semaphore_mem>>)
      %add3A_78 = arith.constant 2 : i32
      %add3A_79 = arith.addi %add3A_48, %add3A_78 : i32
      %lt3A = arith.constant 32 : i32
      %lt3A_80 = arith.cmpi slt, %add3A_79, %lt3A : i32
      %convert_element_type3A_81 = arith.extui %lt3A_80 : i1 to i32
      %cond3A_82 = arith.constant 0 : i32
      %cond3A_83 = arith.cmpi ne, %convert_element_type3A_81, %cond3A_82 : i32
      scf.if %cond3A_83 {
        %add3A_127 = arith.constant 256 : i32
        %add3A_128 = arith.addi %add3A_51, %add3A_127 : i32
        %dma_start3A_129 = arith.constant 0 : i32
        %dma_start3A_130 = tpu.memref_slice %arg2[%add3A_128, %dma_start3A_129] : memref<131072x64xf32, #tpu.memory_space<hbm>> -> memref<128x64xf32, #tpu.memory_space<hbm>>
        %dma_start3A_131 = arith.constant 0 : i32
        %dma_start3A_132 = tpu.memref_slice %arg2[%add3A_128, %dma_start3A_131] : memref<131072x64xf32, #tpu.memory_space<hbm>> -> memref<128x64xf32, #tpu.memory_space<hbm>>
        tpu.enqueue_dma source(%dma_start3A_132 : memref<128x64xf32, #tpu.memory_space<hbm>>) target(%arg13 : memref<128x64xf32, #tpu.memory_space<vmem>>) target_semaphore(%arg32 : memref<!tpu.dma_semaphore, #tpu.memory_space<semaphore_mem>>)
        %dma_start3A_133 = tpu.memref_slice %arg3[%add3A_128] : memref<131072xi32, #tpu.memory_space<hbm>> -> memref<128xi32, #tpu.memory_space<hbm>>
        %dma_start3A_134 = tpu.memref_slice %arg3[%add3A_128] : memref<131072xi32, #tpu.memory_space<hbm>> -> memref<128xi32, #tpu.memory_space<hbm>>
        tpu.enqueue_dma source(%dma_start3A_134 : memref<128xi32, #tpu.memory_space<hbm>>) target(%arg15 : memref<128xi32, #tpu.memory_space<vmem>>) target_semaphore(%arg32 : memref<!tpu.dma_semaphore, #tpu.memory_space<semaphore_mem>>)
        %dma_start3A_135 = tpu.memref_slice %arg4[%add3A_128] : memref<131072xi32, #tpu.memory_space<hbm>> -> memref<128xi32, #tpu.memory_space<hbm>>
        %dma_start3A_136 = tpu.memref_slice %arg4[%add3A_128] : memref<131072xi32, #tpu.memory_space<hbm>> -> memref<128xi32, #tpu.memory_space<hbm>>
        tpu.enqueue_dma source(%dma_start3A_136 : memref<128xi32, #tpu.memory_space<hbm>>) target(%arg17 : memref<128xi32, #tpu.memory_space<vmem>>) target_semaphore(%arg32 : memref<!tpu.dma_semaphore, #tpu.memory_space<semaphore_mem>>)
      } else {
      }
      %mul3A_84 = arith.constant 2 : i32
      %mul3A_85 = arith.muli %mul3A_84, %scan3A_44 : i32
      %add3A_86 = arith.constant 1 : i32
      %add3A_87 = arith.addi %mul3A_85, %add3A_86 : i32
      %mul3A_88 = arith.constant 128 : i32
      %mul3A_89 = arith.muli %add3A_87, %mul3A_88 : i32
      %add3A_90 = arith.addi %mul3A_2, %mul3A_89 : i32
      %dma_wait3A_91 = arith.constant 0 : i32
      %dma_wait3A_92 = tpu.memref_slice %arg2[%add3A_90, %dma_wait3A_91] : memref<131072x64xf32, #tpu.memory_space<hbm>> -> memref<128x64xf32, #tpu.memory_space<hbm>>
      %dma_wait3A_93 = arith.constant 0 : i32
      %dma_wait3A_94 = tpu.memref_slice %arg2[%add3A_90, %dma_wait3A_93] : memref<131072x64xf32, #tpu.memory_space<hbm>> -> memref<128x64xf32, #tpu.memory_space<hbm>>
      tpu.wait_dma2 semaphore(%arg33 : memref<!tpu.dma_semaphore, #tpu.memory_space<semaphore_mem>>) src(%dma_wait3A_94 : memref<128x64xf32, #tpu.memory_space<hbm>>) dst(%arg14 : memref<128x64xf32, #tpu.memory_space<vmem>>)
      %dma_wait3A_95 = tpu.memref_slice %arg3[%add3A_90] : memref<131072xi32, #tpu.memory_space<hbm>> -> memref<128xi32, #tpu.memory_space<hbm>>
      %dma_wait3A_96 = tpu.memref_slice %arg3[%add3A_90] : memref<131072xi32, #tpu.memory_space<hbm>> -> memref<128xi32, #tpu.memory_space<hbm>>
      tpu.wait_dma2 semaphore(%arg33 : memref<!tpu.dma_semaphore, #tpu.memory_space<semaphore_mem>>) src(%dma_wait3A_96 : memref<128xi32, #tpu.memory_space<hbm>>) dst(%arg16 : memref<128xi32, #tpu.memory_space<vmem>>)
      %dma_wait3A_97 = tpu.memref_slice %arg4[%add3A_90] : memref<131072xi32, #tpu.memory_space<hbm>> -> memref<128xi32, #tpu.memory_space<hbm>>
      %dma_wait3A_98 = tpu.memref_slice %arg4[%add3A_90] : memref<131072xi32, #tpu.memory_space<hbm>> -> memref<128xi32, #tpu.memory_space<hbm>>
      tpu.wait_dma2 semaphore(%arg33 : memref<!tpu.dma_semaphore, #tpu.memory_space<semaphore_mem>>) src(%dma_wait3A_98 : memref<128xi32, #tpu.memory_space<hbm>>) dst(%arg18 : memref<128xi32, #tpu.memory_space<vmem>>)
      %gt3A_99 = arith.constant 0 : i32
      %gt3A_100 = arith.cmpi sgt, %scan3A_44, %gt3A_99 : i32
      %convert_element_type3A_101 = arith.extui %gt3A_100 : i1 to i32
      %cond3A_102 = arith.constant 0 : i32
      %cond3A_103 = arith.cmpi ne, %convert_element_type3A_101, %cond3A_102 : i32
      scf.if %cond3A_103 {
        %dma_wait3A_127 = tpu.memref_slice %arg8[%add3A_90] : memref<131072xf32, #tpu.memory_space<hbm>> -> memref<128xf32, #tpu.memory_space<hbm>>
        %dma_wait3A_128 = tpu.memref_slice %arg8[%add3A_90] : memref<131072xf32, #tpu.memory_space<hbm>> -> memref<128xf32, #tpu.memory_space<hbm>>
        tpu.wait_dma2 semaphore(%arg35 : memref<!tpu.dma_semaphore, #tpu.memory_space<semaphore_mem>>) src(%arg23 : memref<128xf32, #tpu.memory_space<vmem>>) dst(%dma_wait3A_128 : memref<128xf32, #tpu.memory_space<hbm>>)
        %dma_wait3A_129 = tpu.memref_slice %arg9[%add3A_90] : memref<131072xf32, #tpu.memory_space<hbm>> -> memref<128xf32, #tpu.memory_space<hbm>>
        %dma_wait3A_130 = tpu.memref_slice %arg9[%add3A_90] : memref<131072xf32, #tpu.memory_space<hbm>> -> memref<128xf32, #tpu.memory_space<hbm>>
        tpu.wait_dma2 semaphore(%arg35 : memref<!tpu.dma_semaphore, #tpu.memory_space<semaphore_mem>>) src(%arg25 : memref<128xf32, #tpu.memory_space<vmem>>) dst(%dma_wait3A_130 : memref<128xf32, #tpu.memory_space<hbm>>)
        %dma_wait3A_131 = tpu.memref_slice %arg10[%add3A_90] : memref<131072xi32, #tpu.memory_space<hbm>> -> memref<128xi32, #tpu.memory_space<hbm>>
        %dma_wait3A_132 = tpu.memref_slice %arg10[%add3A_90] : memref<131072xi32, #tpu.memory_space<hbm>> -> memref<128xi32, #tpu.memory_space<hbm>>
        tpu.wait_dma2 semaphore(%arg35 : memref<!tpu.dma_semaphore, #tpu.memory_space<semaphore_mem>>) src(%arg27 : memref<128xi32, #tpu.memory_space<vmem>>) dst(%dma_wait3A_132 : memref<128xi32, #tpu.memory_space<hbm>>)
        %dma_wait3A_133 = tpu.memref_slice %arg11[%add3A_90] : memref<131072xf32, #tpu.memory_space<hbm>> -> memref<128xf32, #tpu.memory_space<hbm>>
        %dma_wait3A_134 = tpu.memref_slice %arg11[%add3A_90] : memref<131072xf32, #tpu.memory_space<hbm>> -> memref<128xf32, #tpu.memory_space<hbm>>
        tpu.wait_dma2 semaphore(%arg35 : memref<!tpu.dma_semaphore, #tpu.memory_space<semaphore_mem>>) src(%arg29 : memref<128xf32, #tpu.memory_space<vmem>>) dst(%dma_wait3A_134 : memref<128xf32, #tpu.memory_space<hbm>>)
        %dma_wait3A_135 = tpu.memref_slice %arg12[%add3A_90] : memref<131072xf32, #tpu.memory_space<hbm>> -> memref<128xf32, #tpu.memory_space<hbm>>
        %dma_wait3A_136 = tpu.memref_slice %arg12[%add3A_90] : memref<131072xf32, #tpu.memory_space<hbm>> -> memref<128xf32, #tpu.memory_space<hbm>>
        tpu.wait_dma2 semaphore(%arg35 : memref<!tpu.dma_semaphore, #tpu.memory_space<semaphore_mem>>) src(%arg31 : memref<128xf32, #tpu.memory_space<vmem>>) dst(%dma_wait3A_136 : memref<128xf32, #tpu.memory_space<hbm>>)
      } else {
      }
      %scan3A_104 = arith.constant 0 : i32
      %scan3A_105 = arith.constant 0 : i32
      %scan3A_106 = arith.constant 8 : i32
      %scan3A_107 = arith.addi %scan3A_105, %scan3A_106 : i32
      %scan3A_108 = arith.constant 1 : i32
      scf.for %scan3A_127 = %scan3A_105 to %scan3A_107 step %scan3A_108  : i32 {
        %iota3A = tpu.iota {dimensions = array<i32: 0>} : vector<16xi32>
        %mul3A_128 = arith.constant 16 : i32
        %mul3A_129 = arith.muli %scan3A_127, %mul3A_128 : i32
        %add3A_130 = vector.broadcast %mul3A_129 : i32 to vector<16xi32>
        %add3A_131 = arith.addi %iota3A, %add3A_130 : vector<16xi32>
        %mul3A_132 = arith.constant 16 : i32
        %mul3A_133 = arith.muli %scan3A_127, %mul3A_132 : i32
        %get3A = arith.index_cast %mul3A_133 : i32 to index
        %get3A_134 = tpu.vector_load %arg16[%get3A] {strides = array<i32>} : memref<128xi32, #tpu.memory_space<vmem>>, vector<16xi32>,
        %mul3A_135 = arith.constant 16 : i32
        %mul3A_136 = arith.muli %scan3A_127, %mul3A_135 : i32
        %get3A_137 = arith.index_cast %mul3A_136 : i32 to index
        %get3A_138 = tpu.vector_load %arg18[%get3A_137] {strides = array<i32>} : memref<128xi32, #tpu.memory_space<vmem>>, vector<16xi32>,
        %gather3A = tpu.vector_load_idx %arg19[%get3A_138] : memref<64xi32, #tpu.memory_space<vmem>>[vector<16xi32>], vector<16xi32>,
        %gather3A_139 = tpu.vector_load_idx %arg20[%gather3A] : memref<128xf32, #tpu.memory_space<vmem>>[vector<16xi32>], vector<16xf32>,
        %gather3A_140 = tpu.vector_load_idx %arg21[%gather3A] : memref<128xf32, #tpu.memory_space<vmem>>[vector<16xi32>], vector<16xf32>,
        %gather3A_141 = tpu.vector_load_idx %arg14[%add3A_131, %get3A_134] : memref<128x64xf32, #tpu.memory_space<vmem>>[vector<16xi32>, vector<16xi32>], vector<16xf32>,
        %broadcast_in_dim3A = arith.constant -1.000000e+00 : f32
        %broadcast_in_dim3A_142 = vector.broadcast %broadcast_in_dim3A : f32 to vector<16xf32>
        tpu.vector_store_idx %arg14[%add3A_131, %get3A_134], %broadcast_in_dim3A_142 : memref<128x64xf32, #tpu.memory_space<vmem>>[vector<16xi32>, vector<16xi32>], vector<16xf32>,
        %broadcast_in_dim3A_143 = arith.constant -1.000000e+00 : f32
        %broadcast_in_dim3A_144 = vector.broadcast %broadcast_in_dim3A_143 : f32 to vector<16xf32>
        %broadcast_in_dim3A_145 = arith.constant 64 : i32
        %broadcast_in_dim3A_146 = vector.broadcast %broadcast_in_dim3A_145 : i32 to vector<16xi32>
        %broadcast_in_dim3A_147 = arith.constant 0 : i32
        %broadcast_in_dim3A_148 = vector.broadcast %broadcast_in_dim3A_147 : i32 to vector<16xi32>
        %gather3A_149 = tpu.vector_load_idx %arg14[%add3A_131, %broadcast_in_dim3A_148] : memref<128x64xf32, #tpu.memory_space<vmem>>[vector<16xi32>, vector<16xi32>], vector<16xf32>,
        %gt3A_150 = arith.cmpf ogt, %gather3A_149, %broadcast_in_dim3A_144 : vector<16xf32>
        %select_n3A = arith.select %gt3A_150, %gather3A_149, %broadcast_in_dim3A_144 : vector<16xi1>, vector<16xf32>
        %jit3A = arith.constant 0 : i32
        %broadcast_in_dim3A_151 = vector.broadcast %jit3A : i32 to vector<16xi32>
        %select_n3A_152 = arith.select %gt3A_150, %broadcast_in_dim3A_151, %broadcast_in_dim3A_146 : vector<16xi1>, vector<16xi32>
        %broadcast_in_dim3A_153 = arith.constant 1 : i32
        %broadcast_in_dim3A_154 = vector.broadcast %broadcast_in_dim3A_153 : i32 to vector<16xi32>
        %gather3A_155 = tpu.vector_load_idx %arg14[%add3A_131, %broadcast_in_dim3A_154] : memref<128x64xf32, #tpu.memory_space<vmem>>[vector<16xi32>, vector<16xi32>], vector<16xf32>,
        %gt3A_156 = arith.cmpf ogt, %gather3A_155, %select_n3A : vector<16xf32>
        %select_n3A_157 = arith.select %gt3A_156, %gather3A_155, %select_n3A : vector<16xi1>, vector<16xf32>
        %jit3A_158 = arith.constant 1 : i32
        %broadcast_in_dim3A_159 = vector.broadcast %jit3A_158 : i32 to vector<16xi32>
        %select_n3A_160 = arith.select %gt3A_156, %broadcast_in_dim3A_159, %select_n3A_152 : vector<16xi1>, vector<16xi32>
        %broadcast_in_dim3A_161 = arith.constant 2 : i32
        %broadcast_in_dim3A_162 = vector.broadcast %broadcast_in_dim3A_161 : i32 to vector<16xi32>
        %gather3A_163 = tpu.vector_load_idx %arg14[%add3A_131, %broadcast_in_dim3A_162] : memref<128x64xf32, #tpu.memory_space<vmem>>[vector<16xi32>, vector<16xi32>], vector<16xf32>,
        %gt3A_164 = arith.cmpf ogt, %gather3A_163, %select_n3A_157 : vector<16xf32>
        %select_n3A_165 = arith.select %gt3A_164, %gather3A_163, %select_n3A_157 : vector<16xi1>, vector<16xf32>
        %jit3A_166 = arith.constant 2 : i32
        %broadcast_in_dim3A_167 = vector.broadcast %jit3A_166 : i32 to vector<16xi32>
        %select_n3A_168 = arith.select %gt3A_164, %broadcast_in_dim3A_167, %select_n3A_160 : vector<16xi1>, vector<16xi32>
        %broadcast_in_dim3A_169 = arith.constant 3 : i32
        %broadcast_in_dim3A_170 = vector.broadcast %broadcast_in_dim3A_169 : i32 to vector<16xi32>
        %gather3A_171 = tpu.vector_load_idx %arg14[%add3A_131, %broadcast_in_dim3A_170] : memref<128x64xf32, #tpu.memory_space<vmem>>[vector<16xi32>, vector<16xi32>], vector<16xf32>,
        %gt3A_172 = arith.cmpf ogt, %gather3A_171, %select_n3A_165 : vector<16xf32>
        %select_n3A_173 = arith.select %gt3A_172, %gather3A_171, %select_n3A_165 : vector<16xi1>, vector<16xf32>
        %jit3A_174 = arith.constant 3 : i32
        %broadcast_in_dim3A_175 = vector.broadcast %jit3A_174 : i32 to vector<16xi32>
        %select_n3A_176 = arith.select %gt3A_172, %broadcast_in_dim3A_175, %select_n3A_168 : vector<16xi1>, vector<16xi32>
        %broadcast_in_dim3A_177 = arith.constant 4 : i32
        %broadcast_in_dim3A_178 = vector.broadcast %broadcast_in_dim3A_177 : i32 to vector<16xi32>
        %gather3A_179 = tpu.vector_load_idx %arg14[%add3A_131, %broadcast_in_dim3A_178] : memref<128x64xf32, #tpu.memory_space<vmem>>[vector<16xi32>, vector<16xi32>], vector<16xf32>,
        %gt3A_180 = arith.cmpf ogt, %gather3A_179, %select_n3A_173 : vector<16xf32>
        %select_n3A_181 = arith.select %gt3A_180, %gather3A_179, %select_n3A_173 : vector<16xi1>, vector<16xf32>
        %jit3A_182 = arith.constant 4 : i32
        %broadcast_in_dim3A_183 = vector.broadcast %jit3A_182 : i32 to vector<16xi32>
        %select_n3A_184 = arith.select %gt3A_180, %broadcast_in_dim3A_183, %select_n3A_176 : vector<16xi1>, vector<16xi32>
        %broadcast_in_dim3A_185 = arith.constant 5 : i32
        %broadcast_in_dim3A_186 = vector.broadcast %broadcast_in_dim3A_185 : i32 to vector<16xi32>
        %gather3A_187 = tpu.vector_load_idx %arg14[%add3A_131, %broadcast_in_dim3A_186] : memref<128x64xf32, #tpu.memory_space<vmem>>[vector<16xi32>, vector<16xi32>], vector<16xf32>,
        %gt3A_188 = arith.cmpf ogt, %gather3A_187, %select_n3A_181 : vector<16xf32>
        %select_n3A_189 = arith.select %gt3A_188, %gather3A_187, %select_n3A_181 : vector<16xi1>, vector<16xf32>
        %jit3A_190 = arith.constant 5 : i32
        %broadcast_in_dim3A_191 = vector.broadcast %jit3A_190 : i32 to vector<16xi32>
        %select_n3A_192 = arith.select %gt3A_188, %broadcast_in_dim3A_191, %select_n3A_184 : vector<16xi1>, vector<16xi32>
        %broadcast_in_dim3A_193 = arith.constant 6 : i32
        %broadcast_in_dim3A_194 = vector.broadcast %broadcast_in_dim3A_193 : i32 to vector<16xi32>
        %gather3A_195 = tpu.vector_load_idx %arg14[%add3A_131, %broadcast_in_dim3A_194] : memref<128x64xf32, #tpu.memory_space<vmem>>[vector<16xi32>, vector<16xi32>], vector<16xf32>,
        %gt3A_196 = arith.cmpf ogt, %gather3A_195, %select_n3A_189 : vector<16xf32>
        %select_n3A_197 = arith.select %gt3A_196, %gather3A_195, %select_n3A_189 : vector<16xi1>, vector<16xf32>
        %jit3A_198 = arith.constant 6 : i32
        %broadcast_in_dim3A_199 = vector.broadcast %jit3A_198 : i32 to vector<16xi32>
        %select_n3A_200 = arith.select %gt3A_196, %broadcast_in_dim3A_199, %select_n3A_192 : vector<16xi1>, vector<16xi32>
        %broadcast_in_dim3A_201 = arith.constant 7 : i32
        %broadcast_in_dim3A_202 = vector.broadcast %broadcast_in_dim3A_201 : i32 to vector<16xi32>
        %gather3A_203 = tpu.vector_load_idx %arg14[%add3A_131, %broadcast_in_dim3A_202] : memref<128x64xf32, #tpu.memory_space<vmem>>[vector<16xi32>, vector<16xi32>], vector<16xf32>,
        %gt3A_204 = arith.cmpf ogt, %gather3A_203, %select_n3A_197 : vector<16xf32>
        %select_n3A_205 = arith.select %gt3A_204, %gather3A_203, %select_n3A_197 : vector<16xi1>, vector<16xf32>
        %jit3A_206 = arith.constant 7 : i32
        %broadcast_in_dim3A_207 = vector.broadcast %jit3A_206 : i32 to vector<16xi32>
        %select_n3A_208 = arith.select %gt3A_204, %broadcast_in_dim3A_207, %select_n3A_200 : vector<16xi1>, vector<16xi32>
        %broadcast_in_dim3A_209 = arith.constant 8 : i32
        %broadcast_in_dim3A_210 = vector.broadcast %broadcast_in_dim3A_209 : i32 to vector<16xi32>
        %gather3A_211 = tpu.vector_load_idx %arg14[%add3A_131, %broadcast_in_dim3A_210] : memref<128x64xf32, #tpu.memory_space<vmem>>[vector<16xi32>, vector<16xi32>], vector<16xf32>,
        %gt3A_212 = arith.cmpf ogt, %gather3A_211, %select_n3A_205 : vector<16xf32>
        %select_n3A_213 = arith.select %gt3A_212, %gather3A_211, %select_n3A_205 : vector<16xi1>, vector<16xf32>
        %jit3A_214 = arith.constant 8 : i32
        %broadcast_in_dim3A_215 = vector.broadcast %jit3A_214 : i32 to vector<16xi32>
        %select_n3A_216 = arith.select %gt3A_212, %broadcast_in_dim3A_215, %select_n3A_208 : vector<16xi1>, vector<16xi32>
        %broadcast_in_dim3A_217 = arith.constant 9 : i32
        %broadcast_in_dim3A_218 = vector.broadcast %broadcast_in_dim3A_217 : i32 to vector<16xi32>
        %gather3A_219 = tpu.vector_load_idx %arg14[%add3A_131, %broadcast_in_dim3A_218] : memref<128x64xf32, #tpu.memory_space<vmem>>[vector<16xi32>, vector<16xi32>], vector<16xf32>,
        %gt3A_220 = arith.cmpf ogt, %gather3A_219, %select_n3A_213 : vector<16xf32>
        %select_n3A_221 = arith.select %gt3A_220, %gather3A_219, %select_n3A_213 : vector<16xi1>, vector<16xf32>
        %jit3A_222 = arith.constant 9 : i32
        %broadcast_in_dim3A_223 = vector.broadcast %jit3A_222 : i32 to vector<16xi32>
        %select_n3A_224 = arith.select %gt3A_220, %broadcast_in_dim3A_223, %select_n3A_216 : vector<16xi1>, vector<16xi32>
        %broadcast_in_dim3A_225 = arith.constant 10 : i32
        %broadcast_in_dim3A_226 = vector.broadcast %broadcast_in_dim3A_225 : i32 to vector<16xi32>
        %gather3A_227 = tpu.vector_load_idx %arg14[%add3A_131, %broadcast_in_dim3A_226] : memref<128x64xf32, #tpu.memory_space<vmem>>[vector<16xi32>, vector<16xi32>], vector<16xf32>,
        %gt3A_228 = arith.cmpf ogt, %gather3A_227, %select_n3A_221 : vector<16xf32>
        %select_n3A_229 = arith.select %gt3A_228, %gather3A_227, %select_n3A_221 : vector<16xi1>, vector<16xf32>
        %jit3A_230 = arith.constant 10 : i32
        %broadcast_in_dim3A_231 = vector.broadcast %jit3A_230 : i32 to vector<16xi32>
        %select_n3A_232 = arith.select %gt3A_228, %broadcast_in_dim3A_231, %select_n3A_224 : vector<16xi1>, vector<16xi32>
        %broadcast_in_dim3A_233 = arith.constant 11 : i32
        %broadcast_in_dim3A_234 = vector.broadcast %broadcast_in_dim3A_233 : i32 to vector<16xi32>
        %gather3A_235 = tpu.vector_load_idx %arg14[%add3A_131, %broadcast_in_dim3A_234] : memref<128x64xf32, #tpu.memory_space<vmem>>[vector<16xi32>, vector<16xi32>], vector<16xf32>,
        %gt3A_236 = arith.cmpf ogt, %gather3A_235, %select_n3A_229 : vector<16xf32>
        %select_n3A_237 = arith.select %gt3A_236, %gather3A_235, %select_n3A_229 : vector<16xi1>, vector<16xf32>
        %jit3A_238 = arith.constant 11 : i32
        %broadcast_in_dim3A_239 = vector.broadcast %jit3A_238 : i32 to vector<16xi32>
        %select_n3A_240 = arith.select %gt3A_236, %broadcast_in_dim3A_239, %select_n3A_232 : vector<16xi1>, vector<16xi32>
        %broadcast_in_dim3A_241 = arith.constant 12 : i32
        %broadcast_in_dim3A_242 = vector.broadcast %broadcast_in_dim3A_241 : i32 to vector<16xi32>
        %gather3A_243 = tpu.vector_load_idx %arg14[%add3A_131, %broadcast_in_dim3A_242] : memref<128x64xf32, #tpu.memory_space<vmem>>[vector<16xi32>, vector<16xi32>], vector<16xf32>,
        %gt3A_244 = arith.cmpf ogt, %gather3A_243, %select_n3A_237 : vector<16xf32>
        %select_n3A_245 = arith.select %gt3A_244, %gather3A_243, %select_n3A_237 : vector<16xi1>, vector<16xf32>
        %jit3A_246 = arith.constant 12 : i32
        %broadcast_in_dim3A_247 = vector.broadcast %jit3A_246 : i32 to vector<16xi32>
        %select_n3A_248 = arith.select %gt3A_244, %broadcast_in_dim3A_247, %select_n3A_240 : vector<16xi1>, vector<16xi32>
        %broadcast_in_dim3A_249 = arith.constant 13 : i32
        %broadcast_in_dim3A_250 = vector.broadcast %broadcast_in_dim3A_249 : i32 to vector<16xi32>
        %gather3A_251 = tpu.vector_load_idx %arg14[%add3A_131, %broadcast_in_dim3A_250] : memref<128x64xf32, #tpu.memory_space<vmem>>[vector<16xi32>, vector<16xi32>], vector<16xf32>,
        %gt3A_252 = arith.cmpf ogt, %gather3A_251, %select_n3A_245 : vector<16xf32>
        %select_n3A_253 = arith.select %gt3A_252, %gather3A_251, %select_n3A_245 : vector<16xi1>, vector<16xf32>
        %jit3A_254 = arith.constant 13 : i32
        %broadcast_in_dim3A_255 = vector.broadcast %jit3A_254 : i32 to vector<16xi32>
        %select_n3A_256 = arith.select %gt3A_252, %broadcast_in_dim3A_255, %select_n3A_248 : vector<16xi1>, vector<16xi32>
        %broadcast_in_dim3A_257 = arith.constant 14 : i32
        %broadcast_in_dim3A_258 = vector.broadcast %broadcast_in_dim3A_257 : i32 to vector<16xi32>
        %gather3A_259 = tpu.vector_load_idx %arg14[%add3A_131, %broadcast_in_dim3A_258] : memref<128x64xf32, #tpu.memory_space<vmem>>[vector<16xi32>, vector<16xi32>], vector<16xf32>,
        %gt3A_260 = arith.cmpf ogt, %gather3A_259, %select_n3A_253 : vector<16xf32>
        %select_n3A_261 = arith.select %gt3A_260, %gather3A_259, %select_n3A_253 : vector<16xi1>, vector<16xf32>
        %jit3A_262 = arith.constant 14 : i32
        %broadcast_in_dim3A_263 = vector.broadcast %jit3A_262 : i32 to vector<16xi32>
        %select_n3A_264 = arith.select %gt3A_260, %broadcast_in_dim3A_263, %select_n3A_256 : vector<16xi1>, vector<16xi32>
        %broadcast_in_dim3A_265 = arith.constant 15 : i32
        %broadcast_in_dim3A_266 = vector.broadcast %broadcast_in_dim3A_265 : i32 to vector<16xi32>
        %gather3A_267 = tpu.vector_load_idx %arg14[%add3A_131, %broadcast_in_dim3A_266] : memref<128x64xf32, #tpu.memory_space<vmem>>[vector<16xi32>, vector<16xi32>], vector<16xf32>,
        %gt3A_268 = arith.cmpf ogt, %gather3A_267, %select_n3A_261 : vector<16xf32>
        %select_n3A_269 = arith.select %gt3A_268, %gather3A_267, %select_n3A_261 : vector<16xi1>, vector<16xf32>
        %jit3A_270 = arith.constant 15 : i32
        %broadcast_in_dim3A_271 = vector.broadcast %jit3A_270 : i32 to vector<16xi32>
        %select_n3A_272 = arith.select %gt3A_268, %broadcast_in_dim3A_271, %select_n3A_264 : vector<16xi1>, vector<16xi32>
        %broadcast_in_dim3A_273 = arith.constant -1.000000e+00 : f32
        %broadcast_in_dim3A_274 = vector.broadcast %broadcast_in_dim3A_273 : f32 to vector<16xf32>
        %broadcast_in_dim3A_275 = arith.constant 64 : i32
        %broadcast_in_dim3A_276 = vector.broadcast %broadcast_in_dim3A_275 : i32 to vector<16xi32>
        %broadcast_in_dim3A_277 = arith.constant 16 : i32
        %broadcast_in_dim3A_278 = vector.broadcast %broadcast_in_dim3A_277 : i32 to vector<16xi32>
        %gather3A_279 = tpu.vector_load_idx %arg14[%add3A_131, %broadcast_in_dim3A_278] : memref<128x64xf32, #tpu.memory_space<vmem>>[vector<16xi32>, vector<16xi32>], vector<16xf32>,
        %gt3A_280 = arith.cmpf ogt, %gather3A_279, %broadcast_in_dim3A_274 : vector<16xf32>
        %select_n3A_281 = arith.select %gt3A_280, %gather3A_279, %broadcast_in_dim3A_274 : vector<16xi1>, vector<16xf32>
        %jit3A_282 = arith.constant 16 : i32
        %broadcast_in_dim3A_283 = vector.broadcast %jit3A_282 : i32 to vector<16xi32>
        %select_n3A_284 = arith.select %gt3A_280, %broadcast_in_dim3A_283, %broadcast_in_dim3A_276 : vector<16xi1>, vector<16xi32>
        %broadcast_in_dim3A_285 = arith.constant 17 : i32
        %broadcast_in_dim3A_286 = vector.broadcast %broadcast_in_dim3A_285 : i32 to vector<16xi32>
        %gather3A_287 = tpu.vector_load_idx %arg14[%add3A_131, %broadcast_in_dim3A_286] : memref<128x64xf32, #tpu.memory_space<vmem>>[vector<16xi32>, vector<16xi32>], vector<16xf32>,
        %gt3A_288 = arith.cmpf ogt, %gather3A_287, %select_n3A_281 : vector<16xf32>
        %select_n3A_289 = arith.select %gt3A_288, %gather3A_287, %select_n3A_281 : vector<16xi1>, vector<16xf32>
        %jit3A_290 = arith.constant 17 : i32
        %broadcast_in_dim3A_291 = vector.broadcast %jit3A_290 : i32 to vector<16xi32>
        %select_n3A_292 = arith.select %gt3A_288, %broadcast_in_dim3A_291, %select_n3A_284 : vector<16xi1>, vector<16xi32>
        %broadcast_in_dim3A_293 = arith.constant 18 : i32
        %broadcast_in_dim3A_294 = vector.broadcast %broadcast_in_dim3A_293 : i32 to vector<16xi32>
        %gather3A_295 = tpu.vector_load_idx %arg14[%add3A_131, %broadcast_in_dim3A_294] : memref<128x64xf32, #tpu.memory_space<vmem>>[vector<16xi32>, vector<16xi32>], vector<16xf32>,
        %gt3A_296 = arith.cmpf ogt, %gather3A_295, %select_n3A_289 : vector<16xf32>
        %select_n3A_297 = arith.select %gt3A_296, %gather3A_295, %select_n3A_289 : vector<16xi1>, vector<16xf32>
        %jit3A_298 = arith.constant 18 : i32
        %broadcast_in_dim3A_299 = vector.broadcast %jit3A_298 : i32 to vector<16xi32>
        %select_n3A_300 = arith.select %gt3A_296, %broadcast_in_dim3A_299, %select_n3A_292 : vector<16xi1>, vector<16xi32>
        %broadcast_in_dim3A_301 = arith.constant 19 : i32
        %broadcast_in_dim3A_302 = vector.broadcast %broadcast_in_dim3A_301 : i32 to vector<16xi32>
        %gather3A_303 = tpu.vector_load_idx %arg14[%add3A_131, %broadcast_in_dim3A_302] : memref<128x64xf32, #tpu.memory_space<vmem>>[vector<16xi32>, vector<16xi32>], vector<16xf32>,
        %gt3A_304 = arith.cmpf ogt, %gather3A_303, %select_n3A_297 : vector<16xf32>
        %select_n3A_305 = arith.select %gt3A_304, %gather3A_303, %select_n3A_297 : vector<16xi1>, vector<16xf32>
        %jit3A_306 = arith.constant 19 : i32
        %broadcast_in_dim3A_307 = vector.broadcast %jit3A_306 : i32 to vector<16xi32>
        %select_n3A_308 = arith.select %gt3A_304, %broadcast_in_dim3A_307, %select_n3A_300 : vector<16xi1>, vector<16xi32>
        %broadcast_in_dim3A_309 = arith.constant 20 : i32
        %broadcast_in_dim3A_310 = vector.broadcast %broadcast_in_dim3A_309 : i32 to vector<16xi32>
        %gather3A_311 = tpu.vector_load_idx %arg14[%add3A_131, %broadcast_in_dim3A_310] : memref<128x64xf32, #tpu.memory_space<vmem>>[vector<16xi32>, vector<16xi32>], vector<16xf32>,
        %gt3A_312 = arith.cmpf ogt, %gather3A_311, %select_n3A_305 : vector<16xf32>
        %select_n3A_313 = arith.select %gt3A_312, %gather3A_311, %select_n3A_305 : vector<16xi1>, vector<16xf32>
        %jit3A_314 = arith.constant 20 : i32
        %broadcast_in_dim3A_315 = vector.broadcast %jit3A_314 : i32 to vector<16xi32>
        %select_n3A_316 = arith.select %gt3A_312, %broadcast_in_dim3A_315, %select_n3A_308 : vector<16xi1>, vector<16xi32>
        %broadcast_in_dim3A_317 = arith.constant 21 : i32
        %broadcast_in_dim3A_318 = vector.broadcast %broadcast_in_dim3A_317 : i32 to vector<16xi32>
        %gather3A_319 = tpu.vector_load_idx %arg14[%add3A_131, %broadcast_in_dim3A_318] : memref<128x64xf32, #tpu.memory_space<vmem>>[vector<16xi32>, vector<16xi32>], vector<16xf32>,
        %gt3A_320 = arith.cmpf ogt, %gather3A_319, %select_n3A_313 : vector<16xf32>
        %select_n3A_321 = arith.select %gt3A_320, %gather3A_319, %select_n3A_313 : vector<16xi1>, vector<16xf32>
        %jit3A_322 = arith.constant 21 : i32
        %broadcast_in_dim3A_323 = vector.broadcast %jit3A_322 : i32 to vector<16xi32>
        %select_n3A_324 = arith.select %gt3A_320, %broadcast_in_dim3A_323, %select_n3A_316 : vector<16xi1>, vector<16xi32>
        %broadcast_in_dim3A_325 = arith.constant 22 : i32
        %broadcast_in_dim3A_326 = vector.broadcast %broadcast_in_dim3A_325 : i32 to vector<16xi32>
        %gather3A_327 = tpu.vector_load_idx %arg14[%add3A_131, %broadcast_in_dim3A_326] : memref<128x64xf32, #tpu.memory_space<vmem>>[vector<16xi32>, vector<16xi32>], vector<16xf32>,
        %gt3A_328 = arith.cmpf ogt, %gather3A_327, %select_n3A_321 : vector<16xf32>
        %select_n3A_329 = arith.select %gt3A_328, %gather3A_327, %select_n3A_321 : vector<16xi1>, vector<16xf32>
        %jit3A_330 = arith.constant 22 : i32
        %broadcast_in_dim3A_331 = vector.broadcast %jit3A_330 : i32 to vector<16xi32>
        %select_n3A_332 = arith.select %gt3A_328, %broadcast_in_dim3A_331, %select_n3A_324 : vector<16xi1>, vector<16xi32>
        %broadcast_in_dim3A_333 = arith.constant 23 : i32
        %broadcast_in_dim3A_334 = vector.broadcast %broadcast_in_dim3A_333 : i32 to vector<16xi32>
        %gather3A_335 = tpu.vector_load_idx %arg14[%add3A_131, %broadcast_in_dim3A_334] : memref<128x64xf32, #tpu.memory_space<vmem>>[vector<16xi32>, vector<16xi32>], vector<16xf32>,
        %gt3A_336 = arith.cmpf ogt, %gather3A_335, %select_n3A_329 : vector<16xf32>
        %select_n3A_337 = arith.select %gt3A_336, %gather3A_335, %select_n3A_329 : vector<16xi1>, vector<16xf32>
        %jit3A_338 = arith.constant 23 : i32
        %broadcast_in_dim3A_339 = vector.broadcast %jit3A_338 : i32 to vector<16xi32>
        %select_n3A_340 = arith.select %gt3A_336, %broadcast_in_dim3A_339, %select_n3A_332 : vector<16xi1>, vector<16xi32>
        %broadcast_in_dim3A_341 = arith.constant 24 : i32
        %broadcast_in_dim3A_342 = vector.broadcast %broadcast_in_dim3A_341 : i32 to vector<16xi32>
        %gather3A_343 = tpu.vector_load_idx %arg14[%add3A_131, %broadcast_in_dim3A_342] : memref<128x64xf32, #tpu.memory_space<vmem>>[vector<16xi32>, vector<16xi32>], vector<16xf32>,
        %gt3A_344 = arith.cmpf ogt, %gather3A_343, %select_n3A_337 : vector<16xf32>
        %select_n3A_345 = arith.select %gt3A_344, %gather3A_343, %select_n3A_337 : vector<16xi1>, vector<16xf32>
        %jit3A_346 = arith.constant 24 : i32
        %broadcast_in_dim3A_347 = vector.broadcast %jit3A_346 : i32 to vector<16xi32>
        %select_n3A_348 = arith.select %gt3A_344, %broadcast_in_dim3A_347, %select_n3A_340 : vector<16xi1>, vector<16xi32>
        %broadcast_in_dim3A_349 = arith.constant 25 : i32
        %broadcast_in_dim3A_350 = vector.broadcast %broadcast_in_dim3A_349 : i32 to vector<16xi32>
        %gather3A_351 = tpu.vector_load_idx %arg14[%add3A_131, %broadcast_in_dim3A_350] : memref<128x64xf32, #tpu.memory_space<vmem>>[vector<16xi32>, vector<16xi32>], vector<16xf32>,
        %gt3A_352 = arith.cmpf ogt, %gather3A_351, %select_n3A_345 : vector<16xf32>
        %select_n3A_353 = arith.select %gt3A_352, %gather3A_351, %select_n3A_345 : vector<16xi1>, vector<16xf32>
        %jit3A_354 = arith.constant 25 : i32
        %broadcast_in_dim3A_355 = vector.broadcast %jit3A_354 : i32 to vector<16xi32>
        %select_n3A_356 = arith.select %gt3A_352, %broadcast_in_dim3A_355, %select_n3A_348 : vector<16xi1>, vector<16xi32>
        %broadcast_in_dim3A_357 = arith.constant 26 : i32
        %broadcast_in_dim3A_358 = vector.broadcast %broadcast_in_dim3A_357 : i32 to vector<16xi32>
        %gather3A_359 = tpu.vector_load_idx %arg14[%add3A_131, %broadcast_in_dim3A_358] : memref<128x64xf32, #tpu.memory_space<vmem>>[vector<16xi32>, vector<16xi32>], vector<16xf32>,
        %gt3A_360 = arith.cmpf ogt, %gather3A_359, %select_n3A_353 : vector<16xf32>
        %select_n3A_361 = arith.select %gt3A_360, %gather3A_359, %select_n3A_353 : vector<16xi1>, vector<16xf32>
        %jit3A_362 = arith.constant 26 : i32
        %broadcast_in_dim3A_363 = vector.broadcast %jit3A_362 : i32 to vector<16xi32>
        %select_n3A_364 = arith.select %gt3A_360, %broadcast_in_dim3A_363, %select_n3A_356 : vector<16xi1>, vector<16xi32>
        %broadcast_in_dim3A_365 = arith.constant 27 : i32
        %broadcast_in_dim3A_366 = vector.broadcast %broadcast_in_dim3A_365 : i32 to vector<16xi32>
        %gather3A_367 = tpu.vector_load_idx %arg14[%add3A_131, %broadcast_in_dim3A_366] : memref<128x64xf32, #tpu.memory_space<vmem>>[vector<16xi32>, vector<16xi32>], vector<16xf32>,
        %gt3A_368 = arith.cmpf ogt, %gather3A_367, %select_n3A_361 : vector<16xf32>
        %select_n3A_369 = arith.select %gt3A_368, %gather3A_367, %select_n3A_361 : vector<16xi1>, vector<16xf32>
        %jit3A_370 = arith.constant 27 : i32
        %broadcast_in_dim3A_371 = vector.broadcast %jit3A_370 : i32 to vector<16xi32>
        %select_n3A_372 = arith.select %gt3A_368, %broadcast_in_dim3A_371, %select_n3A_364 : vector<16xi1>, vector<16xi32>
        %broadcast_in_dim3A_373 = arith.constant 28 : i32
        %broadcast_in_dim3A_374 = vector.broadcast %broadcast_in_dim3A_373 : i32 to vector<16xi32>
        %gather3A_375 = tpu.vector_load_idx %arg14[%add3A_131, %broadcast_in_dim3A_374] : memref<128x64xf32, #tpu.memory_space<vmem>>[vector<16xi32>, vector<16xi32>], vector<16xf32>,
        %gt3A_376 = arith.cmpf ogt, %gather3A_375, %select_n3A_369 : vector<16xf32>
        %select_n3A_377 = arith.select %gt3A_376, %gather3A_375, %select_n3A_369 : vector<16xi1>, vector<16xf32>
        %jit3A_378 = arith.constant 28 : i32
        %broadcast_in_dim3A_379 = vector.broadcast %jit3A_378 : i32 to vector<16xi32>
        %select_n3A_380 = arith.select %gt3A_376, %broadcast_in_dim3A_379, %select_n3A_372 : vector<16xi1>, vector<16xi32>
        %broadcast_in_dim3A_381 = arith.constant 29 : i32
        %broadcast_in_dim3A_382 = vector.broadcast %broadcast_in_dim3A_381 : i32 to vector<16xi32>
        %gather3A_383 = tpu.vector_load_idx %arg14[%add3A_131, %broadcast_in_dim3A_382] : memref<128x64xf32, #tpu.memory_space<vmem>>[vector<16xi32>, vector<16xi32>], vector<16xf32>,
        %gt3A_384 = arith.cmpf ogt, %gather3A_383, %select_n3A_377 : vector<16xf32>
        %select_n3A_385 = arith.select %gt3A_384, %gather3A_383, %select_n3A_377 : vector<16xi1>, vector<16xf32>
        %jit3A_386 = arith.constant 29 : i32
        %broadcast_in_dim3A_387 = vector.broadcast %jit3A_386 : i32 to vector<16xi32>
        %select_n3A_388 = arith.select %gt3A_384, %broadcast_in_dim3A_387, %select_n3A_380 : vector<16xi1>, vector<16xi32>
        %broadcast_in_dim3A_389 = arith.constant 30 : i32
        %broadcast_in_dim3A_390 = vector.broadcast %broadcast_in_dim3A_389 : i32 to vector<16xi32>
        %gather3A_391 = tpu.vector_load_idx %arg14[%add3A_131, %broadcast_in_dim3A_390] : memref<128x64xf32, #tpu.memory_space<vmem>>[vector<16xi32>, vector<16xi32>], vector<16xf32>,
        %gt3A_392 = arith.cmpf ogt, %gather3A_391, %select_n3A_385 : vector<16xf32>
        %select_n3A_393 = arith.select %gt3A_392, %gather3A_391, %select_n3A_385 : vector<16xi1>, vector<16xf32>
        %jit3A_394 = arith.constant 30 : i32
        %broadcast_in_dim3A_395 = vector.broadcast %jit3A_394 : i32 to vector<16xi32>
        %select_n3A_396 = arith.select %gt3A_392, %broadcast_in_dim3A_395, %select_n3A_388 : vector<16xi1>, vector<16xi32>
        %broadcast_in_dim3A_397 = arith.constant 31 : i32
        %broadcast_in_dim3A_398 = vector.broadcast %broadcast_in_dim3A_397 : i32 to vector<16xi32>
        %gather3A_399 = tpu.vector_load_idx %arg14[%add3A_131, %broadcast_in_dim3A_398] : memref<128x64xf32, #tpu.memory_space<vmem>>[vector<16xi32>, vector<16xi32>], vector<16xf32>,
        %gt3A_400 = arith.cmpf ogt, %gather3A_399, %select_n3A_393 : vector<16xf32>
        %select_n3A_401 = arith.select %gt3A_400, %gather3A_399, %select_n3A_393 : vector<16xi1>, vector<16xf32>
        %jit3A_402 = arith.constant 31 : i32
        %broadcast_in_dim3A_403 = vector.broadcast %jit3A_402 : i32 to vector<16xi32>
        %select_n3A_404 = arith.select %gt3A_400, %broadcast_in_dim3A_403, %select_n3A_396 : vector<16xi1>, vector<16xi32>
        %broadcast_in_dim3A_405 = arith.constant -1.000000e+00 : f32
        %broadcast_in_dim3A_406 = vector.broadcast %broadcast_in_dim3A_405 : f32 to vector<16xf32>
        %broadcast_in_dim3A_407 = arith.constant 64 : i32
        %broadcast_in_dim3A_408 = vector.broadcast %broadcast_in_dim3A_407 : i32 to vector<16xi32>
        %broadcast_in_dim3A_409 = arith.constant 32 : i32
        %broadcast_in_dim3A_410 = vector.broadcast %broadcast_in_dim3A_409 : i32 to vector<16xi32>
        %gather3A_411 = tpu.vector_load_idx %arg14[%add3A_131, %broadcast_in_dim3A_410] : memref<128x64xf32, #tpu.memory_space<vmem>>[vector<16xi32>, vector<16xi32>], vector<16xf32>,
        %gt3A_412 = arith.cmpf ogt, %gather3A_411, %broadcast_in_dim3A_406 : vector<16xf32>
        %select_n3A_413 = arith.select %gt3A_412, %gather3A_411, %broadcast_in_dim3A_406 : vector<16xi1>, vector<16xf32>
        %jit3A_414 = arith.constant 32 : i32
        %broadcast_in_dim3A_415 = vector.broadcast %jit3A_414 : i32 to vector<16xi32>
        %select_n3A_416 = arith.select %gt3A_412, %broadcast_in_dim3A_415, %broadcast_in_dim3A_408 : vector<16xi1>, vector<16xi32>
        %broadcast_in_dim3A_417 = arith.constant 33 : i32
        %broadcast_in_dim3A_418 = vector.broadcast %broadcast_in_dim3A_417 : i32 to vector<16xi32>
        %gather3A_419 = tpu.vector_load_idx %arg14[%add3A_131, %broadcast_in_dim3A_418] : memref<128x64xf32, #tpu.memory_space<vmem>>[vector<16xi32>, vector<16xi32>], vector<16xf32>,
        %gt3A_420 = arith.cmpf ogt, %gather3A_419, %select_n3A_413 : vector<16xf32>
        %select_n3A_421 = arith.select %gt3A_420, %gather3A_419, %select_n3A_413 : vector<16xi1>, vector<16xf32>
        %jit3A_422 = arith.constant 33 : i32
        %broadcast_in_dim3A_423 = vector.broadcast %jit3A_422 : i32 to vector<16xi32>
        %select_n3A_424 = arith.select %gt3A_420, %broadcast_in_dim3A_423, %select_n3A_416 : vector<16xi1>, vector<16xi32>
        %broadcast_in_dim3A_425 = arith.constant 34 : i32
        %broadcast_in_dim3A_426 = vector.broadcast %broadcast_in_dim3A_425 : i32 to vector<16xi32>
        %gather3A_427 = tpu.vector_load_idx %arg14[%add3A_131, %broadcast_in_dim3A_426] : memref<128x64xf32, #tpu.memory_space<vmem>>[vector<16xi32>, vector<16xi32>], vector<16xf32>,
        %gt3A_428 = arith.cmpf ogt, %gather3A_427, %select_n3A_421 : vector<16xf32>
        %select_n3A_429 = arith.select %gt3A_428, %gather3A_427, %select_n3A_421 : vector<16xi1>, vector<16xf32>
        %jit3A_430 = arith.constant 34 : i32
        %broadcast_in_dim3A_431 = vector.broadcast %jit3A_430 : i32 to vector<16xi32>
        %select_n3A_432 = arith.select %gt3A_428, %broadcast_in_dim3A_431, %select_n3A_424 : vector<16xi1>, vector<16xi32>
        %broadcast_in_dim3A_433 = arith.constant 35 : i32
        %broadcast_in_dim3A_434 = vector.broadcast %broadcast_in_dim3A_433 : i32 to vector<16xi32>
        %gather3A_435 = tpu.vector_load_idx %arg14[%add3A_131, %broadcast_in_dim3A_434] : memref<128x64xf32, #tpu.memory_space<vmem>>[vector<16xi32>, vector<16xi32>], vector<16xf32>,
        %gt3A_436 = arith.cmpf ogt, %gather3A_435, %select_n3A_429 : vector<16xf32>
        %select_n3A_437 = arith.select %gt3A_436, %gather3A_435, %select_n3A_429 : vector<16xi1>, vector<16xf32>
        %jit3A_438 = arith.constant 35 : i32
        %broadcast_in_dim3A_439 = vector.broadcast %jit3A_438 : i32 to vector<16xi32>
        %select_n3A_440 = arith.select %gt3A_436, %broadcast_in_dim3A_439, %select_n3A_432 : vector<16xi1>, vector<16xi32>
        %broadcast_in_dim3A_441 = arith.constant 36 : i32
        %broadcast_in_dim3A_442 = vector.broadcast %broadcast_in_dim3A_441 : i32 to vector<16xi32>
        %gather3A_443 = tpu.vector_load_idx %arg14[%add3A_131, %broadcast_in_dim3A_442] : memref<128x64xf32, #tpu.memory_space<vmem>>[vector<16xi32>, vector<16xi32>], vector<16xf32>,
        %gt3A_444 = arith.cmpf ogt, %gather3A_443, %select_n3A_437 : vector<16xf32>
        %select_n3A_445 = arith.select %gt3A_444, %gather3A_443, %select_n3A_437 : vector<16xi1>, vector<16xf32>
        %jit3A_446 = arith.constant 36 : i32
        %broadcast_in_dim3A_447 = vector.broadcast %jit3A_446 : i32 to vector<16xi32>
        %select_n3A_448 = arith.select %gt3A_444, %broadcast_in_dim3A_447, %select_n3A_440 : vector<16xi1>, vector<16xi32>
        %broadcast_in_dim3A_449 = arith.constant 37 : i32
        %broadcast_in_dim3A_450 = vector.broadcast %broadcast_in_dim3A_449 : i32 to vector<16xi32>
        %gather3A_451 = tpu.vector_load_idx %arg14[%add3A_131, %broadcast_in_dim3A_450] : memref<128x64xf32, #tpu.memory_space<vmem>>[vector<16xi32>, vector<16xi32>], vector<16xf32>,
        %gt3A_452 = arith.cmpf ogt, %gather3A_451, %select_n3A_445 : vector<16xf32>
        %select_n3A_453 = arith.select %gt3A_452, %gather3A_451, %select_n3A_445 : vector<16xi1>, vector<16xf32>
        %jit3A_454 = arith.constant 37 : i32
        %broadcast_in_dim3A_455 = vector.broadcast %jit3A_454 : i32 to vector<16xi32>
        %select_n3A_456 = arith.select %gt3A_452, %broadcast_in_dim3A_455, %select_n3A_448 : vector<16xi1>, vector<16xi32>
        %broadcast_in_dim3A_457 = arith.constant 38 : i32
        %broadcast_in_dim3A_458 = vector.broadcast %broadcast_in_dim3A_457 : i32 to vector<16xi32>
        %gather3A_459 = tpu.vector_load_idx %arg14[%add3A_131, %broadcast_in_dim3A_458] : memref<128x64xf32, #tpu.memory_space<vmem>>[vector<16xi32>, vector<16xi32>], vector<16xf32>,
        %gt3A_460 = arith.cmpf ogt, %gather3A_459, %select_n3A_453 : vector<16xf32>
        %select_n3A_461 = arith.select %gt3A_460, %gather3A_459, %select_n3A_453 : vector<16xi1>, vector<16xf32>
        %jit3A_462 = arith.constant 38 : i32
        %broadcast_in_dim3A_463 = vector.broadcast %jit3A_462 : i32 to vector<16xi32>
        %select_n3A_464 = arith.select %gt3A_460, %broadcast_in_dim3A_463, %select_n3A_456 : vector<16xi1>, vector<16xi32>
        %broadcast_in_dim3A_465 = arith.constant 39 : i32
        %broadcast_in_dim3A_466 = vector.broadcast %broadcast_in_dim3A_465 : i32 to vector<16xi32>
        %gather3A_467 = tpu.vector_load_idx %arg14[%add3A_131, %broadcast_in_dim3A_466] : memref<128x64xf32, #tpu.memory_space<vmem>>[vector<16xi32>, vector<16xi32>], vector<16xf32>,
        %gt3A_468 = arith.cmpf ogt, %gather3A_467, %select_n3A_461 : vector<16xf32>
        %select_n3A_469 = arith.select %gt3A_468, %gather3A_467, %select_n3A_461 : vector<16xi1>, vector<16xf32>
        %jit3A_470 = arith.constant 39 : i32
        %broadcast_in_dim3A_471 = vector.broadcast %jit3A_470 : i32 to vector<16xi32>
        %select_n3A_472 = arith.select %gt3A_468, %broadcast_in_dim3A_471, %select_n3A_464 : vector<16xi1>, vector<16xi32>
        %broadcast_in_dim3A_473 = arith.constant 40 : i32
        %broadcast_in_dim3A_474 = vector.broadcast %broadcast_in_dim3A_473 : i32 to vector<16xi32>
        %gather3A_475 = tpu.vector_load_idx %arg14[%add3A_131, %broadcast_in_dim3A_474] : memref<128x64xf32, #tpu.memory_space<vmem>>[vector<16xi32>, vector<16xi32>], vector<16xf32>,
        %gt3A_476 = arith.cmpf ogt, %gather3A_475, %select_n3A_469 : vector<16xf32>
        %select_n3A_477 = arith.select %gt3A_476, %gather3A_475, %select_n3A_469 : vector<16xi1>, vector<16xf32>
        %jit3A_478 = arith.constant 40 : i32
        %broadcast_in_dim3A_479 = vector.broadcast %jit3A_478 : i32 to vector<16xi32>
        %select_n3A_480 = arith.select %gt3A_476, %broadcast_in_dim3A_479, %select_n3A_472 : vector<16xi1>, vector<16xi32>
        %broadcast_in_dim3A_481 = arith.constant 41 : i32
        %broadcast_in_dim3A_482 = vector.broadcast %broadcast_in_dim3A_481 : i32 to vector<16xi32>
        %gather3A_483 = tpu.vector_load_idx %arg14[%add3A_131, %broadcast_in_dim3A_482] : memref<128x64xf32, #tpu.memory_space<vmem>>[vector<16xi32>, vector<16xi32>], vector<16xf32>,
        %gt3A_484 = arith.cmpf ogt, %gather3A_483, %select_n3A_477 : vector<16xf32>
        %select_n3A_485 = arith.select %gt3A_484, %gather3A_483, %select_n3A_477 : vector<16xi1>, vector<16xf32>
        %jit3A_486 = arith.constant 41 : i32
        %broadcast_in_dim3A_487 = vector.broadcast %jit3A_486 : i32 to vector<16xi32>
        %select_n3A_488 = arith.select %gt3A_484, %broadcast_in_dim3A_487, %select_n3A_480 : vector<16xi1>, vector<16xi32>
        %broadcast_in_dim3A_489 = arith.constant 42 : i32
        %broadcast_in_dim3A_490 = vector.broadcast %broadcast_in_dim3A_489 : i32 to vector<16xi32>
        %gather3A_491 = tpu.vector_load_idx %arg14[%add3A_131, %broadcast_in_dim3A_490] : memref<128x64xf32, #tpu.memory_space<vmem>>[vector<16xi32>, vector<16xi32>], vector<16xf32>,
        %gt3A_492 = arith.cmpf ogt, %gather3A_491, %select_n3A_485 : vector<16xf32>
        %select_n3A_493 = arith.select %gt3A_492, %gather3A_491, %select_n3A_485 : vector<16xi1>, vector<16xf32>
        %jit3A_494 = arith.constant 42 : i32
        %broadcast_in_dim3A_495 = vector.broadcast %jit3A_494 : i32 to vector<16xi32>
        %select_n3A_496 = arith.select %gt3A_492, %broadcast_in_dim3A_495, %select_n3A_488 : vector<16xi1>, vector<16xi32>
        %broadcast_in_dim3A_497 = arith.constant 43 : i32
        %broadcast_in_dim3A_498 = vector.broadcast %broadcast_in_dim3A_497 : i32 to vector<16xi32>
        %gather3A_499 = tpu.vector_load_idx %arg14[%add3A_131, %broadcast_in_dim3A_498] : memref<128x64xf32, #tpu.memory_space<vmem>>[vector<16xi32>, vector<16xi32>], vector<16xf32>,
        %gt3A_500 = arith.cmpf ogt, %gather3A_499, %select_n3A_493 : vector<16xf32>
        %select_n3A_501 = arith.select %gt3A_500, %gather3A_499, %select_n3A_493 : vector<16xi1>, vector<16xf32>
        %jit3A_502 = arith.constant 43 : i32
        %broadcast_in_dim3A_503 = vector.broadcast %jit3A_502 : i32 to vector<16xi32>
        %select_n3A_504 = arith.select %gt3A_500, %broadcast_in_dim3A_503, %select_n3A_496 : vector<16xi1>, vector<16xi32>
        %broadcast_in_dim3A_505 = arith.constant 44 : i32
        %broadcast_in_dim3A_506 = vector.broadcast %broadcast_in_dim3A_505 : i32 to vector<16xi32>
        %gather3A_507 = tpu.vector_load_idx %arg14[%add3A_131, %broadcast_in_dim3A_506] : memref<128x64xf32, #tpu.memory_space<vmem>>[vector<16xi32>, vector<16xi32>], vector<16xf32>,
        %gt3A_508 = arith.cmpf ogt, %gather3A_507, %select_n3A_501 : vector<16xf32>
        %select_n3A_509 = arith.select %gt3A_508, %gather3A_507, %select_n3A_501 : vector<16xi1>, vector<16xf32>
        %jit3A_510 = arith.constant 44 : i32
        %broadcast_in_dim3A_511 = vector.broadcast %jit3A_510 : i32 to vector<16xi32>
        %select_n3A_512 = arith.select %gt3A_508, %broadcast_in_dim3A_511, %select_n3A_504 : vector<16xi1>, vector<16xi32>
        %broadcast_in_dim3A_513 = arith.constant 45 : i32
        %broadcast_in_dim3A_514 = vector.broadcast %broadcast_in_dim3A_513 : i32 to vector<16xi32>
        %gather3A_515 = tpu.vector_load_idx %arg14[%add3A_131, %broadcast_in_dim3A_514] : memref<128x64xf32, #tpu.memory_space<vmem>>[vector<16xi32>, vector<16xi32>], vector<16xf32>,
        %gt3A_516 = arith.cmpf ogt, %gather3A_515, %select_n3A_509 : vector<16xf32>
        %select_n3A_517 = arith.select %gt3A_516, %gather3A_515, %select_n3A_509 : vector<16xi1>, vector<16xf32>
        %jit3A_518 = arith.constant 45 : i32
        %broadcast_in_dim3A_519 = vector.broadcast %jit3A_518 : i32 to vector<16xi32>
        %select_n3A_520 = arith.select %gt3A_516, %broadcast_in_dim3A_519, %select_n3A_512 : vector<16xi1>, vector<16xi32>
        %broadcast_in_dim3A_521 = arith.constant 46 : i32
        %broadcast_in_dim3A_522 = vector.broadcast %broadcast_in_dim3A_521 : i32 to vector<16xi32>
        %gather3A_523 = tpu.vector_load_idx %arg14[%add3A_131, %broadcast_in_dim3A_522] : memref<128x64xf32, #tpu.memory_space<vmem>>[vector<16xi32>, vector<16xi32>], vector<16xf32>,
        %gt3A_524 = arith.cmpf ogt, %gather3A_523, %select_n3A_517 : vector<16xf32>
        %select_n3A_525 = arith.select %gt3A_524, %gather3A_523, %select_n3A_517 : vector<16xi1>, vector<16xf32>
        %jit3A_526 = arith.constant 46 : i32
        %broadcast_in_dim3A_527 = vector.broadcast %jit3A_526 : i32 to vector<16xi32>
        %select_n3A_528 = arith.select %gt3A_524, %broadcast_in_dim3A_527, %select_n3A_520 : vector<16xi1>, vector<16xi32>
        %broadcast_in_dim3A_529 = arith.constant 47 : i32
        %broadcast_in_dim3A_530 = vector.broadcast %broadcast_in_dim3A_529 : i32 to vector<16xi32>
        %gather3A_531 = tpu.vector_load_idx %arg14[%add3A_131, %broadcast_in_dim3A_530] : memref<128x64xf32, #tpu.memory_space<vmem>>[vector<16xi32>, vector<16xi32>], vector<16xf32>,
        %gt3A_532 = arith.cmpf ogt, %gather3A_531, %select_n3A_525 : vector<16xf32>
        %select_n3A_533 = arith.select %gt3A_532, %gather3A_531, %select_n3A_525 : vector<16xi1>, vector<16xf32>
        %jit3A_534 = arith.constant 47 : i32
        %broadcast_in_dim3A_535 = vector.broadcast %jit3A_534 : i32 to vector<16xi32>
        %select_n3A_536 = arith.select %gt3A_532, %broadcast_in_dim3A_535, %select_n3A_528 : vector<16xi1>, vector<16xi32>
        %broadcast_in_dim3A_537 = arith.constant -1.000000e+00 : f32
        %broadcast_in_dim3A_538 = vector.broadcast %broadcast_in_dim3A_537 : f32 to vector<16xf32>
        %broadcast_in_dim3A_539 = arith.constant 64 : i32
        %broadcast_in_dim3A_540 = vector.broadcast %broadcast_in_dim3A_539 : i32 to vector<16xi32>
        %broadcast_in_dim3A_541 = arith.constant 48 : i32
        %broadcast_in_dim3A_542 = vector.broadcast %broadcast_in_dim3A_541 : i32 to vector<16xi32>
        %gather3A_543 = tpu.vector_load_idx %arg14[%add3A_131, %broadcast_in_dim3A_542] : memref<128x64xf32, #tpu.memory_space<vmem>>[vector<16xi32>, vector<16xi32>], vector<16xf32>,
        %gt3A_544 = arith.cmpf ogt, %gather3A_543, %broadcast_in_dim3A_538 : vector<16xf32>
        %select_n3A_545 = arith.select %gt3A_544, %gather3A_543, %broadcast_in_dim3A_538 : vector<16xi1>, vector<16xf32>
        %jit3A_546 = arith.constant 48 : i32
        %broadcast_in_dim3A_547 = vector.broadcast %jit3A_546 : i32 to vector<16xi32>
        %select_n3A_548 = arith.select %gt3A_544, %broadcast_in_dim3A_547, %broadcast_in_dim3A_540 : vector<16xi1>, vector<16xi32>
        %broadcast_in_dim3A_549 = arith.constant 49 : i32
        %broadcast_in_dim3A_550 = vector.broadcast %broadcast_in_dim3A_549 : i32 to vector<16xi32>
        %gather3A_551 = tpu.vector_load_idx %arg14[%add3A_131, %broadcast_in_dim3A_550] : memref<128x64xf32, #tpu.memory_space<vmem>>[vector<16xi32>, vector<16xi32>], vector<16xf32>,
        %gt3A_552 = arith.cmpf ogt, %gather3A_551, %select_n3A_545 : vector<16xf32>
        %select_n3A_553 = arith.select %gt3A_552, %gather3A_551, %select_n3A_545 : vector<16xi1>, vector<16xf32>
        %jit3A_554 = arith.constant 49 : i32
        %broadcast_in_dim3A_555 = vector.broadcast %jit3A_554 : i32 to vector<16xi32>
        %select_n3A_556 = arith.select %gt3A_552, %broadcast_in_dim3A_555, %select_n3A_548 : vector<16xi1>, vector<16xi32>
        %broadcast_in_dim3A_557 = arith.constant 50 : i32
        %broadcast_in_dim3A_558 = vector.broadcast %broadcast_in_dim3A_557 : i32 to vector<16xi32>
        %gather3A_559 = tpu.vector_load_idx %arg14[%add3A_131, %broadcast_in_dim3A_558] : memref<128x64xf32, #tpu.memory_space<vmem>>[vector<16xi32>, vector<16xi32>], vector<16xf32>,
        %gt3A_560 = arith.cmpf ogt, %gather3A_559, %select_n3A_553 : vector<16xf32>
        %select_n3A_561 = arith.select %gt3A_560, %gather3A_559, %select_n3A_553 : vector<16xi1>, vector<16xf32>
        %jit3A_562 = arith.constant 50 : i32
        %broadcast_in_dim3A_563 = vector.broadcast %jit3A_562 : i32 to vector<16xi32>
        %select_n3A_564 = arith.select %gt3A_560, %broadcast_in_dim3A_563, %select_n3A_556 : vector<16xi1>, vector<16xi32>
        %broadcast_in_dim3A_565 = arith.constant 51 : i32
        %broadcast_in_dim3A_566 = vector.broadcast %broadcast_in_dim3A_565 : i32 to vector<16xi32>
        %gather3A_567 = tpu.vector_load_idx %arg14[%add3A_131, %broadcast_in_dim3A_566] : memref<128x64xf32, #tpu.memory_space<vmem>>[vector<16xi32>, vector<16xi32>], vector<16xf32>,
        %gt3A_568 = arith.cmpf ogt, %gather3A_567, %select_n3A_561 : vector<16xf32>
        %select_n3A_569 = arith.select %gt3A_568, %gather3A_567, %select_n3A_561 : vector<16xi1>, vector<16xf32>
        %jit3A_570 = arith.constant 51 : i32
        %broadcast_in_dim3A_571 = vector.broadcast %jit3A_570 : i32 to vector<16xi32>
        %select_n3A_572 = arith.select %gt3A_568, %broadcast_in_dim3A_571, %select_n3A_564 : vector<16xi1>, vector<16xi32>
        %broadcast_in_dim3A_573 = arith.constant 52 : i32
        %broadcast_in_dim3A_574 = vector.broadcast %broadcast_in_dim3A_573 : i32 to vector<16xi32>
        %gather3A_575 = tpu.vector_load_idx %arg14[%add3A_131, %broadcast_in_dim3A_574] : memref<128x64xf32, #tpu.memory_space<vmem>>[vector<16xi32>, vector<16xi32>], vector<16xf32>,
        %gt3A_576 = arith.cmpf ogt, %gather3A_575, %select_n3A_569 : vector<16xf32>
        %select_n3A_577 = arith.select %gt3A_576, %gather3A_575, %select_n3A_569 : vector<16xi1>, vector<16xf32>
        %jit3A_578 = arith.constant 52 : i32
        %broadcast_in_dim3A_579 = vector.broadcast %jit3A_578 : i32 to vector<16xi32>
        %select_n3A_580 = arith.select %gt3A_576, %broadcast_in_dim3A_579, %select_n3A_572 : vector<16xi1>, vector<16xi32>
        %broadcast_in_dim3A_581 = arith.constant 53 : i32
        %broadcast_in_dim3A_582 = vector.broadcast %broadcast_in_dim3A_581 : i32 to vector<16xi32>
        %gather3A_583 = tpu.vector_load_idx %arg14[%add3A_131, %broadcast_in_dim3A_582] : memref<128x64xf32, #tpu.memory_space<vmem>>[vector<16xi32>, vector<16xi32>], vector<16xf32>,
        %gt3A_584 = arith.cmpf ogt, %gather3A_583, %select_n3A_577 : vector<16xf32>
        %select_n3A_585 = arith.select %gt3A_584, %gather3A_583, %select_n3A_577 : vector<16xi1>, vector<16xf32>
        %jit3A_586 = arith.constant 53 : i32
        %broadcast_in_dim3A_587 = vector.broadcast %jit3A_586 : i32 to vector<16xi32>
        %select_n3A_588 = arith.select %gt3A_584, %broadcast_in_dim3A_587, %select_n3A_580 : vector<16xi1>, vector<16xi32>
        %broadcast_in_dim3A_589 = arith.constant 54 : i32
        %broadcast_in_dim3A_590 = vector.broadcast %broadcast_in_dim3A_589 : i32 to vector<16xi32>
        %gather3A_591 = tpu.vector_load_idx %arg14[%add3A_131, %broadcast_in_dim3A_590] : memref<128x64xf32, #tpu.memory_space<vmem>>[vector<16xi32>, vector<16xi32>], vector<16xf32>,
        %gt3A_592 = arith.cmpf ogt, %gather3A_591, %select_n3A_585 : vector<16xf32>
        %select_n3A_593 = arith.select %gt3A_592, %gather3A_591, %select_n3A_585 : vector<16xi1>, vector<16xf32>
        %jit3A_594 = arith.constant 54 : i32
        %broadcast_in_dim3A_595 = vector.broadcast %jit3A_594 : i32 to vector<16xi32>
        %select_n3A_596 = arith.select %gt3A_592, %broadcast_in_dim3A_595, %select_n3A_588 : vector<16xi1>, vector<16xi32>
        %broadcast_in_dim3A_597 = arith.constant 55 : i32
        %broadcast_in_dim3A_598 = vector.broadcast %broadcast_in_dim3A_597 : i32 to vector<16xi32>
        %gather3A_599 = tpu.vector_load_idx %arg14[%add3A_131, %broadcast_in_dim3A_598] : memref<128x64xf32, #tpu.memory_space<vmem>>[vector<16xi32>, vector<16xi32>], vector<16xf32>,
        %gt3A_600 = arith.cmpf ogt, %gather3A_599, %select_n3A_593 : vector<16xf32>
        %select_n3A_601 = arith.select %gt3A_600, %gather3A_599, %select_n3A_593 : vector<16xi1>, vector<16xf32>
        %jit3A_602 = arith.constant 55 : i32
        %broadcast_in_dim3A_603 = vector.broadcast %jit3A_602 : i32 to vector<16xi32>
        %select_n3A_604 = arith.select %gt3A_600, %broadcast_in_dim3A_603, %select_n3A_596 : vector<16xi1>, vector<16xi32>
        %broadcast_in_dim3A_605 = arith.constant 56 : i32
        %broadcast_in_dim3A_606 = vector.broadcast %broadcast_in_dim3A_605 : i32 to vector<16xi32>
        %gather3A_607 = tpu.vector_load_idx %arg14[%add3A_131, %broadcast_in_dim3A_606] : memref<128x64xf32, #tpu.memory_space<vmem>>[vector<16xi32>, vector<16xi32>], vector<16xf32>,
        %gt3A_608 = arith.cmpf ogt, %gather3A_607, %select_n3A_601 : vector<16xf32>
        %select_n3A_609 = arith.select %gt3A_608, %gather3A_607, %select_n3A_601 : vector<16xi1>, vector<16xf32>
        %jit3A_610 = arith.constant 56 : i32
        %broadcast_in_dim3A_611 = vector.broadcast %jit3A_610 : i32 to vector<16xi32>
        %select_n3A_612 = arith.select %gt3A_608, %broadcast_in_dim3A_611, %select_n3A_604 : vector<16xi1>, vector<16xi32>
        %broadcast_in_dim3A_613 = arith.constant 57 : i32
        %broadcast_in_dim3A_614 = vector.broadcast %broadcast_in_dim3A_613 : i32 to vector<16xi32>
        %gather3A_615 = tpu.vector_load_idx %arg14[%add3A_131, %broadcast_in_dim3A_614] : memref<128x64xf32, #tpu.memory_space<vmem>>[vector<16xi32>, vector<16xi32>], vector<16xf32>,
        %gt3A_616 = arith.cmpf ogt, %gather3A_615, %select_n3A_609 : vector<16xf32>
        %select_n3A_617 = arith.select %gt3A_616, %gather3A_615, %select_n3A_609 : vector<16xi1>, vector<16xf32>
        %jit3A_618 = arith.constant 57 : i32
        %broadcast_in_dim3A_619 = vector.broadcast %jit3A_618 : i32 to vector<16xi32>
        %select_n3A_620 = arith.select %gt3A_616, %broadcast_in_dim3A_619, %select_n3A_612 : vector<16xi1>, vector<16xi32>
        %broadcast_in_dim3A_621 = arith.constant 58 : i32
        %broadcast_in_dim3A_622 = vector.broadcast %broadcast_in_dim3A_621 : i32 to vector<16xi32>
        %gather3A_623 = tpu.vector_load_idx %arg14[%add3A_131, %broadcast_in_dim3A_622] : memref<128x64xf32, #tpu.memory_space<vmem>>[vector<16xi32>, vector<16xi32>], vector<16xf32>,
        %gt3A_624 = arith.cmpf ogt, %gather3A_623, %select_n3A_617 : vector<16xf32>
        %select_n3A_625 = arith.select %gt3A_624, %gather3A_623, %select_n3A_617 : vector<16xi1>, vector<16xf32>
        %jit3A_626 = arith.constant 58 : i32
        %broadcast_in_dim3A_627 = vector.broadcast %jit3A_626 : i32 to vector<16xi32>
        %select_n3A_628 = arith.select %gt3A_624, %broadcast_in_dim3A_627, %select_n3A_620 : vector<16xi1>, vector<16xi32>
        %broadcast_in_dim3A_629 = arith.constant 59 : i32
        %broadcast_in_dim3A_630 = vector.broadcast %broadcast_in_dim3A_629 : i32 to vector<16xi32>
        %gather3A_631 = tpu.vector_load_idx %arg14[%add3A_131, %broadcast_in_dim3A_630] : memref<128x64xf32, #tpu.memory_space<vmem>>[vector<16xi32>, vector<16xi32>], vector<16xf32>,
        %gt3A_632 = arith.cmpf ogt, %gather3A_631, %select_n3A_625 : vector<16xf32>
        %select_n3A_633 = arith.select %gt3A_632, %gather3A_631, %select_n3A_625 : vector<16xi1>, vector<16xf32>
        %jit3A_634 = arith.constant 59 : i32
        %broadcast_in_dim3A_635 = vector.broadcast %jit3A_634 : i32 to vector<16xi32>
        %select_n3A_636 = arith.select %gt3A_632, %broadcast_in_dim3A_635, %select_n3A_628 : vector<16xi1>, vector<16xi32>
        %broadcast_in_dim3A_637 = arith.constant 60 : i32
        %broadcast_in_dim3A_638 = vector.broadcast %broadcast_in_dim3A_637 : i32 to vector<16xi32>
        %gather3A_639 = tpu.vector_load_idx %arg14[%add3A_131, %broadcast_in_dim3A_638] : memref<128x64xf32, #tpu.memory_space<vmem>>[vector<16xi32>, vector<16xi32>], vector<16xf32>,
        %gt3A_640 = arith.cmpf ogt, %gather3A_639, %select_n3A_633 : vector<16xf32>
        %select_n3A_641 = arith.select %gt3A_640, %gather3A_639, %select_n3A_633 : vector<16xi1>, vector<16xf32>
        %jit3A_642 = arith.constant 60 : i32
        %broadcast_in_dim3A_643 = vector.broadcast %jit3A_642 : i32 to vector<16xi32>
        %select_n3A_644 = arith.select %gt3A_640, %broadcast_in_dim3A_643, %select_n3A_636 : vector<16xi1>, vector<16xi32>
        %broadcast_in_dim3A_645 = arith.constant 61 : i32
        %broadcast_in_dim3A_646 = vector.broadcast %broadcast_in_dim3A_645 : i32 to vector<16xi32>
        %gather3A_647 = tpu.vector_load_idx %arg14[%add3A_131, %broadcast_in_dim3A_646] : memref<128x64xf32, #tpu.memory_space<vmem>>[vector<16xi32>, vector<16xi32>], vector<16xf32>,
        %gt3A_648 = arith.cmpf ogt, %gather3A_647, %select_n3A_641 : vector<16xf32>
        %select_n3A_649 = arith.select %gt3A_648, %gather3A_647, %select_n3A_641 : vector<16xi1>, vector<16xf32>
        %jit3A_650 = arith.constant 61 : i32
        %broadcast_in_dim3A_651 = vector.broadcast %jit3A_650 : i32 to vector<16xi32>
        %select_n3A_652 = arith.select %gt3A_648, %broadcast_in_dim3A_651, %select_n3A_644 : vector<16xi1>, vector<16xi32>
        %broadcast_in_dim3A_653 = arith.constant 62 : i32
        %broadcast_in_dim3A_654 = vector.broadcast %broadcast_in_dim3A_653 : i32 to vector<16xi32>
        %gather3A_655 = tpu.vector_load_idx %arg14[%add3A_131, %broadcast_in_dim3A_654] : memref<128x64xf32, #tpu.memory_space<vmem>>[vector<16xi32>, vector<16xi32>], vector<16xf32>,
        %gt3A_656 = arith.cmpf ogt, %gather3A_655, %select_n3A_649 : vector<16xf32>
        %select_n3A_657 = arith.select %gt3A_656, %gather3A_655, %select_n3A_649 : vector<16xi1>, vector<16xf32>
        %jit3A_658 = arith.constant 62 : i32
        %broadcast_in_dim3A_659 = vector.broadcast %jit3A_658 : i32 to vector<16xi32>
        %select_n3A_660 = arith.select %gt3A_656, %broadcast_in_dim3A_659, %select_n3A_652 : vector<16xi1>, vector<16xi32>
        %broadcast_in_dim3A_661 = arith.constant 63 : i32
        %broadcast_in_dim3A_662 = vector.broadcast %broadcast_in_dim3A_661 : i32 to vector<16xi32>
        %gather3A_663 = tpu.vector_load_idx %arg14[%add3A_131, %broadcast_in_dim3A_662] : memref<128x64xf32, #tpu.memory_space<vmem>>[vector<16xi32>, vector<16xi32>], vector<16xf32>,
        %gt3A_664 = arith.cmpf ogt, %gather3A_663, %select_n3A_657 : vector<16xf32>
        %select_n3A_665 = arith.select %gt3A_664, %gather3A_663, %select_n3A_657 : vector<16xi1>, vector<16xf32>
        %jit3A_666 = arith.constant 63 : i32
        %broadcast_in_dim3A_667 = vector.broadcast %jit3A_666 : i32 to vector<16xi32>
        %select_n3A_668 = arith.select %gt3A_664, %broadcast_in_dim3A_667, %select_n3A_660 : vector<16xi1>, vector<16xi32>
        %gt3A_669 = arith.cmpf ogt, %select_n3A_401, %select_n3A_269 : vector<16xf32>
        %select_n3A_670 = arith.select %gt3A_669, %select_n3A_401, %select_n3A_269 : vector<16xi1>, vector<16xf32>
        %select_n3A_671 = arith.select %gt3A_669, %select_n3A_404, %select_n3A_272 : vector<16xi1>, vector<16xi32>
        %gt3A_672 = arith.cmpf ogt, %select_n3A_533, %select_n3A_670 : vector<16xf32>
        %select_n3A_673 = arith.select %gt3A_672, %select_n3A_533, %select_n3A_670 : vector<16xi1>, vector<16xf32>
        %select_n3A_674 = arith.select %gt3A_672, %select_n3A_536, %select_n3A_671 : vector<16xi1>, vector<16xi32>
        %gt3A_675 = arith.cmpf ogt, %select_n3A_665, %select_n3A_673 : vector<16xf32>
        %select_n3A_676 = arith.select %gt3A_675, %select_n3A_665, %select_n3A_673 : vector<16xi1>, vector<16xf32>
        %select_n3A_677 = arith.select %gt3A_675, %select_n3A_668, %select_n3A_674 : vector<16xi1>, vector<16xi32>
        %mul3A_678 = arith.constant 16 : i32
        %mul3A_679 = arith.muli %scan3A_127, %mul3A_678 : i32
        %swap3A = arith.index_cast %mul3A_679 : i32 to index
        %swap3A_680 = tpu.vector_load %arg23[%swap3A] {strides = array<i32>} : memref<128xf32, #tpu.memory_space<vmem>>, vector<16xf32>,
        tpu.vector_store %arg23[%swap3A], %gather3A_141 {strides = array<i32>} : memref<128xf32, #tpu.memory_space<vmem>>, vector<16xf32>,
        %mul3A_681 = arith.constant 16 : i32
        %mul3A_682 = arith.muli %scan3A_127, %mul3A_681 : i32
        %swap3A_683 = arith.index_cast %mul3A_682 : i32 to index
        %swap3A_684 = tpu.vector_load %arg25[%swap3A_683] {strides = array<i32>} : memref<128xf32, #tpu.memory_space<vmem>>, vector<16xf32>,
        tpu.vector_store %arg25[%swap3A_683], %select_n3A_676 {strides = array<i32>} : memref<128xf32, #tpu.memory_space<vmem>>, vector<16xf32>,
        %mul3A_685 = arith.constant 16 : i32
        %mul3A_686 = arith.muli %scan3A_127, %mul3A_685 : i32
        %swap3A_687 = arith.index_cast %mul3A_686 : i32 to index
        %swap3A_688 = tpu.vector_load %arg27[%swap3A_687] {strides = array<i32>} : memref<128xi32, #tpu.memory_space<vmem>>, vector<16xi32>,
        tpu.vector_store %arg27[%swap3A_687], %select_n3A_677 {strides = array<i32>} : memref<128xi32, #tpu.memory_space<vmem>>, vector<16xi32>,
        %mul3A_689 = arith.constant 16 : i32
        %mul3A_690 = arith.muli %scan3A_127, %mul3A_689 : i32
        %swap3A_691 = arith.index_cast %mul3A_690 : i32 to index
        %swap3A_692 = tpu.vector_load %arg29[%swap3A_691] {strides = array<i32>} : memref<128xf32, #tpu.memory_space<vmem>>, vector<16xf32>,
        tpu.vector_store %arg29[%swap3A_691], %gather3A_139 {strides = array<i32>} : memref<128xf32, #tpu.memory_space<vmem>>, vector<16xf32>,
        %mul3A_693 = arith.constant 16 : i32
        %mul3A_694 = arith.muli %scan3A_127, %mul3A_693 : i32
        %swap3A_695 = arith.index_cast %mul3A_694 : i32 to index
        %swap3A_696 = tpu.vector_load %arg31[%swap3A_695] {strides = array<i32>} : memref<128xf32, #tpu.memory_space<vmem>>, vector<16xf32>,
        tpu.vector_store %arg31[%swap3A_695], %gather3A_140 {strides = array<i32>} : memref<128xf32, #tpu.memory_space<vmem>>, vector<16xf32>,
      }
      %scan3A_109 = arith.constant 8 : i32
      %dma_start3A_110 = tpu.memref_slice %arg8[%add3A_90] : memref<131072xf32, #tpu.memory_space<hbm>> -> memref<128xf32, #tpu.memory_space<hbm>>
      %dma_start3A_111 = tpu.memref_slice %arg8[%add3A_90] : memref<131072xf32, #tpu.memory_space<hbm>> -> memref<128xf32, #tpu.memory_space<hbm>>
      tpu.enqueue_dma source(%arg23 : memref<128xf32, #tpu.memory_space<vmem>>) target(%dma_start3A_111 : memref<128xf32, #tpu.memory_space<hbm>>) target_semaphore(%arg35 : memref<!tpu.dma_semaphore, #tpu.memory_space<semaphore_mem>>)
      %dma_start3A_112 = tpu.memref_slice %arg9[%add3A_90] : memref<131072xf32, #tpu.memory_space<hbm>> -> memref<128xf32, #tpu.memory_space<hbm>>
      %dma_start3A_113 = tpu.memref_slice %arg9[%add3A_90] : memref<131072xf32, #tpu.memory_space<hbm>> -> memref<128xf32, #tpu.memory_space<hbm>>
      tpu.enqueue_dma source(%arg25 : memref<128xf32, #tpu.memory_space<vmem>>) target(%dma_start3A_113 : memref<128xf32, #tpu.memory_space<hbm>>) target_semaphore(%arg35 : memref<!tpu.dma_semaphore, #tpu.memory_space<semaphore_mem>>)
      %dma_start3A_114 = tpu.memref_slice %arg10[%add3A_90] : memref<131072xi32, #tpu.memory_space<hbm>> -> memref<128xi32, #tpu.memory_space<hbm>>
      %dma_start3A_115 = tpu.memref_slice %arg10[%add3A_90] : memref<131072xi32, #tpu.memory_space<hbm>> -> memref<128xi32, #tpu.memory_space<hbm>>
      tpu.enqueue_dma source(%arg27 : memref<128xi32, #tpu.memory_space<vmem>>) target(%dma_start3A_115 : memref<128xi32, #tpu.memory_space<hbm>>) target_semaphore(%arg35 : memref<!tpu.dma_semaphore, #tpu.memory_space<semaphore_mem>>)
      %dma_start3A_116 = tpu.memref_slice %arg11[%add3A_90] : memref<131072xf32, #tpu.memory_space<hbm>> -> memref<128xf32, #tpu.memory_space<hbm>>
      %dma_start3A_117 = tpu.memref_slice %arg11[%add3A_90] : memref<131072xf32, #tpu.memory_space<hbm>> -> memref<128xf32, #tpu.memory_space<hbm>>
      tpu.enqueue_dma source(%arg29 : memref<128xf32, #tpu.memory_space<vmem>>) target(%dma_start3A_117 : memref<128xf32, #tpu.memory_space<hbm>>) target_semaphore(%arg35 : memref<!tpu.dma_semaphore, #tpu.memory_space<semaphore_mem>>)
      %dma_start3A_118 = tpu.memref_slice %arg12[%add3A_90] : memref<131072xf32, #tpu.memory_space<hbm>> -> memref<128xf32, #tpu.memory_space<hbm>>
      %dma_start3A_119 = tpu.memref_slice %arg12[%add3A_90] : memref<131072xf32, #tpu.memory_space<hbm>> -> memref<128xf32, #tpu.memory_space<hbm>>
      tpu.enqueue_dma source(%arg31 : memref<128xf32, #tpu.memory_space<vmem>>) target(%dma_start3A_119 : memref<128xf32, #tpu.memory_space<hbm>>) target_semaphore(%arg35 : memref<!tpu.dma_semaphore, #tpu.memory_space<semaphore_mem>>)
      %add3A_120 = arith.constant 2 : i32
      %add3A_121 = arith.addi %add3A_87, %add3A_120 : i32
      %lt3A_122 = arith.constant 32 : i32
      %lt3A_123 = arith.cmpi slt, %add3A_121, %lt3A_122 : i32
      %convert_element_type3A_124 = arith.extui %lt3A_123 : i1 to i32
      %cond3A_125 = arith.constant 0 : i32
      %cond3A_126 = arith.cmpi ne, %convert_element_type3A_124, %cond3A_125 : i32
      scf.if %cond3A_126 {
        %add3A_127 = arith.constant 256 : i32
        %add3A_128 = arith.addi %add3A_90, %add3A_127 : i32
        %dma_start3A_129 = arith.constant 0 : i32
        %dma_start3A_130 = tpu.memref_slice %arg2[%add3A_128, %dma_start3A_129] : memref<131072x64xf32, #tpu.memory_space<hbm>> -> memref<128x64xf32, #tpu.memory_space<hbm>>
        %dma_start3A_131 = arith.constant 0 : i32
        %dma_start3A_132 = tpu.memref_slice %arg2[%add3A_128, %dma_start3A_131] : memref<131072x64xf32, #tpu.memory_space<hbm>> -> memref<128x64xf32, #tpu.memory_space<hbm>>
        tpu.enqueue_dma source(%dma_start3A_132 : memref<128x64xf32, #tpu.memory_space<hbm>>) target(%arg14 : memref<128x64xf32, #tpu.memory_space<vmem>>) target_semaphore(%arg33 : memref<!tpu.dma_semaphore, #tpu.memory_space<semaphore_mem>>)
        %dma_start3A_133 = tpu.memref_slice %arg3[%add3A_128] : memref<131072xi32, #tpu.memory_space<hbm>> -> memref<128xi32, #tpu.memory_space<hbm>>
        %dma_start3A_134 = tpu.memref_slice %arg3[%add3A_128] : memref<131072xi32, #tpu.memory_space<hbm>> -> memref<128xi32, #tpu.memory_space<hbm>>
        tpu.enqueue_dma source(%dma_start3A_134 : memref<128xi32, #tpu.memory_space<hbm>>) target(%arg16 : memref<128xi32, #tpu.memory_space<vmem>>) target_semaphore(%arg33 : memref<!tpu.dma_semaphore, #tpu.memory_space<semaphore_mem>>)
        %dma_start3A_135 = tpu.memref_slice %arg4[%add3A_128] : memref<131072xi32, #tpu.memory_space<hbm>> -> memref<128xi32, #tpu.memory_space<hbm>>
        %dma_start3A_136 = tpu.memref_slice %arg4[%add3A_128] : memref<131072xi32, #tpu.memory_space<hbm>> -> memref<128xi32, #tpu.memory_space<hbm>>
        tpu.enqueue_dma source(%dma_start3A_136 : memref<128xi32, #tpu.memory_space<hbm>>) target(%arg18 : memref<128xi32, #tpu.memory_space<vmem>>) target_semaphore(%arg33 : memref<!tpu.dma_semaphore, #tpu.memory_space<semaphore_mem>>)
      } else {
      }
    }
    %scan3A_24 = arith.constant 16 : i32
    %dma_wait3A = tpu.memref_slice %arg8[%mul3A_2] : memref<131072xf32, #tpu.memory_space<hbm>> -> memref<128xf32, #tpu.memory_space<hbm>>
    %dma_wait3A_25 = tpu.memref_slice %arg8[%mul3A_2] : memref<131072xf32, #tpu.memory_space<hbm>> -> memref<128xf32, #tpu.memory_space<hbm>>
    tpu.wait_dma2 semaphore(%arg34 : memref<!tpu.dma_semaphore, #tpu.memory_space<semaphore_mem>>) src(%arg22 : memref<128xf32, #tpu.memory_space<vmem>>) dst(%dma_wait3A_25 : memref<128xf32, #tpu.memory_space<hbm>>)
    %dma_wait3A_26 = tpu.memref_slice %arg9[%mul3A_2] : memref<131072xf32, #tpu.memory_space<hbm>> -> memref<128xf32, #tpu.memory_space<hbm>>
    %dma_wait3A_27 = tpu.memref_slice %arg9[%mul3A_2] : memref<131072xf32, #tpu.memory_space<hbm>> -> memref<128xf32, #tpu.memory_space<hbm>>
    tpu.wait_dma2 semaphore(%arg34 : memref<!tpu.dma_semaphore, #tpu.memory_space<semaphore_mem>>) src(%arg24 : memref<128xf32, #tpu.memory_space<vmem>>) dst(%dma_wait3A_27 : memref<128xf32, #tpu.memory_space<hbm>>)
    %dma_wait3A_28 = tpu.memref_slice %arg10[%mul3A_2] : memref<131072xi32, #tpu.memory_space<hbm>> -> memref<128xi32, #tpu.memory_space<hbm>>
    %dma_wait3A_29 = tpu.memref_slice %arg10[%mul3A_2] : memref<131072xi32, #tpu.memory_space<hbm>> -> memref<128xi32, #tpu.memory_space<hbm>>
    tpu.wait_dma2 semaphore(%arg34 : memref<!tpu.dma_semaphore, #tpu.memory_space<semaphore_mem>>) src(%arg26 : memref<128xi32, #tpu.memory_space<vmem>>) dst(%dma_wait3A_29 : memref<128xi32, #tpu.memory_space<hbm>>)
    %dma_wait3A_30 = tpu.memref_slice %arg11[%mul3A_2] : memref<131072xf32, #tpu.memory_space<hbm>> -> memref<128xf32, #tpu.memory_space<hbm>>
    %dma_wait3A_31 = tpu.memref_slice %arg11[%mul3A_2] : memref<131072xf32, #tpu.memory_space<hbm>> -> memref<128xf32, #tpu.memory_space<hbm>>
    tpu.wait_dma2 semaphore(%arg34 : memref<!tpu.dma_semaphore, #tpu.memory_space<semaphore_mem>>) src(%arg28 : memref<128xf32, #tpu.memory_space<vmem>>) dst(%dma_wait3A_31 : memref<128xf32, #tpu.memory_space<hbm>>)
    %dma_wait3A_32 = tpu.memref_slice %arg12[%mul3A_2] : memref<131072xf32, #tpu.memory_space<hbm>> -> memref<128xf32, #tpu.memory_space<hbm>>
    %dma_wait3A_33 = tpu.memref_slice %arg12[%mul3A_2] : memref<131072xf32, #tpu.memory_space<hbm>> -> memref<128xf32, #tpu.memory_space<hbm>>
    tpu.wait_dma2 semaphore(%arg34 : memref<!tpu.dma_semaphore, #tpu.memory_space<semaphore_mem>>) src(%arg30 : memref<128xf32, #tpu.memory_space<vmem>>) dst(%dma_wait3A_33 : memref<128xf32, #tpu.memory_space<hbm>>)
    %dma_wait3A_34 = tpu.memref_slice %arg8[%mul3A_2] : memref<131072xf32, #tpu.memory_space<hbm>> -> memref<128xf32, #tpu.memory_space<hbm>>
    %dma_wait3A_35 = tpu.memref_slice %arg8[%mul3A_2] : memref<131072xf32, #tpu.memory_space<hbm>> -> memref<128xf32, #tpu.memory_space<hbm>>
    tpu.wait_dma2 semaphore(%arg35 : memref<!tpu.dma_semaphore, #tpu.memory_space<semaphore_mem>>) src(%arg23 : memref<128xf32, #tpu.memory_space<vmem>>) dst(%dma_wait3A_35 : memref<128xf32, #tpu.memory_space<hbm>>)
    %dma_wait3A_36 = tpu.memref_slice %arg9[%mul3A_2] : memref<131072xf32, #tpu.memory_space<hbm>> -> memref<128xf32, #tpu.memory_space<hbm>>
    %dma_wait3A_37 = tpu.memref_slice %arg9[%mul3A_2] : memref<131072xf32, #tpu.memory_space<hbm>> -> memref<128xf32, #tpu.memory_space<hbm>>
    tpu.wait_dma2 semaphore(%arg35 : memref<!tpu.dma_semaphore, #tpu.memory_space<semaphore_mem>>) src(%arg25 : memref<128xf32, #tpu.memory_space<vmem>>) dst(%dma_wait3A_37 : memref<128xf32, #tpu.memory_space<hbm>>)
    %dma_wait3A_38 = tpu.memref_slice %arg10[%mul3A_2] : memref<131072xi32, #tpu.memory_space<hbm>> -> memref<128xi32, #tpu.memory_space<hbm>>
    %dma_wait3A_39 = tpu.memref_slice %arg10[%mul3A_2] : memref<131072xi32, #tpu.memory_space<hbm>> -> memref<128xi32, #tpu.memory_space<hbm>>
    tpu.wait_dma2 semaphore(%arg35 : memref<!tpu.dma_semaphore, #tpu.memory_space<semaphore_mem>>) src(%arg27 : memref<128xi32, #tpu.memory_space<vmem>>) dst(%dma_wait3A_39 : memref<128xi32, #tpu.memory_space<hbm>>)
    %dma_wait3A_40 = tpu.memref_slice %arg11[%mul3A_2] : memref<131072xf32, #tpu.memory_space<hbm>> -> memref<128xf32, #tpu.memory_space<hbm>>
    %dma_wait3A_41 = tpu.memref_slice %arg11[%mul3A_2] : memref<131072xf32, #tpu.memory_space<hbm>> -> memref<128xf32, #tpu.memory_space<hbm>>
    tpu.wait_dma2 semaphore(%arg35 : memref<!tpu.dma_semaphore, #tpu.memory_space<semaphore_mem>>) src(%arg29 : memref<128xf32, #tpu.memory_space<vmem>>) dst(%dma_wait3A_41 : memref<128xf32, #tpu.memory_space<hbm>>)
    %dma_wait3A_42 = tpu.memref_slice %arg12[%mul3A_2] : memref<131072xf32, #tpu.memory_space<hbm>> -> memref<128xf32, #tpu.memory_space<hbm>>
    %dma_wait3A_43 = tpu.memref_slice %arg12[%mul3A_2] : memref<131072xf32, #tpu.memory_space<hbm>> -> memref<128xf32, #tpu.memory_space<hbm>>
    tpu.wait_dma2 semaphore(%arg35 : memref<!tpu.dma_semaphore, #tpu.memory_space<semaphore_mem>>) src(%arg31 : memref<128xf32, #tpu.memory_space<vmem>>) dst(%dma_wait3A_43 : memref<128xf32, #tpu.memory_space<hbm>>)
    return
  }
}

module attributes {stable_mosaic.version = 14 : i64} {
  func.func @_tc_body(%arg0: i32, %arg1: memref<32x128xi32, #tpu.memory_space<vmem>>, %arg2: memref<32x128xf32, #tpu.memory_space<vmem>>, %arg3: memref<32x128xf32, #tpu.memory_space<vmem>>, %arg4: memref<32x128xi32, #tpu.memory_space<vmem>>, %arg5: memref<32x128xf32, #tpu.memory_space<vmem>>, %arg6: memref<32x128xf32, #tpu.memory_space<vmem>>, %arg7: memref<32x128x64xf32, #tpu.memory_space<vmem>>, %arg8: memref<32x128x64xf32, #tpu.memory_space<vmem>>, %arg9: memref<32x128x64xf32, #tpu.memory_space<vmem>>) attributes {dimension_semantics = [#tpu.dimension_semantics<arbitrary>], iteration_bounds = array<i64: 32>, scalar_prefetch = 0 : i64, scratch_operands = 0 : i64, tpu.core_type = #tpu.core_type<tc>, window_params = [{transform_indices = @transform_0, window_bounds = array<i64: 32, 128>}, {transform_indices = @transform_1, window_bounds = array<i64: 32, 128>}, {transform_indices = @transform_2, window_bounds = array<i64: 32, 128>}, {transform_indices = @transform_3, window_bounds = array<i64: 32, 128>}, {transform_indices = @transform_4, window_bounds = array<i64: 32, 128>}, {transform_indices = @transform_5, window_bounds = array<i64: 32, 128>}, {transform_indices = @transform_6, window_bounds = array<i64: 32, 128, 64>}, {transform_indices = @transform_7, window_bounds = array<i64: 32, 128, 64>}, {transform_indices = @transform_8, window_bounds = array<i64: 32, 128, 64>}]} {
    %get3A = arith.constant 0 : index
    %get3A_0 = arith.constant 0 : index
    %get3A_1 = vector.load %arg1[%get3A, %get3A_0] : memref<32x128xi32, #tpu.memory_space<vmem>>, vector<32x128xi32>
    %get3A_2 = arith.constant 0 : index
    %get3A_3 = arith.constant 0 : index
    %get3A_4 = vector.load %arg2[%get3A_2, %get3A_3] : memref<32x128xf32, #tpu.memory_space<vmem>>, vector<32x128xf32>
    %get3A_5 = arith.constant 0 : index
    %get3A_6 = arith.constant 0 : index
    %get3A_7 = vector.load %arg3[%get3A_5, %get3A_6] : memref<32x128xf32, #tpu.memory_space<vmem>>, vector<32x128xf32>
    %get3A_8 = arith.constant 0 : index
    %get3A_9 = arith.constant 0 : index
    %get3A_10 = vector.load %arg4[%get3A_8, %get3A_9] : memref<32x128xi32, #tpu.memory_space<vmem>>, vector<32x128xi32>
    %get3A_11 = arith.constant 0 : index
    %get3A_12 = arith.constant 0 : index
    %get3A_13 = vector.load %arg5[%get3A_11, %get3A_12] : memref<32x128xf32, #tpu.memory_space<vmem>>, vector<32x128xf32>
    %get3A_14 = arith.constant 0 : index
    %get3A_15 = arith.constant 0 : index
    %get3A_16 = vector.load %arg6[%get3A_14, %get3A_15] : memref<32x128xf32, #tpu.memory_space<vmem>>, vector<32x128xf32>
    %slice3A = vector.extract_strided_slice %get3A_4 {offsets = [0, 0], sizes = [1, 1], strides = [1, 1]} : vector<32x128xf32> to vector<1x1xf32>
    %mul3A = arith.constant 0.000000e+00 : f32
    %mul3A_17 = vector.broadcast %mul3A : f32 to vector<1x1xf32>
    %mul3A_18 = arith.mulf %slice3A, %mul3A_17 : vector<1x1xf32>
    %add3A = arith.constant 1.000000e-30 : f32
    %add3A_19 = vector.broadcast %add3A : f32 to vector<1x1xf32>
    %add3A_20 = arith.addf %mul3A_18, %add3A_19 : vector<1x1xf32>
    %log3A = math.log %add3A_20 : vector<1x1xf32>
    %add3A_21 = arith.constant 1.000000e+00 : f32
    %add3A_22 = vector.broadcast %add3A_21 : f32 to vector<1x1xf32>
    %add3A_23 = arith.addf %mul3A_18, %add3A_22 : vector<1x1xf32>
    %log3A_24 = math.log %add3A_23 : vector<1x1xf32>
    %sub3A = arith.constant 4.15888309 : f32
    %sub3A_25 = vector.broadcast %sub3A : f32 to vector<32x128xf32>
    %sub3A_26 = arith.subf %get3A_16, %sub3A_25 : vector<32x128xf32>
    %add3A_27 = vector.broadcast %log3A_24 : vector<1x1xf32> to vector<32x128xf32>
    %add3A_28 = arith.addf %add3A_27, %get3A_13 : vector<32x128xf32>
    %max3A = arith.maximumf %add3A_28, %sub3A_26 : vector<32x128xf32>
    %sub3A_29 = arith.subf %add3A_28, %max3A : vector<32x128xf32>
    %exp3A = math.exp %sub3A_29 : vector<32x128xf32>
    %sub3A_30 = arith.subf %sub3A_26, %max3A : vector<32x128xf32>
    %exp3A_31 = math.exp %sub3A_30 : vector<32x128xf32>
    %add3A_32 = arith.addf %exp3A, %exp3A_31 : vector<32x128xf32>
    %log3A_33 = math.log %add3A_32 : vector<32x128xf32>
    %add3A_34 = arith.addf %max3A, %log3A_33 : vector<32x128xf32>
    %add3A_35 = vector.broadcast %log3A : vector<1x1xf32> to vector<32x128xf32>
    %add3A_36 = arith.addf %add3A_35, %get3A_13 : vector<32x128xf32>
    %max3A_37 = arith.maximumf %add3A_36, %sub3A_26 : vector<32x128xf32>
    %sub3A_38 = arith.subf %add3A_36, %max3A_37 : vector<32x128xf32>
    %exp3A_39 = math.exp %sub3A_38 : vector<32x128xf32>
    %sub3A_40 = arith.subf %sub3A_26, %max3A_37 : vector<32x128xf32>
    %exp3A_41 = math.exp %sub3A_40 : vector<32x128xf32>
    %add3A_42 = arith.addf %exp3A_39, %exp3A_41 : vector<32x128xf32>
    %log3A_43 = math.log %add3A_42 : vector<32x128xf32>
    %add3A_44 = arith.addf %max3A_37, %log3A_43 : vector<32x128xf32>
    %add3A_45 = arith.constant 1.000000e-30 : f32
    %add3A_46 = vector.broadcast %add3A_45 : f32 to vector<32x128xf32>
    %add3A_47 = arith.addf %get3A_4, %add3A_46 : vector<32x128xf32>
    %log3A_48 = math.log %add3A_47 : vector<32x128xf32>
    %neg3A = arith.constant 0.000000e+00 : f32
    %neg3A_49 = vector.broadcast %neg3A : f32 to vector<32x128xf32>
    %neg3A_50 = arith.subf %neg3A_49, %log3A_48 : vector<32x128xf32>
    %add3A_51 = arith.constant 1.000000e-30 : f32
    %add3A_52 = vector.broadcast %add3A_51 : f32 to vector<32x128xf32>
    %add3A_53 = arith.addf %neg3A_50, %add3A_52 : vector<32x128xf32>
    %log3A_54 = math.log %add3A_53 : vector<32x128xf32>
    %neg3A_55 = arith.constant 0.000000e+00 : f32
    %neg3A_56 = vector.broadcast %neg3A_55 : f32 to vector<32x128xf32>
    %neg3A_57 = arith.subf %neg3A_56, %log3A_54 : vector<32x128xf32>
    %add3A_58 = arith.constant 1.000000e-30 : f32
    %add3A_59 = vector.broadcast %add3A_58 : f32 to vector<32x128xf32>
    %add3A_60 = arith.addf %get3A_7, %add3A_59 : vector<32x128xf32>
    %log3A_61 = math.log %add3A_60 : vector<32x128xf32>
    %neg3A_62 = arith.constant 0.000000e+00 : f32
    %neg3A_63 = vector.broadcast %neg3A_62 : f32 to vector<32x128xf32>
    %neg3A_64 = arith.subf %neg3A_63, %log3A_61 : vector<32x128xf32>
    %add3A_65 = arith.constant 1.000000e-30 : f32
    %add3A_66 = vector.broadcast %add3A_65 : f32 to vector<32x128xf32>
    %add3A_67 = arith.addf %neg3A_64, %add3A_66 : vector<32x128xf32>
    %log3A_68 = math.log %add3A_67 : vector<32x128xf32>
    %neg3A_69 = arith.constant 0.000000e+00 : f32
    %neg3A_70 = vector.broadcast %neg3A_69 : f32 to vector<32x128xf32>
    %neg3A_71 = arith.subf %neg3A_70, %log3A_68 : vector<32x128xf32>
    %add3A_72 = arith.addf %neg3A_57, %add3A_34 : vector<32x128xf32>
    %add3A_73 = arith.addf %neg3A_71, %add3A_44 : vector<32x128xf32>
    %gt3A = arith.cmpf ogt, %add3A_72, %add3A_73 : vector<32x128xf32>
    %gt3A_74 = arith.cmpf ogt, %add3A_73, %add3A_72 : vector<32x128xf32>
    %min3A = arith.minsi %get3A_1, %get3A_10 : vector<32x128xi32>
    %select_n3A = arith.select %gt3A_74, %get3A_10, %min3A : vector<32x128xi1>, vector<32x128xi32>
    %select_n3A_75 = arith.select %gt3A, %get3A_1, %select_n3A : vector<32x128xi1>, vector<32x128xi32>
    %iota3A = tpu.iota {dimensions = array<i32: 2>} : vector<32x128x64xi32>
    %broadcast_in_dim3A = vector.shape_cast %select_n3A_75 : vector<32x128xi32> to vector<32x128x1xi32>
    %eq3A = vector.broadcast %broadcast_in_dim3A : vector<32x128x1xi32> to vector<32x128x64xi32>
    %eq3A_76 = arith.cmpi eq, %iota3A, %eq3A : vector<32x128x64xi32>
    %broadcast_in_dim3A_77 = vector.shape_cast %get3A_1 : vector<32x128xi32> to vector<32x128x1xi32>
    %eq3A_78 = vector.broadcast %broadcast_in_dim3A_77 : vector<32x128x1xi32> to vector<32x128x64xi32>
    %eq3A_79 = arith.cmpi eq, %iota3A, %eq3A_78 : vector<32x128x64xi32>
    %broadcast_in_dim3A_80 = vector.shape_cast %log3A_24 : vector<1x1xf32> to vector<1x1x1xf32>
    %broadcast_in_dim3A_81 = vector.shape_cast %log3A : vector<1x1xf32> to vector<1x1x1xf32>
    %convert_element_type3A = arith.extui %eq3A_76 : vector<32x128x64xi1> to vector<32x128x64xi32>
    %convert_element_type3A_82 = arith.sitofp %convert_element_type3A : vector<32x128x64xi32> to vector<32x128x64xf32>
    %swap3A = arith.constant 0 : index
    %swap3A_83 = arith.constant 0 : index
    %swap3A_84 = arith.constant 0 : index
    %swap3A_85 = vector.load %arg7[%swap3A, %swap3A_83, %swap3A_84] : memref<32x128x64xf32, #tpu.memory_space<vmem>>, vector<32x128x64xf32>
    tpu.vector_store %arg7[%swap3A, %swap3A_83, %swap3A_84], %convert_element_type3A_82 {strides = array<i32>} : memref<32x128x64xf32, #tpu.memory_space<vmem>>, vector<32x128x64xf32>,
    %broadcast_in_dim3A_86 = vector.shape_cast %broadcast_in_dim3A_80 : vector<1x1x1xf32> to vector<1x1x1xf32>
    %broadcast_in_dim3A_87 = vector.broadcast %broadcast_in_dim3A_86 : vector<1x1x1xf32> to vector<32x128x64xf32>
    %broadcast_in_dim3A_88 = vector.shape_cast %broadcast_in_dim3A_81 : vector<1x1x1xf32> to vector<1x1x1xf32>
    %broadcast_in_dim3A_89 = vector.broadcast %broadcast_in_dim3A_88 : vector<1x1x1xf32> to vector<32x128x64xf32>
    %select_n3A_90 = arith.select %eq3A_76, %broadcast_in_dim3A_87, %broadcast_in_dim3A_89 : vector<32x128x64xi1>, vector<32x128x64xf32>
    %swap3A_91 = arith.constant 0 : index
    %swap3A_92 = arith.constant 0 : index
    %swap3A_93 = arith.constant 0 : index
    %swap3A_94 = vector.load %arg8[%swap3A_91, %swap3A_92, %swap3A_93] : memref<32x128x64xf32, #tpu.memory_space<vmem>>, vector<32x128x64xf32>
    tpu.vector_store %arg8[%swap3A_91, %swap3A_92, %swap3A_93], %select_n3A_90 {strides = array<i32>} : memref<32x128x64xf32, #tpu.memory_space<vmem>>, vector<32x128x64xf32>,
    %broadcast_in_dim3A_95 = vector.shape_cast %broadcast_in_dim3A_80 : vector<1x1x1xf32> to vector<1x1x1xf32>
    %broadcast_in_dim3A_96 = vector.broadcast %broadcast_in_dim3A_95 : vector<1x1x1xf32> to vector<32x128x64xf32>
    %broadcast_in_dim3A_97 = vector.shape_cast %broadcast_in_dim3A_81 : vector<1x1x1xf32> to vector<1x1x1xf32>
    %broadcast_in_dim3A_98 = vector.broadcast %broadcast_in_dim3A_97 : vector<1x1x1xf32> to vector<32x128x64xf32>
    %select_n3A_99 = arith.select %eq3A_79, %broadcast_in_dim3A_96, %broadcast_in_dim3A_98 : vector<32x128x64xi1>, vector<32x128x64xf32>
    %swap3A_100 = arith.constant 0 : index
    %swap3A_101 = arith.constant 0 : index
    %swap3A_102 = arith.constant 0 : index
    %swap3A_103 = vector.load %arg9[%swap3A_100, %swap3A_101, %swap3A_102] : memref<32x128x64xf32, #tpu.memory_space<vmem>>, vector<32x128x64xf32>
    tpu.vector_store %arg9[%swap3A_100, %swap3A_101, %swap3A_102], %select_n3A_99 {strides = array<i32>} : memref<32x128x64xf32, #tpu.memory_space<vmem>>, vector<32x128x64xf32>,
    return
  }
  func.func @transform_0(%arg0: i32) -> (i32, i32) {
    %c0_i32 = arith.constant 0 : i32
    %c0_i32_0 = arith.constant 0 : i32
    return %arg0, %c0_i32 : i32, i32
  }
  func.func @transform_1(%arg0: i32) -> (i32, i32) {
    %c0_i32 = arith.constant 0 : i32
    %c0_i32_0 = arith.constant 0 : i32
    return %arg0, %c0_i32 : i32, i32
  }
  func.func @transform_2(%arg0: i32) -> (i32, i32) {
    %c0_i32 = arith.constant 0 : i32
    %c0_i32_0 = arith.constant 0 : i32
    return %arg0, %c0_i32 : i32, i32
  }
  func.func @transform_3(%arg0: i32) -> (i32, i32) {
    %c0_i32 = arith.constant 0 : i32
    %c0_i32_0 = arith.constant 0 : i32
    return %arg0, %c0_i32 : i32, i32
  }
  func.func @transform_4(%arg0: i32) -> (i32, i32) {
    %c0_i32 = arith.constant 0 : i32
    %c0_i32_0 = arith.constant 0 : i32
    return %arg0, %c0_i32 : i32, i32
  }
  func.func @transform_5(%arg0: i32) -> (i32, i32) {
    %c0_i32 = arith.constant 0 : i32
    %c0_i32_0 = arith.constant 0 : i32
    return %arg0, %c0_i32 : i32, i32
  }
  func.func @transform_6(%arg0: i32) -> (i32, i32, i32) {
    %c0_i32 = arith.constant 0 : i32
    %c0_i32_0 = arith.constant 0 : i32
    %c0_i32_1 = arith.constant 0 : i32
    return %arg0, %c0_i32, %c0_i32_0 : i32, i32, i32
  }
  func.func @transform_7(%arg0: i32) -> (i32, i32, i32) {
    %c0_i32 = arith.constant 0 : i32
    %c0_i32_0 = arith.constant 0 : i32
    %c0_i32_1 = arith.constant 0 : i32
    return %arg0, %c0_i32, %c0_i32_0 : i32, i32, i32
  }
  func.func @transform_8(%arg0: i32) -> (i32, i32, i32) {
    %c0_i32 = arith.constant 0 : i32
    %c0_i32_0 = arith.constant 0 : i32
    %c0_i32_1 = arith.constant 0 : i32
    return %arg0, %c0_i32, %c0_i32_0 : i32, i32, i32
  }
}

</mosaic_0001>

<sc_bundles>
// kernel: kernel.4.cloned.1.call-start
scs
__scs_entry_jumppad:
0x0: {  	(pc) =	sbr.rel $0x88, $3  }
0x1: {  	(tag) =	ssettag $0x0;
	lr =	simm.s32 $0x1  }
0x2: {  	[smem:$0x3F9B] =	sst lr;
	_ =	strace $0xD0000000  }
0x3: {  	_ = 	snop  }
0x4: {  	_ = 	snop  }
0x5: {  	_ = 	snop  }
0x6: {  	_ = 	snop  }
0x7: {  	_ = 	snop  }
__scs_overlays_trampoline_lowered:
0x8: {  	[smem:$0x3FAA] =	sst s0  }
0x9: {  	[smem:$0x3FAB] =	sst s1  }
0xa: {  	[smem:$0x3FAC] =	sst s2  }
0xb: {  	[smem:$0x3FAD] =	sst s3  }
0xc: {  	[smem:$0x3FAE] =	sst s4  }
0xd: {  	[smem:$0x3FAF] =	sst s5  }
0xe: {  	[smem:$0x3FB0] =	sst s6  }
0xf: {  	[smem:$0x3FB1] =	sst s7  }
0x10: {  	[smem:$0x3FB2] =	sst s8  }
0x11: {  	[smem:$0x3FB3] =	sst s9;
	s0 =	simm.s32 @!p0 $0x0  }
0x12: {  	s1 =	sld [smem:$0x3F99];
	s0 =	simm.s32 @p0 $0x1  }
0x13: {  	[smem:$0x3FB4] =	sst s0;
	s0 =	simm.s32 @!p1 $0x0  }
0x14: {  	s2 =	sld [smem:$0x3F98];
	s0 =	simm.s32 @p1 $0x1  }
0x15: {  	[smem:$0x3FB5] =	sst s0;
	s0 =	simm.s32 @!p2 $0x0  }
0x16: {  	s3 =	sld [smem:$0x3FDB];
	s0 =	simm.s32 @p2 $0x1  }
0x17: {  	s4 =	simm.s32 $0x1BF5;
	[smem:$0x3FB7] =	sst s0  }
0x18: {  	s0 =	sld [smem:$0x3F9A];
	_ =	swait.ge [sflag:s4], $0x0  }
0x19: {  	s7 =	sld [smem:$0x3F9B]  }
0x1a: {  	s8 =	sadd.s32 $0xFFFFE003, lr  }
0x1b: {  	s9 =	sadd.s32 $0xFFFFFEF7, lr;
	s5 =	simm.s32 $0xFFFFFFFF;
	p2 =	slt.u32 s8, $0xFFFFF086  }
0x1c: {  	p1 =	slt.u32 s9, $0xF7A;
	s5 =	simm.s32 @!p2 $0x0  }
0x1d: {  	s5 =	simm.s32 @p1 $0x1;
	p0 =	seq.s32 s7, s2  }
0x1e: {  	s7 =	smul.u32 @!p0 $0xF7A, s2;
	p2 =	seq.s32 @!p0 s5, $0x0  }
0x1f: {  	s9 =	smul.u32 $0xF7A, s1;
	s8 =	simm.s32 @!p0 $0x1BF5;
	p2 =	por !p2, p0  }
0x20: {  	[sflag:s8] =	ssyncset.s32 @!p0 $0xFFFFF086;
	s6 =	sadd.s32 @!p0 s3, s7;
	s7 =	simm.s32 @!p0 $0x108  }
0x21: {  	s3 =	sadd.s32 s3, s9;
	s6 =	sadd.s32 @!p0 $0x88, s6;
	s7 =	simm.s32 @p2 $0x1082  }
0x22: {  	[simem:s7], [sflag:s8] =	dma.local @!p0 [hbm:s6], $0xF7A  }
0x23: {  	s9 =	sor.u32 $0xD0000000, s2;
	s6 =	simm.s32 $0x108;
	_ =	swait.ge @!p0 [sflag:s8], $0x0  }
0x24: {  	s3 =	sadd.s32 $0x88, s3;
	s6 =	simm.s32 @!p1 $0x1082;
	[sflag:s4] =	ssyncset.s32 $0xFFFFF086  }
0x25: {  	[simem:s6], [sflag:s4] =	dma.local [hbm:s3], $0xF7A  }
0x26: {  	[smem:$0x3F9B] =	sst s1;
	(tag) =	ssettag s2;
	_ =	strace s9  }
0x27: {  	s1 =	sld [smem:$0x3FAB]  }
0x28: {  	s2 =	sld [smem:$0x3FAC]  }
0x29: {  	s4 =	sld [smem:$0x3FAE]  }
0x2a: {  	p0 =	seq.s32 s5, $0x0;
	s5 =	sld [smem:$0x3FAF]  }
0x2b: {  	s6 =	sld [smem:$0x3FB0]  }
0x2c: {  	s7 =	sld [smem:$0x3FB1]  }
0x2d: {  	s3 =	simm.s32 $0x108;
	s8 =	sld [smem:$0x3FB2]  }
0x2e: {  	s3 =	simm.s32 @!p0 $0x1082;
	s9 =	sld [smem:$0x3FB3]  }
0x2f: {  	lr =	sadd.s32 s0, s3;
	s0 =	sld [smem:$0x3FAA]  }
0x30: {  	s3 =	sld [smem:$0x3FAD]  }
0x31: {  	[smem:$0x3FB6] =	sst s10  }
0x32: {  	s10 =	sld [smem:$0x3FB4];
	_ =	sdelay $0x3  }
0x33: {  	p0 =	seq.s32 s10, $0x1;
	s10 =	sld [smem:$0x3FB6];
	_ =	sdelay $0x3  }
0x34: {  	[smem:$0x3FB6] =	sst s10  }
0x35: {  	s10 =	sld [smem:$0x3FB5];
	_ =	sdelay $0x3  }
0x36: {  	p1 =	seq.s32 s10, $0x1;
	s10 =	sld [smem:$0x3FB6];
	_ =	sdelay $0x3  }
0x37: {  	[smem:$0x3FB6] =	sst s10  }
0x38: {  	s10 =	sld [smem:$0x3FB7]  }
0x39: {  	_ = 	snop;
	(pc) =	sbr.ind lr, $3  }
0x3a: {  	_ = 	snop  }
0x3b: {  	_ = 	snop  }
0x3c: {  	p2 =	seq.s32 s10, $0x1;
	s10 =	sld [smem:$0x3FB6]  }
0x3d: {  	_ =	shalt  }
0x3e: {  	_ =	shalt  }
0x3f: {  	_ =	shalt  }
0x40: {  	_ =	shalt  }
0x41: {  	_ =	shalt  }
0x42: {  	_ =	shalt  }
0x43: {  	_ =	shalt  }
0x44: {  	_ =	shalt  }
0x45: {  	_ =	shalt  }
0x46: {  	_ =	shalt  }
0x47: {  	_ =	shalt  }
0x48: {  	_ =	shalt  }
0x49: {  	_ =	shalt  }
0x4a: {  	_ =	shalt  }
0x4b: {  	_ =	shalt  }
0x4c: {  	_ =	shalt  }
0x4d: {  	_ =	shalt  }
0x4e: {  	_ =	shalt  }
0x4f: {  	_ =	shalt  }
0x50: {  	_ =	shalt  }
0x51: {  	_ =	shalt  }
0x52: {  	_ =	shalt  }
0x53: {  	_ =	shalt  }
0x54: {  	_ =	shalt  }
0x55: {  	_ =	shalt  }
0x56: {  	_ =	shalt  }
0x57: {  	_ =	shalt  }
0x58: {  	_ =	shalt  }
0x59: {  	_ =	shalt  }
0x5a: {  	_ =	shalt  }
0x5b: {  	_ =	shalt  }
0x5c: {  	_ =	shalt  }
0x5d: {  	_ =	shalt  }
0x5e: {  	_ =	shalt  }
0x5f: {  	_ =	shalt  }
0x60: {  	_ =	shalt  }
0x61: {  	_ =	shalt  }
0x62: {  	_ =	shalt  }
0x63: {  	_ =	shalt  }
0x64: {  	_ =	shalt  }
0x65: {  	_ =	shalt  }
0x66: {  	_ =	shalt  }
0x67: {  	_ =	shalt  }
0x68: {  	_ =	shalt  }
0x69: {  	_ =	shalt  }
0x6a: {  	_ =	shalt  }
0x6b: {  	_ =	shalt  }
0x6c: {  	_ =	shalt  }
0x6d: {  	_ =	shalt  }
0x6e: {  	_ =	shalt  }
0x6f: {  	_ =	shalt  }
0x70: {  	_ =	shalt  }
0x71: {  	_ =	shalt  }
0x72: {  	_ =	shalt  }
0x73: {  	_ =	shalt  }
0x74: {  	_ =	shalt  }
0x75: {  	_ =	shalt  }
0x76: {  	_ =	shalt  }
0x77: {  	_ =	shalt  }
0x78: {  	_ =	shalt  }
0x79: {  	_ =	shalt  }
0x7a: {  	_ =	shalt  }
0x7b: {  	_ =	shalt  }
0x7c: {  	_ =	shalt  }
0x7d: {  	_ =	shalt  }
0x7e: {  	_ =	shalt  }
0x7f: {  	_ =	shalt  }
0x80: {  	_ =	shalt  }
0x81: {  	_ =	shalt  }
0x82: {  	_ =	shalt  }
0x83: {  	_ =	shalt  }
0x84: {  	_ =	shalt  }
0x85: {  	_ =	shalt  }
0x86: {  	_ =	shalt  }
0x87: {  	_ =	shalt  }
.Lfunc_end0:
.L_simem_size_0:
called_computation.3_lowered:
.L_overlay_start_0:
0x88: {  	s2 =	sld [smem:$0x3FD9]  }
0x89: {  	s3 =	sld [smem:$0x3FFE];
	_ =	sdelay $0x1  }
0x8a: {  	s1 =	srdreg.scid  }
0x8b: {  	s0 =	sand.u32 $0x1, s1  }
0x8c: {  	s14 =	sshll.u32 s0, $0xA;
	s2 =	sadd.s32 s3, s2  }
0x8d: {  	s2 =	sadd.s32 s2, s14  }
0x8e: {  	[smem:$0x3FC2] =	sst s2  }
0x8f: {  	_ = 	snop  }
0x90: {  	s2 =	sld [smem:$0x3FD0]  }
0x91: {  	s15 =	sld [smem:$0x3FC9]  }
0x92: {  	s4 =	sld [smem:$0x3FC8]  }
0x93: {  	s6 =	simm.s32 $0xC;
	s7 =	simm.s32 $0x10;
	s5 =	sld [smem:$0x3FC7]  }
0x94: {  	[smem:s7], [sflag:s6] =	dma.local [hbm:s2], $0x1  }
0x95: {  	_ =	swait.eq [sflag:s6], $0x1  }
0x96: {  	s16 =	sld [smem:$0x10];
	[sflag:s6] =	ssyncset.done $0x0  }
0x97: {  	s17 =	sld [smem:$0x11];
	[sflag:s6] =	ssyncadd.s32 $0xFFFFFFFF  }
0x98: {  	s18 =	sld [smem:$0x12];
	(tm) =	ssettm $0x1  }
0x99: {  	s8 =	sld [smem:$0x3FFB];
	_ =	sdelay $0x3  }
0x9a: {  	_ =	strace s8  }
0x9b: {  	s8 =	sld [smem:$0x3FFC];
	_ =	sdelay $0x3  }
0x9c: {  	_ =	strace s8  }
0x9d: {  	s8 =	sld [smem:$0x3FFD];
	_ =	sdelay $0x3  }
0x9e: {  	_ =	strace s8  }
0x9f: {  	_ =	strace $0x8FFFFFFF  }
0xa0: {  	s19 =	sld [smem:$0x3FDB];
	_ =	sdelay $0x1  }
0xa1: {  	s9 =	simm.s32 $_scs_section_size  }
0xa2: {  	s10 =	simm.s32 $_size__tile_overlayer_lowered;
	s11 =	simm.s32 $_tile_overlayer_lowered  }
0xa3: {  	s22 =	simm.s32 $0x1BFF;
	s21 =	sshll.u32 s11, $0x1;
	s8 =	sadd.s32 s9, s19  }
0xa4: {  	s12 =	simm.s32 $0x0;
	s20 =	sshll.u32 s10, $0x1;
	s10 =	sadd.s32 s21, s8  }
0xa5: {  	[timem:s12], [sflag:s22] =	dma.local [hbm:s10], s20  }
0xa6: {  	_ =	swait.ge [sflag:s22], s20  }
0xa7: {  	s9 =	ssub.s32 $0x0, s20;
	[sflag:s22] =	ssyncset.done $0x0  }
0xa8: {  	[sflag:s22] =	ssyncadd.s32 s9;
	_ =	sdelay $0x1  }
0xa9: {  	s23 =	simm.s32 $0x1B8B  }
0xaa: {  	_ =	swait.ge [sflag:s23], $0x1  }
0xab: {  	[sflag:s23] =	ssyncset.done $0x0  }
0xac: {  	s25 =	simm.s32 $0x1B8E;
	s24 =	sld [smem:$0x3FFE];
	[sflag:s23] =	ssyncadd.s32 $0xFFFFFFFF  }
0xad: {  	s26 =	simm.s32 $execute0_lowered;
	[smem:$0x3FD2] =	sst s25  }
0xae: {  	s10 =	sshll.u32 s26, $0x1;
	_ =	strace $0x80000046;
	[dreg:$0x1] =	wrdreg $0xFFFFFFFF  }
0xaf: {  	s28 =	simm.s32 $_size_execute0_lowered;
	s8 =	sadd.s32 s8, s10;
	[dreg:$0x0] =	wrdreg $0x0  }
0xb0: {  	s10 =	sshll.u32 s28, $0x1;
	[dreg:$0x2] =	wrdreg s8  }
0xb1: {  	[dreg:$0x3] =	wrdreg s10  }
0xb2: {  	[dreg:$0x4] =	wrdreg $0xC0  }
0xb3: {  	_ =	task [dreg:s12], $0x5FFFF  }
0xb4: {  	[dreg:$0x1] =	wrdreg $0xFFFFFFFF  }
0xb5: {  	[dreg:$0x0] =	wrdreg $0x60  }
0xb6: {  	[dreg:$0x2] =	wrdreg s24  }
0xb7: {  	[dreg:$0x3] =	wrdreg s15  }
0xb8: {  	[dreg:$0x4] =	wrdreg s5  }
0xb9: {  	[dreg:$0x5] =	wrdreg s4  }
0xba: {  	[dreg:$0x6] =	wrdreg s17  }
0xbb: {  	[dreg:$0x7] =	wrdreg s16  }
0xbc: {  	[dreg:$0x8] =	wrdreg s18  }
0xbd: {  	[dreg:$0x9] =	wrdreg $0x9  }
0xbe: {  	_ =	task.clear_ibuf [dreg:s12], $0xAFFFF;
	_ =	strace $0x90000046  }
0xbf: {  	s29 =	simm.s32 $0x9;
	_ =	strace $0x80000048  }
0xc0: {  	_ =	swait.ge [sflag:s29], $0x1  }
0xc1: {  	[sflag:s29] =	ssyncadd.s32 $0xFFFFFFFF  }
0xc2: {  	_ =	strace $0x90000048  }
0xc3: {  	_ =	sfence  }
0xc4: {  	s30 =	sld [smem:$0x0];
	_ =	sdelay $0x2  }
0xc5: {  	s31 =	sshll.u32 s1, $0xD;
	s1 =	sshrl.u32 s1, $0x2  }
0xc6: {  	s3 =	sand.u32 $0x4000, s31;
	s1 =	sadd.s32 s1, s30  }
0xc7: {  	s0 =	sor.u32 s3, s0;
	s1 =	sshll.u32 s1, $0x11  }
0xc8: {  	s0 =	sor.u32 s1, s0  }
0xc9: {  	s0 =	sadd.s32 $0x8F2B, s0  }
0xca: {  	[sflag:s0] =	ssyncadd.remote.s32 $0x1  }
0xcb: {  	_ =	sfence.sel $0xFFFF  }
0xcc: {  	[dreg:$0x0] =	wrdreg $0xFFFFFFFF;
	(pc) =	sbr.abs _section_cstart, $3  }
0xcd: {  	[dreg:$0x1] =	wrdreg $0xFFFFFFFF  }
0xce: {  	_ =	task.clear_ibuf [dreg:s12], $0x2FFFF;
	_ =	strace $0x9FFFFFFF  }
0xcf: {  	(tm) =	ssettm $0x7FFFFFFF  }
tec
execute0_lowered:
.L_overlay_start_1:
0x0: {  	(tag) =	ssettag $0x1  }
0x1: {  	s0 =	rddreg [dreg:$0x0]  }
0x2: {  	s1 =	rddreg [dreg:$0x1]  }
0x3: {  	s2 =	rddreg [dreg:$0x2]  }
0x4: {  	s4 =	rddreg [dreg:$0x4]  }
0x5: {  	s5 =	rddreg [dreg:$0x5]  }
0x6: {  	s6 =	rddreg [dreg:$0x6];
	s7 =	simm.s32 $0x0;
	s3 =	srdreg.scid  }
0x7: {  	s11 =	stileid.u32;
	s29 =	simm.s32 $0x4000;
	s16 =	simm.s32 $0x8500  }
0x8: {  	s17 =	simm.s32 $0x8600;
	s18 =	simm.s32 $0x8700;
	s19 =	simm.s32 $0x8800  }
0x9: {  	[smem:$0x7FF] =	sst s7;
	s8 =	sadd.s32 $0x2600, s0;
	s9 =	sadd.s32 $0x2200, s0  }
0xa: {  	s21 =	sadd.s32 $0x2400, s0;
	s12 =	sadd.s32 $0x202600, s0;
	s11 =	sshll.u32 s11, $0xD  }
0xb: {  	s3 =	sand.u32 $0x1, s3;
	s13 =	sadd.s32 $0x206600, s0;
	_ =	strace $0x80000047  }
0xc: {  	[dreg:$0x8] =	wrdreg s9;
	s22 =	ssub.s32 $0x2, s3;
	s3 =	sshll.u32 s3, $0xC  }
0xd: {  	[dreg:$0x9] =	wrdreg s21;
	s10 =	sshrl.u32 s22, $0x1;
	s14 =	sor.u32 s3, s11  }
0xe: {  	s11 =	simm.s32 $0x2;
	s23 =	ssub.s32 s22, s10;
	s3 =	sshll.u32 s14, $0x4  }
0xf: {  	s24 =	sshrl.u32 s14, $0x3;
	s25 =	sor.u32 $0x80, s14;
	s3 =	sadd.s32 s8, s3  }
0x10: {  	s22 =	simm.s32 $0x8200;
	s26 =	sadd.s32 s1, s24;
	[dreg:$0xa] =	wrdreg s3  }
0x11: {  	s28 =	sshll.u32 s25, $0x4;
	s9 =	sadd.s32 s2, s24;
	[dreg:$0xb] =	wrdreg s26  }
.Ltmp0:
0x12: {  	s0 =	smax.u32 s23, $0x1;
	[dreg:$0xc] =	wrdreg s9;
	(pc) =	sbr.rel .LBB2_1-.Ltmp0, $4  }
0x13: {  	s30 =	sshrl.u32 s25, $0x3;
	s3 =	sadd.s32 s8, s28;
	[dreg:$0x10] =	wrdreg s0  }
0x14: {  	s10 =	simm.s32 $0x0;
	s31 =	sadd.s32 s1, s30;
	[dreg:$0xd] =	wrdreg s3  }
0x15: {  	v0 =	vlaneseq.u32;
	s24 =	simm.s32 $0x8280;
	[dreg:$0xe] =	wrdreg s31;
	s3 =	sadd.s32 s2, s30  }
0x16: {  	v1 =	vimm.f32 $-1.000000000e+00;
	v2 =	vimm.s32 $0x40;
	v0 =	vmul.u32 $0x80, v0;
	s25 =	simm.s32 $0x8300;
	s0 =	simm.s32 $0x1;
	[dreg:$0xf] =	wrdreg s3  }
.LBB2_8:
0x17: {  	s3 =	simm.s32 $0x3  }
0x18: {  	_ =	swait.ge [sflag:s3], $0x80  }
0x19: {  	[sflag:s3] =	ssyncset.done $0x0  }
0x1a: {  	[sflag:s3] =	ssyncadd.s32 $0xFFFFFF80  }
0x1b: {  	_ =	swait.ge [sflag:s3], $0x80  }
0x1c: {  	[sflag:s3] =	ssyncset.done $0x0  }
0x1d: {  	[sflag:s3] =	ssyncadd.s32 $0xFFFFFF80  }
0x1e: {  	_ =	swait.ge [sflag:s3], $0x80  }
0x1f: {  	[sflag:s3] =	ssyncset.done $0x0  }
0x20: {  	[sflag:s3] =	ssyncadd.s32 $0xFFFFFF80  }
0x21: {  	_ =	swait.ge [sflag:s3], $0x80  }
0x22: {  	[sflag:s3] =	ssyncset.done $0x0  }
0x23: {  	[sflag:s3] =	ssyncadd.s32 $0xFFFFFF80  }
0x24: {  	_ =	swait.ge [sflag:s3], $0x80  }
0x25: {  	[sflag:s3] =	ssyncset.done $0x0  }
0x26: {  	s9 =	simm.s32 $0x4;
	[sflag:s3] =	ssyncadd.s32 $0xFFFFFF80  }
0x27: {  	_ =	swait.ge [sflag:s9], $0x80  }
0x28: {  	[sflag:s9] =	ssyncset.done $0x0  }
0x29: {  	[sflag:s9] =	ssyncadd.s32 $0xFFFFFF80  }
0x2a: {  	_ =	swait.ge [sflag:s9], $0x80  }
0x2b: {  	[sflag:s9] =	ssyncset.done $0x0  }
0x2c: {  	[sflag:s9] =	ssyncadd.s32 $0xFFFFFF80  }
0x2d: {  	_ =	swait.ge [sflag:s9], $0x80  }
0x2e: {  	[sflag:s9] =	ssyncset.done $0x0  }
0x2f: {  	[sflag:s9] =	ssyncadd.s32 $0xFFFFFF80  }
0x30: {  	_ =	swait.ge [sflag:s9], $0x80  }
0x31: {  	[sflag:s9] =	ssyncset.done $0x0  }
0x32: {  	[sflag:s9] =	ssyncadd.s32 $0xFFFFFF80  }
0x33: {  	_ =	swait.ge [sflag:s9], $0x80  }
0x34: {  	s10 =	rddreg [dreg:$0x11]  }
0x35: {  	s31 =	rddreg [dreg:$0x10];
	s10 =	sadd.s32 $0x1, s10  }
0x36: {  	p0 =	sne.s32 s10, s31  }
.Ltmp1:
0x37: {  	_ = 	snop;
	(pc) =	sbr.rel @!p0 .LBB2_9-.Ltmp1, $3  }
0x38: {  	_ =	sdelay $0x1  }
0x39: {  	[sflag:s9] =	ssyncset.done $0x0  }
0x3a: {  	[sflag:s9] =	ssyncadd.s32 $0xFFFFFF80  }
.LBB2_1:
0x3b: {  	[dreg:$0x11] =	wrdreg s10  }
0x3c: {  	s3 =	rddreg [dreg:$0x3];
	s9 =	simm.s32 $0x5  }
0x3d: {  	[tilespmem:s22], [sflag:$0x5] =	stream.linear.gather [hbm4b:s3+s7], $0x80, $0x38;
	[tilespmem:$0x8880] =	vst v63  }
0x3e: {  	_ =	swait.ge [sflag:s9], $0x80  }
0x3f: {  	[sflag:s9] =	ssyncset.done $0x0  }
0x40: {  	s30 =	rddreg [dreg:$0x8];
	[sflag:s9] =	ssyncadd.s32 $0xFFFFFF80  }
0x41: {  	[tilespmem:s24], [sflag:$0x5] =	stream.linear.gather [hbm4b:s30+s7], $0x80, $0x38;
	[tilespmem:$0x8880] =	vst v63  }
0x42: {  	_ =	swait.ge [sflag:s9], $0x80  }
0x43: {  	[sflag:s9] =	ssyncset.done $0x0  }
0x44: {  	s31 =	rddreg [dreg:$0x9];
	[sflag:s9] =	ssyncadd.s32 $0xFFFFFF80  }
0x45: {  	[tilespmem:s25], [sflag:$0x5] =	stream.linear.gather [hbm4b:s31+s7], $0x80, $0x38;
	[tilespmem:$0x8880] =	vst v63  }
0x46: {  	_ =	swait.ge [sflag:s9], $0x80  }
0x47: {  	[sflag:s9] =	ssyncset.done $0x0  }
0x48: {  	[sflag:s9] =	ssyncadd.s32 $0xFFFFFF80;
	s9 =	rddreg [dreg:$0xa]  }
0x49: {  	[tilespmem:s7], [sflag:$0x1] =	stream.linear.gather [hbm4b:s9+s7], $0x4000, $0x38;
	[tilespmem:$0x8880] =	vst v63  }
0x4a: {  	s15 =	simm.s32 $0x8000;
	s10 =	rddreg [dreg:$0xb]  }
0x4b: {  	[tilespmem:s15], [sflag:$0x1] =	stream.linear.gather [hbm4b:s10+s7], $0x80, $0x38;
	[tilespmem:$0x8880] =	vst v63  }
0x4c: {  	s21 =	simm.s32 $0x8100;
	s20 =	rddreg [dreg:$0xc]  }
0x4d: {  	[tilespmem:s21], [sflag:$0x1] =	stream.linear.gather [hbm4b:s20+s7], $0x80, $0x38;
	[tilespmem:$0x8880] =	vst v63  }
0x4e: {  	s23 =	rddreg [dreg:$0xd]  }
0x4f: {  	[tilespmem:s29], [sflag:$0x2] =	stream.linear.gather [hbm4b:s23+s7], $0x4000, $0x38;
	[tilespmem:$0x8880] =	vst v63  }
0x50: {  	s28 =	simm.s32 $0x8080;
	s26 =	rddreg [dreg:$0xe]  }
0x51: {  	[tilespmem:s28], [sflag:$0x2] =	stream.linear.gather [hbm4b:s26+s7], $0x80, $0x38;
	[tilespmem:$0x8880] =	vst v63  }
0x52: {  	s31 =	simm.s32 $0x8180;
	s30 =	rddreg [dreg:$0xf];
	s23 =	simm.s32 $0x0  }
0x53: {  	[tilespmem:s31], [sflag:$0x2] =	stream.linear.gather [hbm4b:s30+s7], $0x80, $0x38;
	[tilespmem:$0x8880] =	vst v63  }
.LBB2_2:
0x54: {  	_ =	swait.ge [sflag:s0], $0x4000  }
0x55: {  	[sflag:s0] =	ssyncset.done $0x0  }
0x56: {  	[sflag:s0] =	ssyncadd.s32 $0xFFFFC000  }
0x57: {  	_ =	swait.ge [sflag:s0], $0x80  }
0x58: {  	[sflag:s0] =	ssyncset.done $0x0  }
0x59: {  	[sflag:s0] =	ssyncadd.s32 $0xFFFFFF80  }
0x5a: {  	_ =	swait.ge [sflag:s0], $0x80  }
0x5b: {  	p0 =	seq.s32 s23, $0x0;
	[sflag:s0] =	ssyncset.done $0x0  }
0x5c: {  	s3 =	simm.s32 @!p0 $0x3;
	[sflag:s0] =	ssyncadd.s32 $0xFFFFFF80  }
0x5d: {  	_ =	swait.ge @!p0 [sflag:s3], $0x80  }
0x5e: {  	[sflag:s3] =	ssyncset.done @!p0 $0x0  }
0x5f: {  	[sflag:s3] =	ssyncadd.s32 @!p0 $0xFFFFFF80  }
0x60: {  	_ =	swait.ge @!p0 [sflag:s3], $0x80  }
0x61: {  	[sflag:s3] =	ssyncset.done @!p0 $0x0  }
0x62: {  	[sflag:s3] =	ssyncadd.s32 @!p0 $0xFFFFFF80  }
0x63: {  	_ =	swait.ge @!p0 [sflag:s3], $0x80  }
0x64: {  	[sflag:s3] =	ssyncset.done @!p0 $0x0  }
0x65: {  	[sflag:s3] =	ssyncadd.s32 @!p0 $0xFFFFFF80  }
0x66: {  	_ =	swait.ge @!p0 [sflag:s3], $0x80  }
0x67: {  	s9 =	sshll.u32 s23, $0x8;
	s21 =	simm.s32 $0x0;
	[sflag:s3] =	ssyncset.done @!p0 $0x0  }
0x68: {  	s30 =	simm.s32 $0x8000;
	s31 =	simm.s32 $0x8100;
	[sflag:s3] =	ssyncadd.s32 @!p0 $0xFFFFFF80  }
0x69: {  	s26 =	simm.s32 $0x8580;
	s28 =	simm.s32 $0x8680;
	_ =	swait.ge @!p0 [sflag:s3], $0x80  }
0x6a: {  	s10 =	simm.s32 $0x8780;
	s20 =	sor.u32 s14, s9;
	[sflag:s3] =	ssyncset.done @!p0 $0x0  }
0x6b: {  	s9 =	simm.s32 $0x8380;
	[sflag:s3] =	ssyncadd.s32 @!p0 $0xFFFFFF80;
	s3 =	simm.s32 $0x8480  }
.LBB2_3:
0x6c: {  	v3 =	vld [tilespmem:s31+$0x0];
	_ =	sdelay $0x2  }
0x6d: {  	v4 =	vld [tilespmem:s30+$0x0];
	_ =	sdelay $0x2  }
0x6e: {  	v5 =	vmov s21  }
0x6f: {  	v5 =	vshll.u32 v5, $0x7  }
0x70: {  	v6 =	vor.u32 v0, v5;
	v7 =	vand.u32 $0xFFFFFF80, v4;
	v3 =	vld.idx.msk [tilespmem:v3+s22+$0x0], $0xffff  }
0x71: {  	v4 =	vand.u32 $0x7F, v4;
	v5 =	vadd.s32 v6, v7  }
0x72: {  	v7 =	vor.u32 v4, v5;
	_ =	sdelay $0x3  }
0x73: {  	v8 =	vor.u32 $0x1, v6  }
0x74: {  	v45 =	vor.u32 $0x2, v6;
	v5 =	vld.idx.msk [tilespmem:v7+s7+$0x0], $0xffff  }
0x75: {  	v10 =	vor.u32 $0x3, v6;
	v4 =	vld.idx.msk [tilespmem:v3+s24+$0x0], $0xffff  }
0x76: {  	v11 =	vor.u32 $0x4, v6;
	v3 =	vld.idx.msk [tilespmem:v3+s25+$0x0], $0xffff;
	[tilespmem:v7+s7+$0x0] =	vst.idx.msk $0xffff, v1  }
0x77: {  	v12 =	vor.u32 $0x5, v6;
	v9 =	vld.idx.msk [tilespmem:v6+s7+$0x0], $0xffff  }
0x78: {  	v13 =	vor.u32 $0x6, v6;
	v8 =	vld.idx.msk [tilespmem:v8+s7+$0x0], $0xffff  }
0x79: {  	v47 =	vor.u32 $0x7, v6;
	v7 =	vld.idx.msk [tilespmem:v45+s7+$0x0], $0xffff  }
0x7a: {  	v49 =	vor.u32 $0x8, v6;
	v10 =	vld.idx.msk [tilespmem:v10+s7+$0x0], $0xffff  }
0x7b: {  	v51 =	vor.u32 $0x9, v6;
	v46 =	vld.idx.msk [tilespmem:v11+s7+$0x0], $0xffff  }
0x7c: {  	v53 =	vor.u32 $0x10, v6;
	v48 =	vld.idx.msk [tilespmem:v12+s7+$0x0], $0xffff  }
0x7d: {  	v15 =	vor.u32 $0xA, v6;
	v50 =	vld.idx.msk [tilespmem:v13+s7+$0x0], $0xffff  }
0x7e: {  	v55 =	vor.u32 $0x11, v6;
	v52 =	vld.idx.msk [tilespmem:v47+s7+$0x0], $0xffff  }
0x7f: {  	v57 =	vor.u32 $0x12, v6;
	v54 =	vld.idx.msk [tilespmem:v49+s7+$0x0], $0xffff  }
0x80: {  	v59 =	vor.u32 $0x13, v6;
	v56 =	vld.idx.msk [tilespmem:v51+s7+$0x0], $0xffff  }
0x81: {  	v61 =	vor.u32 $0x14, v6;
	v11 =	vld.idx.msk [tilespmem:v53+s7+$0x0], $0xffff  }
0x82: {  	v19 =	vor.u32 $0xE, v6;
	v58 =	vld.idx.msk [tilespmem:v15+s7+$0x0], $0xffff  }
0x83: {  	v63 =	vor.u32 $0x15, v6;
	v12 =	vld.idx.msk [tilespmem:v55+s7+$0x0], $0xffff  }
0x84: {  	v16 =	vor.u32 $0xB, v6;
	v17 =	vor.u32 $0xC, v6;
	v32 =	vor.u32 $0x18, v6;
	v13 =	vld.idx.msk [tilespmem:v57+s7+$0x0], $0xffff  }
0x85: {  	v18 =	vor.u32 $0xD, v6;
	v20 =	vor.u32 $0xF, v6;
	v34 =	vor.u32 $0x19, v6;
	v15 =	vld.idx.msk [tilespmem:v59+s7+$0x0], $0xffff  }
0x86: {  	v21 =	vor.u32 $0x16, v6;
	v27 =	vor.u32 $0x17, v6;
	v38 =	vor.u32 $0x1B, v6;
	v25 =	vld.idx.msk [tilespmem:v61+s7+$0x0], $0xffff  }
0x87: {  	v36 =	vor.u32 $0x1A, v6;
	v41 =	vor.u32 $0x1C, v6;
	v42 =	vor.u32 $0x20, v6;
	v26 =	vld.idx.msk [tilespmem:v19+s7+$0x0], $0xffff  }
0x88: {  	v44 =	vor.u32 $0x1D, v6;
	v22 =	vor.u32 $0x35, v6;
	v30 =	vld.idx.msk [tilespmem:v63+s7+$0x0], $0xffff;
	v45 =	vor.u32 $0x21, v6  }
0x89: {  	v23 =	vor.u32 $0x2B, v6;
	v37 =	vld.idx.msk [tilespmem:v32+s7+$0x0], $0xffff;
	v49 =	vor.u32 $0x22, v6;
	v53 =	vor.u32 $0x1F, v6  }
0x8a: {  	v40 =	vld.idx.msk [tilespmem:v34+s7+$0x0], $0xffff;
	v59 =	vor.u32 $0x26, v6;
	v61 =	vor.u32 $0x30, v6;
	vm0 =	vgt.f32 v9, $-1.000000000e+00  }
0x8b: {  	v47 =	vld.idx.msk [tilespmem:v38+s7+$0x0], $0xffff;
	v63 =	vor.u32 $0x27, v6;
	v32 =	vor.u32 $0x29, v6;
	v9 =	vnsel vm0, $0xBF800000, v9  }
0x8c: {  	v51 =	vld.idx.msk [tilespmem:v42+s7+$0x0], $0xffff;
	v34 =	vor.u32 $0x2A, v6;
	v38 =	vor.u32 $0x2C, v6;
	vm1 =	vgt.f32 v8, v9  }
0x8d: {  	v42 =	vor.u32 $0x2D, v6;
	v19 =	vld.idx.msk [tilespmem:v45+s7+$0x0], $0xffff;
	v45 =	vor.u32 $0x3A, v6;
	v8 =	vsel vm1, v8, v9  }
0x8e: {  	v14 =	vsel vm0, $0x0, v2;
	vm0 =	vgt.f32 v11, $-1.000000000e+00;
	vm2 =	vgt.f32 v7, v8  }
0x8f: {  	v55 =	vld.idx.msk [tilespmem:v49+s7+$0x0], $0xffff;
	v49 =	vor.u32 $0x3C, v6;
	v11 =	vnsel vm0, $0xBF800000, v11;
	v7 =	vsel vm2, v7, v8  }
0x90: {  	v14 =	vsel vm1, $0x1, v14;
	vm1 =	vgt.f32 v12, v11;
	vm3 =	vgt.f32 v10, v7  }
0x91: {  	v39 =	vsel vm0, $0x10, v2;
	v11 =	vsel vm1, v12, v11;
	v7 =	vsel vm3, v10, v7  }
0x92: {  	v62 =	vld.idx.msk [tilespmem:v17+s7+$0x0], $0xffff;
	v17 =	vsel vm1, $0x11, v39;
	vm11 =	vgt.f32 v13, v11;
	vm4 =	vgt.f32 v46, v7  }
0x93: {  	v14 =	vsel vm2, $0x2, v14;
	v29 =	vsel vm11, v13, v11;
	v7 =	vsel vm4, v46, v7  }
0x94: {  	v17 =	vsel vm11, $0x12, v17;
	vm13 =	vgt.f32 v15, v29;
	vm15 =	vgt.f32 v48, v7  }
0x95: {  	v14 =	vsel vm3, $0x3, v14;
	v9 =	vsel vm13, v15, v29;
	v7 =	vsel vm15, v48, v7  }
0x96: {  	v17 =	vsel vm13, $0x13, v17;
	v14 =	vsel vm4, $0x4, v14;
	vm5 =	vgt.f32 v50, v7  }
0x97: {  	v14 =	vsel vm15, $0x5, v14;
	v48 =	vld.idx.msk [tilespmem:v41+s7+$0x0], $0xffff;
	v41 =	vor.u32 $0x38, v6;
	v7 =	vsel vm5, v50, v7  }
0x98: {  	v33 =	vld.idx.msk [tilespmem:v21+s7+$0x0], $0xffff;
	v14 =	vsel vm5, $0x6, v14;
	vm5 =	vgt.f32 v25, v9;
	v50 =	vor.u32 $0x1E, v6  }
0x99: {  	vm6 =	vgt.f32 v52, v7;
	v9 =	vsel vm5, v25, v9;
	v46 =	vsel vm5, $0x14, v17  }
0x9a: {  	v7 =	vsel vm6, v52, v7;
	v14 =	vsel vm6, $0x7, v14;
	vm6 =	vgt.f32 v30, v9  }
0x9b: {  	v52 =	vor.u32 $0x23, v6;
	vm7 =	vgt.f32 v54, v7;
	v9 =	vsel vm6, v30, v9  }
0x9c: {  	v60 =	vld.idx.msk [tilespmem:v16+s7+$0x0], $0xffff;
	v13 =	vsel vm6, $0x15, v46;
	v46 =	vor.u32 $0x2E, v6;
	v7 =	vsel vm7, v54, v7  }
0x9d: {  	v35 =	vld.idx.msk [tilespmem:v27+s7+$0x0], $0xffff;
	v14 =	vsel vm7, $0x8, v14;
	vm7 =	vgt.f32 v33, v9;
	vm8 =	vgt.f32 v56, v7  }
0x9e: {  	v54 =	vor.u32 $0x24, v6;
	v9 =	vsel vm7, v33, v9;
	v7 =	vsel vm8, v56, v7  }
0x9f: {  	v30 =	vld.idx.msk [tilespmem:v61+s7+$0x0], $0xffff;
	v13 =	vsel vm7, $0x16, v13;
	v33 =	vor.u32 $0x34, v6;
	vm9 =	vgt.f32 v58, v7  }
0xa0: {  	v10 =	vld.idx.msk [tilespmem:v50+s7+$0x0], $0xffff;
	v50 =	vor.u32 $0x2F, v6;
	v14 =	vsel vm8, $0x9, v14;
	v7 =	vsel vm9, v58, v7  }
0xa1: {  	vm8 =	vgt.f32 v51, $-1.000000000e+00;
	v24 =	vsel vm9, $0xA, v14;
	vm10 =	vgt.f32 v60, v7  }
0xa2: {  	v7 =	vsel vm10, v60, v7;
	v28 =	vsel vm10, $0xB, v24;
	vm10 =	vgt.f32 v35, v9  }
0xa3: {  	v43 =	vld.idx.msk [tilespmem:v36+s7+$0x0], $0xffff;
	v56 =	vor.u32 $0x25, v6;
	v57 =	vnsel vm8, $0xBF800000, v51;
	v9 =	vsel vm10, v35, v9  }
0xa4: {  	v18 =	vld.idx.msk [tilespmem:v18+s7+$0x0], $0xffff;
	v27 =	vsel vm8, $0x20, v2;
	vm0 =	vgt.f32 v30, $-1.000000000e+00;
	vm11 =	vgt.f32 v37, v9  }
0xa5: {  	v58 =	vld.idx.msk [tilespmem:v52+s7+$0x0], $0xffff;
	v52 =	vor.u32 $0x3D, v6;
	vm12 =	vgt.f32 v62, v7;
	v9 =	vsel vm11, v37, v9  }
0xa6: {  	v7 =	vsel vm12, v62, v7;
	v8 =	vsel vm12, $0xC, v28;
	vm12 =	vgt.f32 v40, v9  }
0xa7: {  	v13 =	vsel vm10, $0x17, v13;
	vm10 =	vgt.f32 v19, v57;
	v9 =	vsel vm12, v40, v9  }
0xa8: {  	v31 =	vld.idx.msk [tilespmem:v20+s7+$0x0], $0xffff;
	v24 =	vor.u32 $0x31, v6;
	v14 =	vsel vm10, v19, v57;
	vm13 =	vgt.f32 v43, v9  }
0xa9: {  	v16 =	vld.idx.msk [tilespmem:v44+s7+$0x0], $0xffff;
	v28 =	vor.u32 $0x32, v6;
	vm14 =	vgt.f32 v18, v7;
	v9 =	vsel vm13, v43, v9  }
0xaa: {  	v7 =	vsel vm14, v18, v7;
	v8 =	vsel vm14, $0xD, v8;
	vm14 =	vgt.f32 v47, v9  }
0xab: {  	v13 =	vsel vm11, $0x18, v13;
	vm15 =	vgt.f32 v26, v7;
	v9 =	vsel vm14, v47, v9  }
0xac: {  	v7 =	vsel vm15, v26, v7;
	v8 =	vsel vm15, $0xE, v8;
	vm15 =	vgt.f32 v48, v9  }
0xad: {  	vm11 =	vgt.f32 v55, v14;
	vm9 =	vgt.f32 v31, v7;
	v9 =	vsel vm15, v48, v9  }
0xae: {  	v60 =	vld.idx.msk [tilespmem:v54+s7+$0x0], $0xffff;
	v7 =	vsel vm9, v31, v7;
	v8 =	vsel vm9, $0xF, v8;
	vm9 =	vgt.f32 v16, v9  }
0xaf: {  	v12 =	vld.idx.msk [tilespmem:v53+s7+$0x0], $0xffff;
	v54 =	vsel vm0, $0x30, v2;
	v11 =	vsel vm11, v55, v14;
	v9 =	vsel vm9, v16, v9  }
0xb0: {  	v62 =	vld.idx.msk [tilespmem:v56+s7+$0x0], $0xffff;
	v13 =	vsel vm12, $0x19, v13;
	v31 =	vor.u32 $0x33, v6;
	vm12 =	vgt.f32 v10, v9  }
0xb1: {  	v13 =	vsel vm13, $0x1A, v13;
	vm13 =	vgt.f32 v58, v11;
	v9 =	vsel vm12, v10, v9;
	v10 =	vld.idx.msk [tilespmem:v24+s7+$0x0], $0xffff  }
0xb2: {  	v25 =	vld.idx.msk [tilespmem:v59+s7+$0x0], $0xffff;
	v35 =	vor.u32 $0x36, v6;
	v11 =	vsel vm13, v58, v11;
	v13 =	vsel vm14, $0x1B, v13  }
0xb3: {  	v26 =	vor.u32 $0x28, v6;
	v21 =	vld.idx.msk [tilespmem:v28+s7+$0x0], $0xffff;
	v13 =	vsel vm15, $0x1C, v13;
	vm15 =	vgt.f32 v60, v11  }
0xb4: {  	v15 =	vld.idx.msk [tilespmem:v63+s7+$0x0], $0xffff;
	v29 =	vsel vm10, $0x21, v27;
	v37 =	vor.u32 $0x37, v6;
	v11 =	vsel vm15, v60, v11  }
0xb5: {  	v43 =	vor.u32 $0x39, v6;
	vm8 =	vgt.f32 v62, v11;
	v16 =	vnsel vm0, $0xBF800000, v30;
	v19 =	vld.idx.msk [tilespmem:v31+s7+$0x0], $0xffff  }
0xb6: {  	v48 =	vor.u32 $0x3B, v6;
	v11 =	vsel vm8, v62, v11;
	vm1 =	vgt.f32 v10, v16  }
0xb7: {  	v36 =	vld.idx.msk [tilespmem:v33+s7+$0x0], $0xffff;
	v13 =	vsel vm9, $0x1D, v13;
	vm9 =	vgt.f32 v25, v11;
	v10 =	vsel vm1, v10, v16  }
0xb8: {  	v18 =	vld.idx.msk [tilespmem:v26+s7+$0x0], $0xffff;
	v13 =	vsel vm12, $0x1E, v13;
	vm14 =	vgt.f32 v12, v9;
	vm12 =	vgt.f32 v21, v10  }
0xb9: {  	v39 =	vld.idx.msk [tilespmem:v22+s7+$0x0], $0xffff;
	v11 =	vsel vm9, v25, v11;
	v9 =	vsel vm14, v12, v9;
	v10 =	vsel vm12, v21, v10  }
0xba: {  	v14 =	vld.idx.msk [tilespmem:v32+s7+$0x0], $0xffff;
	v12 =	vsel vm11, $0x22, v29;
	vm10 =	vgt.f32 v15, v11;
	vm4 =	vgt.f32 v19, v10  }
0xbb: {  	v12 =	vsel vm13, $0x23, v12;
	v11 =	vsel vm10, v15, v11;
	v15 =	vld.idx.msk [tilespmem:v35+s7+$0x0], $0xffff;
	v10 =	vsel vm4, v19, v10  }
0xbc: {  	v17 =	vld.idx.msk [tilespmem:v34+s7+$0x0], $0xffff;
	v13 =	vsel vm14, $0x1F, v13;
	v12 =	vsel vm15, $0x24, v12;
	vm5 =	vgt.f32 v36, v10  }
0xbd: {  	v44 =	vld.idx.msk [tilespmem:v37+s7+$0x0], $0xffff;
	vm11 =	vgt.f32 v18, v11;
	v12 =	vsel vm8, $0x25, v12;
	v10 =	vsel vm5, v36, v10  }
0xbe: {  	v40 =	vld.idx.msk [tilespmem:v23+s7+$0x0], $0xffff;
	v11 =	vsel vm11, v18, v11;
	v12 =	vsel vm9, $0x26, v12;
	vm2 =	vgt.f32 v39, v10  }
0xbf: {  	v47 =	vld.idx.msk [tilespmem:v41+s7+$0x0], $0xffff;
	vm13 =	vgt.f32 v14, v11;
	v12 =	vsel vm10, $0x27, v12;
	v10 =	vsel vm2, v39, v10  }
0xc0: {  	v11 =	vsel vm13, v14, v11;
	v12 =	vsel vm11, $0x28, v12;
	vm6 =	vgt.f32 v15, v10  }
0xc1: {  	v14 =	vld.idx.msk [tilespmem:v43+s7+$0x0], $0xffff;
	vm14 =	vgt.f32 v17, v11;
	v21 =	vsel vm1, $0x31, v54;
	v10 =	vsel vm6, v15, v10  }
0xc2: {  	v18 =	vld.idx.msk [tilespmem:v38+s7+$0x0], $0xffff;
	v12 =	vsel vm13, $0x29, v12;
	v11 =	vsel vm14, v17, v11;
	vm7 =	vgt.f32 v44, v10  }
0xc3: {  	v51 =	vld.idx.msk [tilespmem:v45+s7+$0x0], $0xffff;
	vm8 =	vgt.f32 v40, v11;
	v12 =	vsel vm14, $0x2A, v12;
	v10 =	vsel vm7, v44, v10  }
0xc4: {  	v19 =	vld.idx.msk [tilespmem:v42+s7+$0x0], $0xffff;
	v11 =	vsel vm8, v40, v11;
	v12 =	vsel vm8, $0x2B, v12;
	vm8 =	vgt.f32 v47, v10  }
0xc5: {  	v55 =	vor.u32 $0x3E, v6;
	v53 =	vld.idx.msk [tilespmem:v48+s7+$0x0], $0xffff;
	v58 =	vsel vm12, $0x32, v21;
	v10 =	vsel vm8, v47, v10  }
0xc6: {  	v6 =	vor.u32 $0x3F, v6;
	v17 =	vld.idx.msk [tilespmem:v46+s7+$0x0], $0xffff;
	v59 =	vsel vm4, $0x33, v58;
	vm11 =	vgt.f32 v14, v10  }
0xc7: {  	v56 =	vld.idx.msk [tilespmem:v49+s7+$0x0], $0xffff;
	vm9 =	vgt.f32 v18, v11;
	v16 =	vsel vm5, $0x34, v59;
	v10 =	vsel vm11, v14, v10  }
0xc8: {  	v57 =	vld.idx.msk [tilespmem:v50+s7+$0x0], $0xffff;
	v11 =	vsel vm9, v18, v11;
	v12 =	vsel vm9, $0x2C, v12;
	vm12 =	vgt.f32 v51, v10  }
0xc9: {  	v18 =	vld.idx.msk [tilespmem:v52+s7+$0x0], $0xffff;
	v16 =	vsel vm2, $0x35, v16;
	vm15 =	vgt.f32 v19, v11;
	v10 =	vsel vm12, v51, v10  }
0xca: {  	v11 =	vsel vm15, v19, v11;
	v12 =	vsel vm15, $0x2D, v12;
	vm14 =	vgt.f32 v53, v10  }
0xcb: {  	v60 =	vld.idx.msk [tilespmem:v55+s7+$0x0], $0xffff;
	v16 =	vsel vm6, $0x36, v16;
	vm13 =	vgt.f32 v17, v11;
	v10 =	vsel vm14, v53, v10  }
0xcc: {  	v11 =	vsel vm13, v17, v11;
	v12 =	vsel vm13, $0x2E, v12;
	vm15 =	vgt.f32 v56, v10  }
0xcd: {  	v6 =	vld.idx.msk [tilespmem:v6+s7+$0x0], $0xffff;
	v61 =	vsel vm7, $0x37, v16;
	vm9 =	vgt.f32 v57, v11;
	v10 =	vsel vm15, v56, v10  }
0xce: {  	v11 =	vsel vm9, v57, v11;
	v14 =	vsel vm8, $0x38, v61;
	vm10 =	vgt.f32 v18, v10  }
0xcf: {  	v12 =	vsel vm9, $0x2F, v12;
	v14 =	vsel vm11, $0x39, v14;
	v10 =	vsel vm10, v18, v10  }
0xd0: {  	v14 =	vsel vm12, $0x3A, v14;
	vm12 =	vgt.f32 v9, v7;
	vm11 =	vgt.f32 v60, v10  }
0xd1: {  	v7 =	vsel vm12, v9, v7;
	v14 =	vsel vm14, $0x3B, v14;
	v10 =	vsel vm11, v60, v10  }
0xd2: {  	vm14 =	vgt.f32 v11, v7;
	v62 =	vsel vm15, $0x3C, v14;
	vm13 =	vgt.f32 v6, v10  }
0xd3: {  	v7 =	vsel vm14, v11, v7;
	v9 =	vsel vm10, $0x3D, v62;
	v6 =	vsel vm13, v6, v10  }
0xd4: {  	p1 =	sne.s32 s21, $0x70;
	v8 =	vsel vm12, v13, v8;
	v9 =	vsel vm11, $0x3E, v9;
	vm15 =	vgt.f32 v6, v7  }
.Ltmp2:
0xd5: {  	[tilespmem:s9+$0x0] =	vst v5;
	v8 =	vsel vm14, v12, v8;
	v9 =	vsel vm13, $0x3F, v9;
	v6 =	vsel vm15, v6, v7;
	(pc) =	sbr.rel @p1 .LBB2_3-.Ltmp2, $4  }
0xd6: {  	v63 =	vsel vm15, v9, v8;
	[tilespmem:s3+$0x0] =	vst v6  }
0xd7: {  	s30 =	sadd.s32 $0x10, s30;
	s31 =	sadd.s32 $0x10, s31;
	[tilespmem:s26+$0x0] =	vst v63  }
0xd8: {  	s21 =	sadd.s32 $0x10, s21;
	s9 =	sadd.s32 $0x10, s9;
	s3 =	sadd.s32 $0x10, s3;
	[tilespmem:s28+$0x0] =	vst v4  }
0xd9: {  	s26 =	sadd.s32 $0x10, s26;
	s28 =	sadd.s32 $0x10, s28;
	[tilespmem:s10+$0x0] =	vst v3;
	s10 =	sadd.s32 $0x10, s10  }
0xda: {  	s21 =	sshrl.u32 s20, $0x3  }
0xdb: {  	s9 =	simm.s32 $0x8380;
	s3 =	sadd.s32 s4, s21  }
0xdc: {  	[hbm4b:s3+s7] =	stream.linear.scatter [tilespmem:s9], [sflag:$0x3], $0x80, $0x38;
	[tilespmem:$0x8880] =	vst v63  }
0xdd: {  	s10 =	simm.s32 $0x8480;
	s9 =	sadd.s32 s5, s21  }
0xde: {  	[hbm4b:s9+s7] =	stream.linear.scatter [tilespmem:s10], [sflag:$0x3], $0x80, $0x38;
	[tilespmem:$0x8880] =	vst v63  }
0xdf: {  	s26 =	simm.s32 $0x8580;
	p1 =	seq.s32 s23, $0xF;
	s15 =	sadd.s32 s6, s21  }
0xe0: {  	[hbm4b:s15+s7] =	stream.linear.scatter [tilespmem:s26], [sflag:$0x3], $0x80, $0x38;
	[tilespmem:$0x8880] =	vst v63  }
0xe1: {  	s3 =	sadd.s32 @!p1 $0x100, s20;
	s9 =	sadd.s32 s12, s21;
	s10 =	simm.s32 $0x8680  }
0xe2: {  	[hbm4b:s9+s7] =	stream.linear.scatter [tilespmem:s10], [sflag:$0x3], $0x80, $0x38;
	[tilespmem:$0x8880] =	vst v63  }
0xe3: {  	s15 =	sadd.s32 s13, s21;
	s26 =	simm.s32 $0x8780;
	s9 =	sshll.u32 @!p1 s3, $0x4  }
0xe4: {  	[hbm4b:s15+s7] =	stream.linear.scatter [tilespmem:s26], [sflag:$0x3], $0x80, $0x38;
	[tilespmem:$0x8880] =	vst v63  }
0xe5: {  	s10 =	simm.s32 @!p1 $0x0;
	s3 =	sshrl.u32 @!p1 s3, $0x3;
	s9 =	sadd.s32 @!p1 s8, s9  }
0xe6: {  	[tilespmem:s10], [sflag:$0x1] =	stream.linear.gather @!p1 [hbm4b:s9+s10], $0x4000, $0x38;
	[tilespmem:$0x8880] =	vst v63  }
0xe7: {  	s15 =	simm.s32 @!p1 $0x8000;
	s9 =	sadd.s32 @!p1 s1, s3  }
0xe8: {  	[tilespmem:s15], [sflag:$0x1] =	stream.linear.gather @!p1 [hbm4b:s9+s10], $0x80, $0x38;
	[tilespmem:$0x8880] =	vst v63  }
0xe9: {  	s3 =	sadd.s32 @!p1 s2, s3;
	s9 =	simm.s32 @!p1 $0x8100  }
0xea: {  	[tilespmem:s9], [sflag:$0x1] =	stream.linear.gather @!p1 [hbm4b:s3+s10], $0x80, $0x38;
	[tilespmem:$0x8880] =	vst v63  }
0xeb: {  	_ =	swait.ge [sflag:s11], $0x4000  }
0xec: {  	[sflag:s11] =	ssyncset.done $0x0  }
0xed: {  	[sflag:s11] =	ssyncadd.s32 $0xFFFFC000  }
0xee: {  	_ =	swait.ge [sflag:s11], $0x80  }
0xef: {  	[sflag:s11] =	ssyncset.done $0x0  }
0xf0: {  	[sflag:s11] =	ssyncadd.s32 $0xFFFFFF80  }
0xf1: {  	_ =	swait.ge [sflag:s11], $0x80  }
0xf2: {  	[sflag:s11] =	ssyncset.done $0x0  }
0xf3: {  	s3 =	simm.s32 @!p0 $0x4;
	[sflag:s11] =	ssyncadd.s32 $0xFFFFFF80  }
0xf4: {  	_ =	swait.ge @!p0 [sflag:s3], $0x80  }
0xf5: {  	[sflag:s3] =	ssyncset.done @!p0 $0x0  }
0xf6: {  	[sflag:s3] =	ssyncadd.s32 @!p0 $0xFFFFFF80  }
0xf7: {  	_ =	swait.ge @!p0 [sflag:s3], $0x80  }
0xf8: {  	[sflag:s3] =	ssyncset.done @!p0 $0x0  }
0xf9: {  	[sflag:s3] =	ssyncadd.s32 @!p0 $0xFFFFFF80  }
0xfa: {  	_ =	swait.ge @!p0 [sflag:s3], $0x80  }
0xfb: {  	[sflag:s3] =	ssyncset.done @!p0 $0x0  }
0xfc: {  	[sflag:s3] =	ssyncadd.s32 @!p0 $0xFFFFFF80  }
0xfd: {  	_ =	swait.ge @!p0 [sflag:s3], $0x80  }
0xfe: {  	[sflag:s3] =	ssyncset.done @!p0 $0x0  }
0xff: {  	s30 =	simm.s32 $0x0;
	s31 =	simm.s32 $0x8080;
	[sflag:s3] =	ssyncadd.s32 @!p0 $0xFFFFFF80  }
0x100: {  	s28 =	simm.s32 $0x8600;
	s26 =	simm.s32 $0x8500;
	_ =	swait.ge @!p0 [sflag:s3], $0x80  }
0x101: {  	s15 =	simm.s32 $0x8800;
	s9 =	simm.s32 $0x8180;
	[sflag:s3] =	ssyncset.done @!p0 $0x0  }
0x102: {  	s10 =	simm.s32 $0x8700;
	[sflag:s3] =	ssyncadd.s32 @!p0 $0xFFFFFF80;
	s3 =	simm.s32 $0x8400  }
.LBB2_5:
0x103: {  	v3 =	vld [tilespmem:s9+$0x0];
	_ =	sdelay $0x2  }
0x104: {  	v4 =	vld [tilespmem:s31+$0x0];
	_ =	sdelay $0x2  }
0x105: {  	v5 =	vmov s30  }
0x106: {  	v5 =	vshll.u32 v5, $0x7  }
0x107: {  	v6 =	vor.u32 v0, v5;
	v7 =	vand.u32 $0xFFFFFF80, v4;
	v3 =	vld.idx.msk [tilespmem:v3+s22+$0x0], $0xffff  }
0x108: {  	v4 =	vand.u32 $0x7F, v4;
	v5 =	vadd.s32 v6, v7  }
0x109: {  	v7 =	vor.u32 v4, v5;
	_ =	sdelay $0x3  }
0x10a: {  	v8 =	vor.u32 $0x1, v6  }
0x10b: {  	v45 =	vor.u32 $0x2, v6;
	v5 =	vld.idx.msk [tilespmem:v7+s29+$0x0], $0xffff  }
0x10c: {  	v10 =	vor.u32 $0x3, v6;
	v4 =	vld.idx.msk [tilespmem:v3+s24+$0x0], $0xffff  }
0x10d: {  	v11 =	vor.u32 $0x4, v6;
	v3 =	vld.idx.msk [tilespmem:v3+s25+$0x0], $0xffff;
	[tilespmem:v7+s29+$0x0] =	vst.idx.msk $0xffff, v1  }
0x10e: {  	v12 =	vor.u32 $0x5, v6;
	v9 =	vld.idx.msk [tilespmem:v6+s29+$0x0], $0xffff  }
0x10f: {  	v13 =	vor.u32 $0x6, v6;
	v8 =	vld.idx.msk [tilespmem:v8+s29+$0x0], $0xffff  }
0x110: {  	v47 =	vor.u32 $0x7, v6;
	v7 =	vld.idx.msk [tilespmem:v45+s29+$0x0], $0xffff  }
0x111: {  	v49 =	vor.u32 $0x8, v6;
	v10 =	vld.idx.msk [tilespmem:v10+s29+$0x0], $0xffff  }
0x112: {  	v51 =	vor.u32 $0x9, v6;
	v46 =	vld.idx.msk [tilespmem:v11+s29+$0x0], $0xffff  }
0x113: {  	v53 =	vor.u32 $0x10, v6;
	v48 =	vld.idx.msk [tilespmem:v12+s29+$0x0], $0xffff  }
0x114: {  	v15 =	vor.u32 $0xA, v6;
	v50 =	vld.idx.msk [tilespmem:v13+s29+$0x0], $0xffff  }
0x115: {  	v55 =	vor.u32 $0x11, v6;
	v52 =	vld.idx.msk [tilespmem:v47+s29+$0x0], $0xffff  }
0x116: {  	v57 =	vor.u32 $0x12, v6;
	v54 =	vld.idx.msk [tilespmem:v49+s29+$0x0], $0xffff  }
0x117: {  	v59 =	vor.u32 $0x13, v6;
	v56 =	vld.idx.msk [tilespmem:v51+s29+$0x0], $0xffff  }
0x118: {  	v61 =	vor.u32 $0x14, v6;
	v11 =	vld.idx.msk [tilespmem:v53+s29+$0x0], $0xffff  }
0x119: {  	v19 =	vor.u32 $0xE, v6;
	v58 =	vld.idx.msk [tilespmem:v15+s29+$0x0], $0xffff  }
0x11a: {  	v63 =	vor.u32 $0x15, v6;
	v12 =	vld.idx.msk [tilespmem:v55+s29+$0x0], $0xffff  }
0x11b: {  	v16 =	vor.u32 $0xB, v6;
	v17 =	vor.u32 $0xC, v6;
	v32 =	vor.u32 $0x18, v6;
	v13 =	vld.idx.msk [tilespmem:v57+s29+$0x0], $0xffff  }
0x11c: {  	v18 =	vor.u32 $0xD, v6;
	v20 =	vor.u32 $0xF, v6;
	v34 =	vor.u32 $0x19, v6;
	v15 =	vld.idx.msk [tilespmem:v59+s29+$0x0], $0xffff  }
0x11d: {  	v21 =	vor.u32 $0x16, v6;
	v27 =	vor.u32 $0x17, v6;
	v38 =	vor.u32 $0x1B, v6;
	v25 =	vld.idx.msk [tilespmem:v61+s29+$0x0], $0xffff  }
0x11e: {  	v36 =	vor.u32 $0x1A, v6;
	v41 =	vor.u32 $0x1C, v6;
	v42 =	vor.u32 $0x20, v6;
	v26 =	vld.idx.msk [tilespmem:v19+s29+$0x0], $0xffff  }
0x11f: {  	v44 =	vor.u32 $0x1D, v6;
	v22 =	vor.u32 $0x35, v6;
	v30 =	vld.idx.msk [tilespmem:v63+s29+$0x0], $0xffff;
	v45 =	vor.u32 $0x21, v6  }
0x120: {  	v23 =	vor.u32 $0x2B, v6;
	v37 =	vld.idx.msk [tilespmem:v32+s29+$0x0], $0xffff;
	v49 =	vor.u32 $0x22, v6;
	v53 =	vor.u32 $0x1F, v6  }
0x121: {  	v40 =	vld.idx.msk [tilespmem:v34+s29+$0x0], $0xffff;
	v59 =	vor.u32 $0x26, v6;
	v61 =	vor.u32 $0x30, v6;
	vm0 =	vgt.f32 v9, $-1.000000000e+00  }
0x122: {  	v47 =	vld.idx.msk [tilespmem:v38+s29+$0x0], $0xffff;
	v63 =	vor.u32 $0x27, v6;
	v32 =	vor.u32 $0x29, v6;
	v9 =	vnsel vm0, $0xBF800000, v9  }
0x123: {  	v51 =	vld.idx.msk [tilespmem:v42+s29+$0x0], $0xffff;
	v34 =	vor.u32 $0x2A, v6;
	v38 =	vor.u32 $0x2C, v6;
	vm1 =	vgt.f32 v8, v9  }
0x124: {  	v42 =	vor.u32 $0x2D, v6;
	v19 =	vld.idx.msk [tilespmem:v45+s29+$0x0], $0xffff;
	v45 =	vor.u32 $0x3A, v6;
	v8 =	vsel vm1, v8, v9  }
0x125: {  	v14 =	vsel vm0, $0x0, v2;
	vm0 =	vgt.f32 v11, $-1.000000000e+00;
	vm2 =	vgt.f32 v7, v8  }
0x126: {  	v55 =	vld.idx.msk [tilespmem:v49+s29+$0x0], $0xffff;
	v49 =	vor.u32 $0x3C, v6;
	v11 =	vnsel vm0, $0xBF800000, v11;
	v7 =	vsel vm2, v7, v8  }
0x127: {  	v14 =	vsel vm1, $0x1, v14;
	vm1 =	vgt.f32 v12, v11;
	vm3 =	vgt.f32 v10, v7  }
0x128: {  	v39 =	vsel vm0, $0x10, v2;
	v11 =	vsel vm1, v12, v11;
	v7 =	vsel vm3, v10, v7  }
0x129: {  	v62 =	vld.idx.msk [tilespmem:v17+s29+$0x0], $0xffff;
	v17 =	vsel vm1, $0x11, v39;
	vm11 =	vgt.f32 v13, v11;
	vm4 =	vgt.f32 v46, v7  }
0x12a: {  	v14 =	vsel vm2, $0x2, v14;
	v29 =	vsel vm11, v13, v11;
	v7 =	vsel vm4, v46, v7  }
0x12b: {  	v17 =	vsel vm11, $0x12, v17;
	vm13 =	vgt.f32 v15, v29;
	vm15 =	vgt.f32 v48, v7  }
0x12c: {  	v14 =	vsel vm3, $0x3, v14;
	v9 =	vsel vm13, v15, v29;
	v7 =	vsel vm15, v48, v7  }
0x12d: {  	v17 =	vsel vm13, $0x13, v17;
	v14 =	vsel vm4, $0x4, v14;
	vm5 =	vgt.f32 v50, v7  }
0x12e: {  	v14 =	vsel vm15, $0x5, v14;
	v48 =	vld.idx.msk [tilespmem:v41+s29+$0x0], $0xffff;
	v41 =	vor.u32 $0x38, v6;
	v7 =	vsel vm5, v50, v7  }
0x12f: {  	v33 =	vld.idx.msk [tilespmem:v21+s29+$0x0], $0xffff;
	v14 =	vsel vm5, $0x6, v14;
	vm5 =	vgt.f32 v25, v9;
	v50 =	vor.u32 $0x1E, v6  }
0x130: {  	vm6 =	vgt.f32 v52, v7;
	v9 =	vsel vm5, v25, v9;
	v46 =	vsel vm5, $0x14, v17  }
0x131: {  	v7 =	vsel vm6, v52, v7;
	v14 =	vsel vm6, $0x7, v14;
	vm6 =	vgt.f32 v30, v9  }
0x132: {  	v52 =	vor.u32 $0x23, v6;
	vm7 =	vgt.f32 v54, v7;
	v9 =	vsel vm6, v30, v9  }
0x133: {  	v60 =	vld.idx.msk [tilespmem:v16+s29+$0x0], $0xffff;
	v13 =	vsel vm6, $0x15, v46;
	v46 =	vor.u32 $0x2E, v6;
	v7 =	vsel vm7, v54, v7  }
0x134: {  	v35 =	vld.idx.msk [tilespmem:v27+s29+$0x0], $0xffff;
	v14 =	vsel vm7, $0x8, v14;
	vm7 =	vgt.f32 v33, v9;
	vm8 =	vgt.f32 v56, v7  }
0x135: {  	v54 =	vor.u32 $0x24, v6;
	v9 =	vsel vm7, v33, v9;
	v7 =	vsel vm8, v56, v7  }
0x136: {  	v30 =	vld.idx.msk [tilespmem:v61+s29+$0x0], $0xffff;
	v13 =	vsel vm7, $0x16, v13;
	v33 =	vor.u32 $0x34, v6;
	vm9 =	vgt.f32 v58, v7  }
0x137: {  	v10 =	vld.idx.msk [tilespmem:v50+s29+$0x0], $0xffff;
	v50 =	vor.u32 $0x2F, v6;
	v14 =	vsel vm8, $0x9, v14;
	v7 =	vsel vm9, v58, v7  }
0x138: {  	vm8 =	vgt.f32 v51, $-1.000000000e+00;
	v24 =	vsel vm9, $0xA, v14;
	vm10 =	vgt.f32 v60, v7  }
0x139: {  	v7 =	vsel vm10, v60, v7;
	v28 =	vsel vm10, $0xB, v24;
	vm10 =	vgt.f32 v35, v9  }
0x13a: {  	v43 =	vld.idx.msk [tilespmem:v36+s29+$0x0], $0xffff;
	v56 =	vor.u32 $0x25, v6;
	v57 =	vnsel vm8, $0xBF800000, v51;
	v9 =	vsel vm10, v35, v9  }
0x13b: {  	v18 =	vld.idx.msk [tilespmem:v18+s29+$0x0], $0xffff;
	v27 =	vsel vm8, $0x20, v2;
	vm0 =	vgt.f32 v30, $-1.000000000e+00;
	vm11 =	vgt.f32 v37, v9  }
0x13c: {  	v58 =	vld.idx.msk [tilespmem:v52+s29+$0x0], $0xffff;
	v52 =	vor.u32 $0x3D, v6;
	vm12 =	vgt.f32 v62, v7;
	v9 =	vsel vm11, v37, v9  }
0x13d: {  	v7 =	vsel vm12, v62, v7;
	v8 =	vsel vm12, $0xC, v28;
	vm12 =	vgt.f32 v40, v9  }
0x13e: {  	v13 =	vsel vm10, $0x17, v13;
	vm10 =	vgt.f32 v19, v57;
	v9 =	vsel vm12, v40, v9  }
0x13f: {  	v31 =	vld.idx.msk [tilespmem:v20+s29+$0x0], $0xffff;
	v24 =	vor.u32 $0x31, v6;
	v14 =	vsel vm10, v19, v57;
	vm13 =	vgt.f32 v43, v9  }
0x140: {  	v16 =	vld.idx.msk [tilespmem:v44+s29+$0x0], $0xffff;
	v28 =	vor.u32 $0x32, v6;
	vm14 =	vgt.f32 v18, v7;
	v9 =	vsel vm13, v43, v9  }
0x141: {  	v7 =	vsel vm14, v18, v7;
	v8 =	vsel vm14, $0xD, v8;
	vm14 =	vgt.f32 v47, v9  }
0x142: {  	v13 =	vsel vm11, $0x18, v13;
	vm15 =	vgt.f32 v26, v7;
	v9 =	vsel vm14, v47, v9  }
0x143: {  	v7 =	vsel vm15, v26, v7;
	v8 =	vsel vm15, $0xE, v8;
	vm15 =	vgt.f32 v48, v9  }
0x144: {  	vm11 =	vgt.f32 v55, v14;
	vm9 =	vgt.f32 v31, v7;
	v9 =	vsel vm15, v48, v9  }
0x145: {  	v60 =	vld.idx.msk [tilespmem:v54+s29+$0x0], $0xffff;
	v7 =	vsel vm9, v31, v7;
	v8 =	vsel vm9, $0xF, v8;
	vm9 =	vgt.f32 v16, v9  }
0x146: {  	v12 =	vld.idx.msk [tilespmem:v53+s29+$0x0], $0xffff;
	v54 =	vsel vm0, $0x30, v2;
	v11 =	vsel vm11, v55, v14;
	v9 =	vsel vm9, v16, v9  }
0x147: {  	v62 =	vld.idx.msk [tilespmem:v56+s29+$0x0], $0xffff;
	v13 =	vsel vm12, $0x19, v13;
	v31 =	vor.u32 $0x33, v6;
	vm12 =	vgt.f32 v10, v9  }
0x148: {  	v13 =	vsel vm13, $0x1A, v13;
	vm13 =	vgt.f32 v58, v11;
	v9 =	vsel vm12, v10, v9;
	v10 =	vld.idx.msk [tilespmem:v24+s29+$0x0], $0xffff  }
0x149: {  	v25 =	vld.idx.msk [tilespmem:v59+s29+$0x0], $0xffff;
	v35 =	vor.u32 $0x36, v6;
	v11 =	vsel vm13, v58, v11;
	v13 =	vsel vm14, $0x1B, v13  }
0x14a: {  	v26 =	vor.u32 $0x28, v6;
	v21 =	vld.idx.msk [tilespmem:v28+s29+$0x0], $0xffff;
	v13 =	vsel vm15, $0x1C, v13;
	vm15 =	vgt.f32 v60, v11  }
0x14b: {  	v15 =	vld.idx.msk [tilespmem:v63+s29+$0x0], $0xffff;
	v29 =	vsel vm10, $0x21, v27;
	v37 =	vor.u32 $0x37, v6;
	v11 =	vsel vm15, v60, v11  }
0x14c: {  	v43 =	vor.u32 $0x39, v6;
	vm8 =	vgt.f32 v62, v11;
	v16 =	vnsel vm0, $0xBF800000, v30;
	v19 =	vld.idx.msk [tilespmem:v31+s29+$0x0], $0xffff  }
0x14d: {  	v48 =	vor.u32 $0x3B, v6;
	v11 =	vsel vm8, v62, v11;
	vm1 =	vgt.f32 v10, v16  }
0x14e: {  	v36 =	vld.idx.msk [tilespmem:v33+s29+$0x0], $0xffff;
	v13 =	vsel vm9, $0x1D, v13;
	vm9 =	vgt.f32 v25, v11;
	v10 =	vsel vm1, v10, v16  }
0x14f: {  	v18 =	vld.idx.msk [tilespmem:v26+s29+$0x0], $0xffff;
	v13 =	vsel vm12, $0x1E, v13;
	vm14 =	vgt.f32 v12, v9;
	vm12 =	vgt.f32 v21, v10  }
0x150: {  	v39 =	vld.idx.msk [tilespmem:v22+s29+$0x0], $0xffff;
	v11 =	vsel vm9, v25, v11;
	v9 =	vsel vm14, v12, v9;
	v10 =	vsel vm12, v21, v10  }
0x151: {  	v14 =	vld.idx.msk [tilespmem:v32+s29+$0x0], $0xffff;
	v12 =	vsel vm11, $0x22, v29;
	vm10 =	vgt.f32 v15, v11;
	vm4 =	vgt.f32 v19, v10  }
0x152: {  	v12 =	vsel vm13, $0x23, v12;
	v11 =	vsel vm10, v15, v11;
	v15 =	vld.idx.msk [tilespmem:v35+s29+$0x0], $0xffff;
	v10 =	vsel vm4, v19, v10  }
0x153: {  	v17 =	vld.idx.msk [tilespmem:v34+s29+$0x0], $0xffff;
	v13 =	vsel vm14, $0x1F, v13;
	v12 =	vsel vm15, $0x24, v12;
	vm5 =	vgt.f32 v36, v10  }
0x154: {  	v44 =	vld.idx.msk [tilespmem:v37+s29+$0x0], $0xffff;
	vm11 =	vgt.f32 v18, v11;
	v12 =	vsel vm8, $0x25, v12;
	v10 =	vsel vm5, v36, v10  }
0x155: {  	v40 =	vld.idx.msk [tilespmem:v23+s29+$0x0], $0xffff;
	v11 =	vsel vm11, v18, v11;
	v12 =	vsel vm9, $0x26, v12;
	vm2 =	vgt.f32 v39, v10  }
0x156: {  	v47 =	vld.idx.msk [tilespmem:v41+s29+$0x0], $0xffff;
	vm13 =	vgt.f32 v14, v11;
	v12 =	vsel vm10, $0x27, v12;
	v10 =	vsel vm2, v39, v10  }
0x157: {  	v11 =	vsel vm13, v14, v11;
	v12 =	vsel vm11, $0x28, v12;
	vm6 =	vgt.f32 v15, v10  }
0x158: {  	v14 =	vld.idx.msk [tilespmem:v43+s29+$0x0], $0xffff;
	vm14 =	vgt.f32 v17, v11;
	v21 =	vsel vm1, $0x31, v54;
	v10 =	vsel vm6, v15, v10  }
0x159: {  	v18 =	vld.idx.msk [tilespmem:v38+s29+$0x0], $0xffff;
	v12 =	vsel vm13, $0x29, v12;
	v11 =	vsel vm14, v17, v11;
	vm7 =	vgt.f32 v44, v10  }
0x15a: {  	v51 =	vld.idx.msk [tilespmem:v45+s29+$0x0], $0xffff;
	vm8 =	vgt.f32 v40, v11;
	v12 =	vsel vm14, $0x2A, v12;
	v10 =	vsel vm7, v44, v10  }
0x15b: {  	v19 =	vld.idx.msk [tilespmem:v42+s29+$0x0], $0xffff;
	v11 =	vsel vm8, v40, v11;
	v12 =	vsel vm8, $0x2B, v12;
	vm8 =	vgt.f32 v47, v10  }
0x15c: {  	v55 =	vor.u32 $0x3E, v6;
	v53 =	vld.idx.msk [tilespmem:v48+s29+$0x0], $0xffff;
	v58 =	vsel vm12, $0x32, v21;
	v10 =	vsel vm8, v47, v10  }
0x15d: {  	v6 =	vor.u32 $0x3F, v6;
	v17 =	vld.idx.msk [tilespmem:v46+s29+$0x0], $0xffff;
	v59 =	vsel vm4, $0x33, v58;
	vm11 =	vgt.f32 v14, v10  }
0x15e: {  	v56 =	vld.idx.msk [tilespmem:v49+s29+$0x0], $0xffff;
	vm9 =	vgt.f32 v18, v11;
	v16 =	vsel vm5, $0x34, v59;
	v10 =	vsel vm11, v14, v10  }
0x15f: {  	v57 =	vld.idx.msk [tilespmem:v50+s29+$0x0], $0xffff;
	v11 =	vsel vm9, v18, v11;
	v12 =	vsel vm9, $0x2C, v12;
	vm12 =	vgt.f32 v51, v10  }
0x160: {  	v18 =	vld.idx.msk [tilespmem:v52+s29+$0x0], $0xffff;
	v16 =	vsel vm2, $0x35, v16;
	vm15 =	vgt.f32 v19, v11;
	v10 =	vsel vm12, v51, v10  }
0x161: {  	v11 =	vsel vm15, v19, v11;
	v12 =	vsel vm15, $0x2D, v12;
	vm14 =	vgt.f32 v53, v10  }
0x162: {  	v60 =	vld.idx.msk [tilespmem:v55+s29+$0x0], $0xffff;
	v16 =	vsel vm6, $0x36, v16;
	vm13 =	vgt.f32 v17, v11;
	v10 =	vsel vm14, v53, v10  }
0x163: {  	v11 =	vsel vm13, v17, v11;
	v12 =	vsel vm13, $0x2E, v12;
	vm15 =	vgt.f32 v56, v10  }
0x164: {  	v6 =	vld.idx.msk [tilespmem:v6+s29+$0x0], $0xffff;
	v61 =	vsel vm7, $0x37, v16;
	vm9 =	vgt.f32 v57, v11;
	v10 =	vsel vm15, v56, v10  }
0x165: {  	v11 =	vsel vm9, v57, v11;
	v14 =	vsel vm8, $0x38, v61;
	vm10 =	vgt.f32 v18, v10  }
0x166: {  	v12 =	vsel vm9, $0x2F, v12;
	v14 =	vsel vm11, $0x39, v14;
	v10 =	vsel vm10, v18, v10  }
0x167: {  	v14 =	vsel vm12, $0x3A, v14;
	vm12 =	vgt.f32 v9, v7;
	vm11 =	vgt.f32 v60, v10  }
0x168: {  	v7 =	vsel vm12, v9, v7;
	v14 =	vsel vm14, $0x3B, v14;
	v10 =	vsel vm11, v60, v10  }
0x169: {  	vm14 =	vgt.f32 v11, v7;
	v62 =	vsel vm15, $0x3C, v14;
	vm13 =	vgt.f32 v6, v10  }
0x16a: {  	v7 =	vsel vm14, v11, v7;
	v9 =	vsel vm10, $0x3D, v62;
	v6 =	vsel vm13, v6, v10  }
0x16b: {  	p0 =	sne.s32 s30, $0x70;
	v8 =	vsel vm12, v13, v8;
	v9 =	vsel vm11, $0x3E, v9;
	vm15 =	vgt.f32 v6, v7  }
.Ltmp3:
0x16c: {  	[tilespmem:s3+$0x0] =	vst v5;
	v8 =	vsel vm14, v12, v8;
	v9 =	vsel vm13, $0x3F, v9;
	v6 =	vsel vm15, v6, v7;
	(pc) =	sbr.rel @p0 .LBB2_5-.Ltmp3, $4  }
0x16d: {  	v63 =	vsel vm15, v9, v8;
	[tilespmem:s26+$0x0] =	vst v6  }
0x16e: {  	s31 =	sadd.s32 $0x10, s31;
	s9 =	sadd.s32 $0x10, s9;
	[tilespmem:s28+$0x0] =	vst v63  }
0x16f: {  	s30 =	sadd.s32 $0x10, s30;
	s3 =	sadd.s32 $0x10, s3;
	s26 =	sadd.s32 $0x10, s26;
	[tilespmem:s10+$0x0] =	vst v4  }
0x170: {  	s28 =	sadd.s32 $0x10, s28;
	s10 =	sadd.s32 $0x10, s10;
	[tilespmem:s15+$0x0] =	vst v3;
	s15 =	sadd.s32 $0x10, s15  }
0x171: {  	s3 =	sor.u32 $0x10, s21  }
0x172: {  	s10 =	simm.s32 $0x8400;
	s9 =	sadd.s32 s4, s3  }
0x173: {  	[hbm4b:s9+s7] =	stream.linear.scatter [tilespmem:s10], [sflag:$0x4], $0x80, $0x38;
	[tilespmem:$0x8880] =	vst v63  }
0x174: {  	s28 =	sadd.s32 s5, s3  }
0x175: {  	[hbm4b:s28+s7] =	stream.linear.scatter [tilespmem:s16], [sflag:$0x4], $0x80, $0x38;
	[tilespmem:$0x8880] =	vst v63  }
0x176: {  	s30 =	sadd.s32 s6, s3  }
0x177: {  	[hbm4b:s30+s7] =	stream.linear.scatter [tilespmem:s17], [sflag:$0x4], $0x80, $0x38;
	[tilespmem:$0x8880] =	vst v63  }
.Ltmp4:
0x178: {  	_ = 	snop;
	(pc) =	sbr.rel @p1 .LBB2_8-.Ltmp4, $4  }
0x179: {  	s31 =	sadd.s32 s12, s3  }
0x17a: {  	[hbm4b:s31+s7] =	stream.linear.scatter [tilespmem:s18], [sflag:$0x4], $0x80, $0x38;
	[tilespmem:$0x8880] =	vst v63  }
0x17b: {  	s3 =	sadd.s32 s13, s3  }
0x17c: {  	[hbm4b:s3+s7] =	stream.linear.scatter [tilespmem:s19], [sflag:$0x4], $0x80, $0x38;
	[tilespmem:$0x8880] =	vst v63  }
0x17d: {  	s3 =	sadd.s32 $0x180, s20  }
0x17e: {  	s9 =	sshll.u32 s3, $0x4  }
0x17f: {  	s9 =	sadd.s32 s8, s9  }
0x180: {  	[tilespmem:s29], [sflag:$0x2] =	stream.linear.gather [hbm4b:s9+s7], $0x4000, $0x38;
	[tilespmem:$0x8880] =	vst v63  }
.Ltmp5:
0x181: {  	s3 =	sshrl.u32 s3, $0x3;
	(pc) =	sbr.rel .LBB2_2-.Ltmp5, $4  }
0x182: {  	s10 =	simm.s32 $0x8080;
	s30 =	sadd.s32 s1, s3  }
0x183: {  	[tilespmem:s10], [sflag:$0x2] =	stream.linear.gather [hbm4b:s30+s7], $0x80, $0x38;
	[tilespmem:$0x8880] =	vst v63  }
0x184: {  	s31 =	simm.s32 $0x8180;
	s23 =	sadd.s32 $0x1, s23;
	s3 =	sadd.s32 s2, s3  }
0x185: {  	[tilespmem:s31], [sflag:$0x2] =	stream.linear.gather [hbm4b:s3+s7], $0x80, $0x38;
	[tilespmem:$0x8880] =	vst v63  }
.LBB2_9:
0x186: {  	_ =	sfence.sel $0x180000  }
0x187: {  	[bflag:$0x0] =	sbarrier.arrive $0xFFFF  }
0x188: {  	_ =	strace $0x90000047  }
0x189: {  	s0 =	stileid.u32;
	[bflag:$0x2] =	sbarrier.arrive $0xFFFF  }
0x18a: {  	p0 =	sne.s32 s0, $0x0;
	s0 =	rddreg [dreg:$0x7]  }
0x18b: {  	s0 =	sadd.s32 @!p0 $0x100000, s0  }
0x18c: {  	[sflag:s0] =	ssyncadd.tile.s32 @!p0 $0x1;
	_ =	shalt  }
.Lfunc_end2:
_tile_overlayer_lowered:
.L_overlay_start_2:
0x18d: {  	(tag) =	ssettag $0x2  }
0x18e: {  	s0 =	rddreg [dreg:$0x0];
	s2 =	stileid.u32  }
0x18f: {  	s1 =	rddreg [dreg:$0x1];
	p0 =	sne.s32 s2, $0x0  }
0x190: {  	s3 =	rddreg [dreg:$0x2];
	[bflag:$0x3] =	sbarrier.arrive $0xFFFF;
	s2 =	simm.s32 @!p0 $0x1C05  }
0x191: {  	[timem:s3], [sflag:s2] =	dma.local @!p0 [hbm:s0], s1  }
0x192: {  	s0 =	simm.s32 @!p0 $0x5  }
0x193: {  	_ =	swait.ge @!p0 [sflag:s0], s1  }
0x194: {  	s1 =	ssub.s32 @!p0 $0x0, s1;
	[sflag:s0] =	ssyncset.done @!p0 $0x0  }
0x195: {  	[sflag:s0] =	ssyncadd.s32 @!p0 s1  }
0x196: {  	[bflag:$0x3] =	sbarrier.arrive $0xFFFF  }
0x197: {  	_ =	shalt  }

// kernel: sparse-core-data-format-call.1.cloned.1.call-start
scs
called_computation.1_lowered:
.L_overlay_start_0:
0x0: {  	s2 =	sld [smem:$0x3FD9]  }
0x1: {  	s3 =	sld [smem:$0x3FFE];
	_ =	sdelay $0x1  }
0x2: {  	s1 =	srdreg.scid  }
0x3: {  	s0 =	sand.u32 $0x1, s1  }
0x4: {  	s15 =	sshll.u32 s0, $0xA;
	s2 =	sadd.s32 s3, s2  }
0x5: {  	s2 =	sadd.s32 s2, s15  }
0x6: {  	[smem:$0x3FC2] =	sst s2  }
0x7: {  	_ = 	snop  }
0x8: {  	s2 =	sld [smem:$0x3FD0];
	_ =	sdelay $0x2  }
0x9: {  	s16 =	simm.s32 $0xC;
	s4 =	simm.s32 $0x10  }
0xa: {  	[smem:s4], [sflag:s16] =	dma.local [hbm:s2], $0x1  }
0xb: {  	_ =	swait.eq [sflag:s16], $0x1  }
0xc: {  	[sflag:s16] =	ssyncset.done $0x0  }
0xd: {  	[sflag:s16] =	ssyncadd.s32 $0xFFFFFFFF  }
0xe: {  	s17 =	sld [smem:$0x11];
	(tm) =	ssettm $0x1  }
0xf: {  	s18 =	sld [smem:$0x3FFB];
	_ =	sdelay $0x3  }
0x10: {  	_ =	strace s18  }
0x11: {  	s3 =	sld [smem:$0x3FFC];
	_ =	sdelay $0x3  }
0x12: {  	_ =	strace s3  }
0x13: {  	s3 =	sld [smem:$0x3FFD];
	_ =	sdelay $0x3  }
0x14: {  	_ =	strace s3  }
0x15: {  	_ =	strace $0x8FFFFFFF  }
0x16: {  	s19 =	sld [smem:$0x3FDB];
	_ =	sdelay $0x1  }
0x17: {  	s20 =	simm.s32 $_scs_section_size  }
0x18: {  	s5 =	simm.s32 $_size__tile_overlayer_lowered;
	s6 =	simm.s32 $_tile_overlayer_lowered  }
0x19: {  	s23 =	simm.s32 $0x1BFF;
	s22 =	sshll.u32 s6, $0x1;
	s3 =	sadd.s32 s20, s19  }
0x1a: {  	s7 =	simm.s32 $0x0;
	s21 =	sshll.u32 s5, $0x1;
	s5 =	sadd.s32 s22, s3  }
0x1b: {  	[timem:s7], [sflag:s23] =	dma.local [hbm:s5], s21  }
0x1c: {  	_ =	swait.ge [sflag:s23], s21  }
0x1d: {  	s4 =	ssub.s32 $0x0, s21;
	[sflag:s23] =	ssyncset.done $0x0  }
0x1e: {  	[sflag:s23] =	ssyncadd.s32 s4;
	_ =	sdelay $0x1  }
0x1f: {  	s24 =	simm.s32 $0x1B8B  }
0x20: {  	_ =	swait.ge [sflag:s24], $0x1  }
0x21: {  	[sflag:s24] =	ssyncset.done $0x0  }
0x22: {  	s26 =	simm.s32 $0x1B8E;
	s25 =	sld [smem:$0x3FFE];
	[sflag:s24] =	ssyncadd.s32 $0xFFFFFFFF  }
0x23: {  	s27 =	simm.s32 $execute0_lowered;
	[smem:$0x3FD2] =	sst s26  }
0x24: {  	s5 =	sshll.u32 s27, $0x1;
	_ =	strace $0x80000049;
	[dreg:$0x1] =	wrdreg $0xFFFFFFFF  }
0x25: {  	s28 =	simm.s32 $_size_execute0_lowered;
	s3 =	sadd.s32 s3, s5;
	[dreg:$0x0] =	wrdreg $0x0  }
0x26: {  	s5 =	sshll.u32 s28, $0x1;
	[dreg:$0x2] =	wrdreg s3  }
0x27: {  	[dreg:$0x3] =	wrdreg s5  }
0x28: {  	[dreg:$0x4] =	wrdreg $0xC0  }
0x29: {  	_ =	task [dreg:s7], $0x5FFFF  }
0x2a: {  	[dreg:$0x1] =	wrdreg $0xFFFFFFFF  }
0x2b: {  	[dreg:$0x0] =	wrdreg $0x60  }
0x2c: {  	[dreg:$0x2] =	wrdreg s25  }
0x2d: {  	[dreg:$0x3] =	wrdreg s17  }
0x2e: {  	[dreg:$0x4] =	wrdreg $0xA  }
0x2f: {  	_ =	task.clear_ibuf [dreg:s7], $0x5FFFF;
	_ =	strace $0x90000049  }
0x30: {  	s29 =	simm.s32 $0xA;
	_ =	strace $0x8000004B  }
0x31: {  	_ =	swait.ge [sflag:s29], $0x1  }
0x32: {  	[sflag:s29] =	ssyncadd.s32 $0xFFFFFFFF  }
0x33: {  	_ =	strace $0x9000004B  }
0x34: {  	_ =	sfence  }
0x35: {  	s30 =	sld [smem:$0x0];
	_ =	sdelay $0x2  }
0x36: {  	s31 =	sshll.u32 s1, $0xD;
	s1 =	sshrl.u32 s1, $0x2  }
0x37: {  	s3 =	sand.u32 $0x4000, s31;
	s1 =	sadd.s32 s1, s30  }
0x38: {  	s0 =	sor.u32 s3, s0;
	s1 =	sshll.u32 s1, $0x11  }
0x39: {  	s0 =	sor.u32 s1, s0  }
0x3a: {  	s0 =	sadd.s32 $0x8F2B, s0  }
0x3b: {  	[sflag:s0] =	ssyncadd.remote.s32 $0x1  }
0x3c: {  	_ =	sfence.sel $0xFFFF  }
0x3d: {  	[dreg:$0x0] =	wrdreg $0xFFFFFFFF;
	(pc) =	sbr.abs _section_cstart, $3  }
0x3e: {  	[dreg:$0x1] =	wrdreg $0xFFFFFFFF  }
0x3f: {  	_ =	task.clear_ibuf [dreg:s7], $0x2FFFF;
	_ =	strace $0x9FFFFFFF  }
0x40: {  	(tm) =	ssettm $0x7FFFFFFF  }
0x41: {  	_ =	shalt  }
tec
execute0_lowered:
.L_overlay_start_1:
0x0: {  	(tag) =	ssettag $0x1  }
0x1: {  	s0 =	srdreg.scid  }
0x2: {  	s1 =	sshll.u32 s0, $0x4  }
0x3: {  	s4 =	rddreg [dreg:$0x0];
	s0 =	stileid.u32;
	s1 =	sand.u32 $0x10, s1  }
0x4: {  	s2 =	rddreg [dreg:$0x1];
	s7 =	simm.s32 $0x1;
	s1 =	sor.u32 s0, s1  }
0x5: {  	s8 =	simm.s32 $0x2;
	s11 =	simm.s32 $0x0;
	s3 =	sshll.u32 s1, $0x7  }
0x6: {  	s10 =	simm.s32 $0x0;
	s4 =	sadd.s32 $0x2200, s4;
	s6 =	ssub.s32 $0x20000, s3  }
.Ltmp0:
0x7: {  	s1 =	rddreg [dreg:$0x2];
	s5 =	sand.u32 $0xF80, s6;
	(pc) =	sbr.rel .LBB1_1-.Ltmp0, $4  }
0x8: {  	_ =	strace $0x8000004A;
	s9 =	smov.u32 s3;
	p0 =	sne.s32 s5, $0x0  }
0x9: {  	s6 =	sshrl.u32 s6, $0xC;
	s5 =	simm.s32 $0x1;
	s7 =	simm.s32 @!p0 $0x0  }
0xa: {  	[sflag:s5] =	ssyncpa.u1 $0x0;
	p0 =	por $0x0, $0x0;
	s6 =	sadd.s32 s7, s6  }
0xb: {  	[sflag:s8] =	ssyncpa.u1 $0x0;
	s8 =	simm.s32 $0x100000;
	s7 =	sadd.s32 $0x1, s6  }
.LBB1_4:
0xc: {  	s14 =	sshll.u32 s11, $0x3  }
0xd: {  	s15 =	sand.u32 $0x78, s11;
	s14 =	sand.u32 $0x1FC00, s14  }
0xe: {  	[tilespmem:s13+$0x810 ss:$0x81] =	vst.msk $0xffff, v2;
	s29 =	sand.u32 $0xFC000, s11;
	s30 =	sand.u32 $0x7, s11;
	s14 =	sor.u32 s15, s14  }
0xf: {  	[tilespmem:s13+$0x1020 ss:$0x81] =	vst.msk $0xffff, v0;
	s11 =	sshll.u32 s30, $0x12;
	s15 =	sadd.s32 s2, s29;
	s14 =	sshrl.u32 s14, $0x3  }
0x10: {  	[tilespmem:s13+$0x0 ss:$0x81] =	vst.msk $0xffff, v1;
	s11 =	sor.u32 $0x400, s11;
	s31 =	sadd.s32 s14, s15  }
0x11: {  	[hbm4b:s31+s11] =	stream.strided.scatter [tilespmem:s12], [sflag:$0x2], $0x2000, s8, s11, $0x20;
	[tilespmem:$0x8080] =	vst v63  }
.LBB1_5:
0x12: {  	s13 =	sadd.s32 $0x1000, s9  }
0x13: {  	p2 =	sgt.s32 s13, $0x1FFFF  }
0x14: {  	s13 =	smov.u32 @p2 s3;
	p2 =	sne.s32 s10, s7  }
.Ltmp1:
0x15: {  	p1 =	slt.u32 s10, $0x2;
	(pc) =	sbr.rel @!p2 .LBB1_6-.Ltmp1, $4  }
0x16: {  	s12 =	simm.s32 @!p1 $0x2  }
0x17: {  	s14 =	sadd.s32 $0x1, s10;
	_ =	swait.ge @!p1 [sflag:s12], $0x2000  }
0x18: {  	s11 =	smov.u32 s9;
	p0 =	por !p0, !p0;
	[sflag:s12] =	ssyncset.done @!p1 $0x0  }
0x19: {  	s10 =	smov.u32 s14;
	s9 =	smov.u32 s13;
	[sflag:s12] =	ssyncadd.s32 @!p1 $0xFFFFE000  }
.LBB1_1:
0x1a: {  	p1 =	sge.u32 s10, s6  }
0x1b: {  	s31 =	sadd.s32 $0xFFFFFFFF, s10;
	s12 =	sxor.u32 @!p1 $0xFFFFFFFF, s10;
	s13 =	sshll.u32 @!p1 s9, $0x4  }
0x1c: {  	s14 =	simm.s32 @!p1 $0x40;
	s12 =	sshll.u32 @!p1 s12, $0xD;
	s13 =	sand.u32 @!p1 $0x1FFFF0, s13  }
0x1d: {  	s15 =	simm.s32 @!p1 $0x80;
	s12 =	sand.u32 @!p1 $0x2000, s12;
	s13 =	sadd.s32 @!p1 s4, s13  }
0x1e: {  	[tilespmem:s12], [sflag:$0x1] =	stream.strided.gather @!p1 [hbm4b:s13+s14], $0x2000, s15, s14, $0x38;
	[tilespmem:$0x8080] =	vst v63  }
0x1f: {  	p1 =	sge.u32 s31, s6  }
.Ltmp2:
0x20: {  	_ = 	snop;
	(pc) =	sbr.rel @p1 .LBB1_5-.Ltmp2, $1  }
0x21: {  	_ =	sdelay $0x3  }
0x22: {  	s12 =	simm.s32 $0x1  }
0x23: {  	_ =	swait.ge [sflag:s5], $0x2000;
	s12 =	simm.s32 @!p0 $0x0  }
0x24: {  	[sflag:s5] =	ssyncset.done $0x0;
	s13 =	sshll.u32 s12, $0xD  }
0x25: {  	[sflag:s5] =	ssyncadd.s32 $0xFFFFE000;
	s16 =	sor.u32 $0x20, s13  }
0x26: {  	s12 =	smul.u32 $0x8100, s12;
	v3 =	vld [tilespmem:s16+$0x10]  }
0x27: {  	s30 =	sand.u32 $0x1, s10;
	v2 =	vld [tilespmem:s16+$0xFFFFFFF0]  }
0x28: {  	s13 =	smul.u32 $0x8100, s30;
	s12 =	sshrl.u32 s12, $0x2;
	v0 =	vld [tilespmem:s16+$0x0]  }
0x29: {  	v1 =	vld [tilespmem:s16+$0xFFFFFFE0];
	s14 =	sor.u32 $0x4000, s12  }
0x2a: {  	s31 =	sshrl.u32 s13, $0x2;
	s13 =	sadd.s32 $0x0, s14  }
0x2b: {  	s15 =	simm.s32 $0x4;
	s16 =	sadd.s32 $0x40, s16;
	s12 =	sor.u32 $0x4000, s31;
	[tilespmem:s13+$0x1830 ss:$0x81] =	vst.msk $0xffff, v3  }
.LBB1_3:
0x2c: {  	v3 =	vld [tilespmem:s16+$0x10];
	p1 =	sne.s32 s15, $0x1FC;
	[tilespmem:s13+$0x810 ss:$0x81] =	vst.msk $0xffff, v2;
	s17 =	smov.u32 s15;
	s15 =	sadd.s32 $0x4, s15  }
.Ltmp3:
0x2d: {  	v2 =	vld [tilespmem:s16+$0xFFFFFFF0];
	[tilespmem:s13+$0x1020 ss:$0x81] =	vst.msk $0xffff, v0;
	(pc) =	sbr.rel @p1 .LBB1_3-.Ltmp3, $4  }
0x2e: {  	v0 =	vld [tilespmem:s16+$0x0];
	[tilespmem:s13+$0x0 ss:$0x81] =	vst.msk $0xffff, v1  }
0x2f: {  	s13 =	sshra.s32 s17, $0x2;
	v1 =	vld [tilespmem:s16+$0xFFFFFFE0]  }
0x30: {  	s13 =	sadd.s32 s13, s14  }
0x31: {  	s16 =	sadd.s32 $0x40, s16;
	[tilespmem:s13+$0x1830 ss:$0x81] =	vst.msk $0xffff, v3  }
.Ltmp4:
0x32: {  	_ = 	snop;
	(pc) =	sbr.rel .LBB1_4-.Ltmp4, $1  }
0x33: {  	_ =	sdelay $0x3  }
.LBB1_6:
0x34: {  	_ =	sfence.sel $0x180000  }
0x35: {  	s2 =	simm.s32 $0x1;
	[bflag:$0x0] =	sbarrier.arrive $0xFFFF  }
0x36: {  	s31 =	simm.s32 $0x2;
	[sflag:s2] =	ssyncpa.u1 $0x1  }
0x37: {  	[sflag:s31] =	ssyncpa.u1 $0x1  }
0x38: {  	p0 =	sne.s32 s0, $0x0;
	_ =	strace $0x9000004A  }
0x39: {  	s0 =	sadd.s32 @!p0 $0x100000, s1;
	[bflag:$0x2] =	sbarrier.arrive $0xFFFF  }
0x3a: {  	[sflag:s0] =	ssyncadd.tile.s32 @!p0 $0x1;
	_ =	shalt  }
.Lfunc_end1:
_tile_overlayer_lowered:
.L_overlay_start_2:
0x3b: {  	(tag) =	ssettag $0x2  }
0x3c: {  	s0 =	rddreg [dreg:$0x0];
	s2 =	stileid.u32  }
0x3d: {  	s1 =	rddreg [dreg:$0x1];
	p0 =	sne.s32 s2, $0x0  }
0x3e: {  	s3 =	rddreg [dreg:$0x2];
	[bflag:$0x3] =	sbarrier.arrive $0xFFFF;
	s2 =	simm.s32 @!p0 $0x1C01  }
0x3f: {  	[timem:s3], [sflag:s2] =	dma.local @!p0 [hbm:s0], s1  }
0x40: {  	s0 =	simm.s32 @!p0 $0x1  }
0x41: {  	_ =	swait.ge @!p0 [sflag:s0], s1  }
0x42: {  	s1 =	ssub.s32 @!p0 $0x0, s1;
	[sflag:s0] =	ssyncset.done @!p0 $0x0  }
0x43: {  	[sflag:s0] =	ssyncadd.s32 @!p0 s1  }
0x44: {  	[bflag:$0x3] =	sbarrier.arrive $0xFFFF  }
0x45: {  	_ =	shalt  }

// kernel: sparse-core-data-format-call.2.cloned.1.call-start
scs
called_computation.2_lowered:
.L_overlay_start_0:
0x0: {  	s2 =	sld [smem:$0x3FD9]  }
0x1: {  	s3 =	sld [smem:$0x3FFE];
	_ =	sdelay $0x1  }
0x2: {  	s1 =	srdreg.scid  }
0x3: {  	s0 =	sand.u32 $0x1, s1  }
0x4: {  	s16 =	sshll.u32 s0, $0xA;
	s2 =	sadd.s32 s3, s2  }
0x5: {  	s2 =	sadd.s32 s2, s16  }
0x6: {  	[smem:$0x3FC2] =	sst s2  }
0x7: {  	_ = 	snop  }
0x8: {  	s2 =	sld [smem:$0x3FD0];
	_ =	sdelay $0x2  }
0x9: {  	s17 =	simm.s32 $0xC;
	s4 =	simm.s32 $0x10  }
0xa: {  	[smem:s4], [sflag:s17] =	dma.local [hbm:s2], $0x1  }
0xb: {  	_ =	swait.eq [sflag:s17], $0x1  }
0xc: {  	[sflag:s17] =	ssyncset.done $0x0  }
0xd: {  	[sflag:s17] =	ssyncadd.s32 $0xFFFFFFFF  }
0xe: {  	s18 =	sld [smem:$0x10];
	(tm) =	ssettm $0x1  }
0xf: {  	s19 =	sld [smem:$0x3FFB];
	_ =	sdelay $0x3  }
0x10: {  	_ =	strace s19  }
0x11: {  	s2 =	sld [smem:$0x3FFC];
	_ =	sdelay $0x3  }
0x12: {  	_ =	strace s2  }
0x13: {  	s2 =	sld [smem:$0x3FFD];
	_ =	sdelay $0x3  }
0x14: {  	_ =	strace s2  }
0x15: {  	_ =	strace $0x8FFFFFFF  }
0x16: {  	s20 =	sld [smem:$0x3FDB];
	_ =	sdelay $0x1  }
0x17: {  	s21 =	simm.s32 $_scs_section_size  }
0x18: {  	s5 =	simm.s32 $_size__tile_overlayer_lowered;
	s6 =	simm.s32 $_tile_overlayer_lowered  }
0x19: {  	s7 =	simm.s32 $0x1BFF;
	s22 =	sshll.u32 s6, $0x1;
	s4 =	sadd.s32 s21, s20  }
0x1a: {  	s23 =	simm.s32 $0x0;
	s5 =	sshll.u32 s5, $0x1;
	s6 =	sadd.s32 s22, s4  }
0x1b: {  	[timem:s23], [sflag:s7] =	dma.local [hbm:s6], s5  }
0x1c: {  	_ =	swait.ge [sflag:s7], s5  }
0x1d: {  	s5 =	ssub.s32 $0x0, s5;
	[sflag:s7] =	ssyncset.done $0x0  }
0x1e: {  	[sflag:s7] =	ssyncadd.s32 s5;
	_ =	sdelay $0x1  }
0x1f: {  	s24 =	simm.s32 $0x1B8B  }
0x20: {  	_ =	swait.ge [sflag:s24], $0x1  }
0x21: {  	[sflag:s24] =	ssyncset.done $0x0  }
0x22: {  	[sflag:s24] =	ssyncadd.s32 $0xFFFFFFFF  }
0x23: {  	s5 =	sld [smem:$0x0]  }
0x24: {  	s6 =	sand.u32 $0xFFFFFFFE, s1  }
0x25: {  	p0 =	sne.s32 s1, s6  }
0x26: {  	s6 =	sshll.u32 @p0 s6, $0xE  }
0x27: {  	s6 =	sadd.s32 @p0 $0x11B8D, s6;
	s7 =	sshll.u32 @p0 s5, $0x11  }
0x28: {  	s6 =	sor.u32 @p0 s7, s6  }
0x29: {  	[sflag:s6] =	ssyncadd.remote.s32 @p0 $0x1;
	_ =	sdelay $0x1  }
0x2a: {  	s6 =	simm.s32 @p0 $0x1B8D  }
0x2b: {  	_ =	swait.eq @p0 [sflag:s6], $0x1  }
0x2c: {  	[sflag:s6] =	ssyncadd.s32 @p0 $0xFFFFFFFF  }
0x2d: {  	s7 =	sshll.u32 @!p0 s1, $0xE  }
0x2e: {  	s7 =	sor.u32 @!p0 $0x4000, s7;
	s6 =	simm.s32 @!p0 $0x1B8D  }
0x2f: {  	s5 =	sshll.u32 @!p0 s5, $0x11;
	s7 =	sadd.s32 @!p0 $0x11B8D, s7;
	_ =	swait.eq @!p0 [sflag:s6], $0x1  }
0x30: {  	s5 =	sor.u32 @!p0 s5, s7;
	[sflag:s6] =	ssyncadd.s32 @!p0 $0xFFFFFFFF  }
0x31: {  	s26 =	simm.s32 $0x1B8E;
	s25 =	sld [smem:$0x3FFE];
	[sflag:s5] =	ssyncadd.remote.s32 @!p0 $0x1  }
0x32: {  	s27 =	simm.s32 $execute0_lowered;
	[smem:$0x3FD2] =	sst s26  }
0x33: {  	s6 =	sshll.u32 s27, $0x1;
	_ =	strace $0x8000004C;
	[dreg:$0x1] =	wrdreg $0xFFFFFFFF  }
0x34: {  	s28 =	simm.s32 $_size_execute0_lowered;
	s4 =	sadd.s32 s4, s6;
	[dreg:$0x0] =	wrdreg $0x0  }
0x35: {  	s6 =	sshll.u32 s28, $0x1;
	[dreg:$0x2] =	wrdreg s4  }
0x36: {  	[dreg:$0x3] =	wrdreg s6  }
0x37: {  	[dreg:$0x4] =	wrdreg $0xC0  }
0x38: {  	_ =	task [dreg:s23], $0x5FFFF  }
0x39: {  	[dreg:$0x1] =	wrdreg $0xFFFFFFFF  }
0x3a: {  	[dreg:$0x0] =	wrdreg $0x60  }
0x3b: {  	[dreg:$0x2] =	wrdreg s25  }
0x3c: {  	[dreg:$0x3] =	wrdreg s18  }
0x3d: {  	[dreg:$0x4] =	wrdreg $0xB  }
0x3e: {  	_ =	task.clear_ibuf [dreg:s23], $0x5FFFF;
	_ =	strace $0x9000004C  }
0x3f: {  	s29 =	simm.s32 $0xB;
	_ =	strace $0x8000004E  }
0x40: {  	_ =	swait.ge [sflag:s29], $0x1  }
0x41: {  	[sflag:s29] =	ssyncadd.s32 $0xFFFFFFFF  }
0x42: {  	_ =	strace $0x9000004E  }
0x43: {  	_ =	sfence  }
0x44: {  	s30 =	sld [smem:$0x0];
	_ =	sdelay $0x2  }
0x45: {  	s31 =	sshll.u32 s1, $0xD;
	s1 =	sshrl.u32 s1, $0x2  }
0x46: {  	s4 =	sand.u32 $0x4000, s31;
	s1 =	sadd.s32 s1, s30  }
0x47: {  	s0 =	sor.u32 s4, s0;
	s1 =	sshll.u32 s1, $0x11  }
0x48: {  	s0 =	sor.u32 s1, s0  }
0x49: {  	s0 =	sadd.s32 $0x8F2B, s0  }
0x4a: {  	[sflag:s0] =	ssyncadd.remote.s32 $0x1  }
0x4b: {  	_ =	sfence.sel $0xFFFF  }
0x4c: {  	[dreg:$0x0] =	wrdreg $0xFFFFFFFF;
	(pc) =	sbr.abs _section_cstart, $3  }
0x4d: {  	[dreg:$0x1] =	wrdreg $0xFFFFFFFF  }
0x4e: {  	_ =	task.clear_ibuf [dreg:s23], $0x2FFFF;
	_ =	strace $0x9FFFFFFF  }
0x4f: {  	(tm) =	ssettm $0x7FFFFFFF  }
tec
execute0_lowered:
.L_overlay_start_1:
0x0: {  	(tag) =	ssettag $0x1  }
0x1: {  	s0 =	srdreg.scid  }
0x2: {  	s1 =	sshll.u32 s0, $0x4  }
0x3: {  	s4 =	rddreg [dreg:$0x0];
	s0 =	stileid.u32;
	s1 =	sand.u32 $0x10, s1  }
0x4: {  	s2 =	rddreg [dreg:$0x1];
	s7 =	simm.s32 $0x1;
	s1 =	sor.u32 s0, s1  }
0x5: {  	s8 =	simm.s32 $0x2;
	s11 =	simm.s32 $0x0;
	s3 =	sshll.u32 s1, $0x7  }
0x6: {  	s10 =	simm.s32 $0x0;
	s4 =	sadd.s32 $0x202200, s4;
	s6 =	ssub.s32 $0x20000, s3  }
.Ltmp0:
0x7: {  	s1 =	rddreg [dreg:$0x2];
	s5 =	sand.u32 $0xF80, s6;
	(pc) =	sbr.rel .LBB1_1-.Ltmp0, $4  }
0x8: {  	_ =	strace $0x8000004D;
	s9 =	smov.u32 s3;
	p0 =	sne.s32 s5, $0x0  }
0x9: {  	s6 =	sshrl.u32 s6, $0xC;
	s5 =	simm.s32 $0x1;
	s7 =	simm.s32 @!p0 $0x0  }
0xa: {  	[sflag:s5] =	ssyncpa.u1 $0x0;
	p0 =	por $0x0, $0x0;
	s6 =	sadd.s32 s7, s6  }
0xb: {  	[sflag:s8] =	ssyncpa.u1 $0x0;
	s8 =	simm.s32 $0x100000;
	s7 =	sadd.s32 $0x1, s6  }
.LBB1_4:
0xc: {  	s14 =	sshll.u32 s11, $0x3  }
0xd: {  	s15 =	sand.u32 $0x78, s11;
	s14 =	sand.u32 $0x1FC00, s14  }
0xe: {  	[tilespmem:s13+$0x810 ss:$0x81] =	vst.msk $0xffff, v2;
	s29 =	sand.u32 $0xFC000, s11;
	s30 =	sand.u32 $0x7, s11;
	s14 =	sor.u32 s15, s14  }
0xf: {  	[tilespmem:s13+$0x1020 ss:$0x81] =	vst.msk $0xffff, v0;
	s11 =	sshll.u32 s30, $0x12;
	s15 =	sadd.s32 s2, s29;
	s14 =	sshrl.u32 s14, $0x3  }
0x10: {  	[tilespmem:s13+$0x0 ss:$0x81] =	vst.msk $0xffff, v1;
	s11 =	sor.u32 $0x400, s11;
	s31 =	sadd.s32 s14, s15  }
0x11: {  	[hbm4b:s31+s11] =	stream.strided.scatter [tilespmem:s12], [sflag:$0x2], $0x2000, s8, s11, $0x20;
	[tilespmem:$0x8080] =	vst v63  }
.LBB1_5:
0x12: {  	s13 =	sadd.s32 $0x1000, s9  }
0x13: {  	p2 =	sgt.s32 s13, $0x1FFFF  }
0x14: {  	s13 =	smov.u32 @p2 s3;
	p2 =	sne.s32 s10, s7  }
.Ltmp1:
0x15: {  	p1 =	slt.u32 s10, $0x2;
	(pc) =	sbr.rel @!p2 .LBB1_6-.Ltmp1, $4  }
0x16: {  	s12 =	simm.s32 @!p1 $0x2  }
0x17: {  	s14 =	sadd.s32 $0x1, s10;
	_ =	swait.ge @!p1 [sflag:s12], $0x2000  }
0x18: {  	s11 =	smov.u32 s9;
	p0 =	por !p0, !p0;
	[sflag:s12] =	ssyncset.done @!p1 $0x0  }
0x19: {  	s10 =	smov.u32 s14;
	s9 =	smov.u32 s13;
	[sflag:s12] =	ssyncadd.s32 @!p1 $0xFFFFE000  }
.LBB1_1:
0x1a: {  	p1 =	sge.u32 s10, s6  }
0x1b: {  	s31 =	sadd.s32 $0xFFFFFFFF, s10;
	s12 =	sxor.u32 @!p1 $0xFFFFFFFF, s10;
	s13 =	sshll.u32 @!p1 s9, $0x4  }
0x1c: {  	s14 =	simm.s32 @!p1 $0x40;
	s12 =	sshll.u32 @!p1 s12, $0xD;
	s13 =	sand.u32 @!p1 $0x1FFFF0, s13  }
0x1d: {  	s15 =	simm.s32 @!p1 $0x80;
	s12 =	sand.u32 @!p1 $0x2000, s12;
	s13 =	sadd.s32 @!p1 s4, s13  }
0x1e: {  	[tilespmem:s12], [sflag:$0x1] =	stream.strided.gather @!p1 [hbm4b:s13+s14], $0x2000, s15, s14, $0x38;
	[tilespmem:$0x8080] =	vst v63  }
0x1f: {  	p1 =	sge.u32 s31, s6  }
.Ltmp2:
0x20: {  	_ = 	snop;
	(pc) =	sbr.rel @p1 .LBB1_5-.Ltmp2, $1  }
0x21: {  	_ =	sdelay $0x3  }
0x22: {  	s12 =	simm.s32 $0x1  }
0x23: {  	_ =	swait.ge [sflag:s5], $0x2000;
	s12 =	simm.s32 @!p0 $0x0  }
0x24: {  	[sflag:s5] =	ssyncset.done $0x0;
	s13 =	sshll.u32 s12, $0xD  }
0x25: {  	[sflag:s5] =	ssyncadd.s32 $0xFFFFE000;
	s16 =	sor.u32 $0x20, s13  }
0x26: {  	s12 =	smul.u32 $0x8100, s12;
	v3 =	vld [tilespmem:s16+$0x10]  }
0x27: {  	s30 =	sand.u32 $0x1, s10;
	v2 =	vld [tilespmem:s16+$0xFFFFFFF0]  }
0x28: {  	s13 =	smul.u32 $0x8100, s30;
	s12 =	sshrl.u32 s12, $0x2;
	v0 =	vld [tilespmem:s16+$0x0]  }
0x29: {  	v1 =	vld [tilespmem:s16+$0xFFFFFFE0];
	s14 =	sor.u32 $0x4000, s12  }
0x2a: {  	s31 =	sshrl.u32 s13, $0x2;
	s13 =	sadd.s32 $0x0, s14  }
0x2b: {  	s15 =	simm.s32 $0x4;
	s16 =	sadd.s32 $0x40, s16;
	s12 =	sor.u32 $0x4000, s31;
	[tilespmem:s13+$0x1830 ss:$0x81] =	vst.msk $0xffff, v3  }
.LBB1_3:
0x2c: {  	v3 =	vld [tilespmem:s16+$0x10];
	p1 =	sne.s32 s15, $0x1FC;
	[tilespmem:s13+$0x810 ss:$0x81] =	vst.msk $0xffff, v2;
	s17 =	smov.u32 s15;
	s15 =	sadd.s32 $0x4, s15  }
.Ltmp3:
0x2d: {  	v2 =	vld [tilespmem:s16+$0xFFFFFFF0];
	[tilespmem:s13+$0x1020 ss:$0x81] =	vst.msk $0xffff, v0;
	(pc) =	sbr.rel @p1 .LBB1_3-.Ltmp3, $4  }
0x2e: {  	v0 =	vld [tilespmem:s16+$0x0];
	[tilespmem:s13+$0x0 ss:$0x81] =	vst.msk $0xffff, v1  }
0x2f: {  	s13 =	sshra.s32 s17, $0x2;
	v1 =	vld [tilespmem:s16+$0xFFFFFFE0]  }
0x30: {  	s13 =	sadd.s32 s13, s14  }
0x31: {  	s16 =	sadd.s32 $0x40, s16;
	[tilespmem:s13+$0x1830 ss:$0x81] =	vst.msk $0xffff, v3  }
.Ltmp4:
0x32: {  	_ = 	snop;
	(pc) =	sbr.rel .LBB1_4-.Ltmp4, $1  }
0x33: {  	_ =	sdelay $0x3  }
.LBB1_6:
0x34: {  	_ =	sfence.sel $0x180000  }
0x35: {  	s2 =	simm.s32 $0x1;
	[bflag:$0x0] =	sbarrier.arrive $0xFFFF  }
0x36: {  	s31 =	simm.s32 $0x2;
	[sflag:s2] =	ssyncpa.u1 $0x1  }
0x37: {  	[sflag:s31] =	ssyncpa.u1 $0x1  }
0x38: {  	p0 =	sne.s32 s0, $0x0;
	_ =	strace $0x9000004D  }
0x39: {  	s0 =	sadd.s32 @!p0 $0x100000, s1;
	[bflag:$0x2] =	sbarrier.arrive $0xFFFF  }
0x3a: {  	[sflag:s0] =	ssyncadd.tile.s32 @!p0 $0x1;
	_ =	shalt  }
.Lfunc_end1:
_tile_overlayer_lowered:
.L_overlay_start_2:
0x3b: {  	(tag) =	ssettag $0x2  }
0x3c: {  	s0 =	rddreg [dreg:$0x0];
	s2 =	stileid.u32  }
0x3d: {  	s1 =	rddreg [dreg:$0x1];
	p0 =	sne.s32 s2, $0x0  }
0x3e: {  	s3 =	rddreg [dreg:$0x2];
	[bflag:$0x3] =	sbarrier.arrive $0xFFFF;
	s2 =	simm.s32 @!p0 $0x1C01  }
0x3f: {  	[timem:s3], [sflag:s2] =	dma.local @!p0 [hbm:s0], s1  }
0x40: {  	s0 =	simm.s32 @!p0 $0x1  }
0x41: {  	_ =	swait.ge @!p0 [sflag:s0], s1  }
0x42: {  	s1 =	ssub.s32 @!p0 $0x0, s1;
	[sflag:s0] =	ssyncset.done @!p0 $0x0  }
0x43: {  	[sflag:s0] =	ssyncadd.s32 @!p0 s1  }
0x44: {  	[bflag:$0x3] =	sbarrier.arrive $0xFFFF  }
0x45: {  	_ =	shalt  }

// kernel: sparse-core-data-format-call.cloned.1.call-start
scs
called_computation_lowered:
.L_overlay_start_0:
0x0: {  	s2 =	sld [smem:$0x3FD9]  }
0x1: {  	s3 =	sld [smem:$0x3FFE];
	_ =	sdelay $0x1  }
0x2: {  	s1 =	srdreg.scid  }
0x3: {  	s0 =	sand.u32 $0x1, s1  }
0x4: {  	s16 =	sshll.u32 s0, $0xA;
	s2 =	sadd.s32 s3, s2  }
0x5: {  	s2 =	sadd.s32 s2, s16  }
0x6: {  	[smem:$0x3FC2] =	sst s2  }
0x7: {  	_ = 	snop  }
0x8: {  	s2 =	sld [smem:$0x3FD0];
	_ =	sdelay $0x2  }
0x9: {  	s17 =	simm.s32 $0xC;
	s4 =	simm.s32 $0x10  }
0xa: {  	[smem:s4], [sflag:s17] =	dma.local [hbm:s2], $0x1  }
0xb: {  	_ =	swait.eq [sflag:s17], $0x1  }
0xc: {  	[sflag:s17] =	ssyncset.done $0x0  }
0xd: {  	[sflag:s17] =	ssyncadd.s32 $0xFFFFFFFF  }
0xe: {  	s18 =	sld [smem:$0x12];
	(tm) =	ssettm $0x1  }
0xf: {  	s19 =	sld [smem:$0x3FFB];
	_ =	sdelay $0x3  }
0x10: {  	_ =	strace s19  }
0x11: {  	s2 =	sld [smem:$0x3FFC];
	_ =	sdelay $0x3  }
0x12: {  	_ =	strace s2  }
0x13: {  	s2 =	sld [smem:$0x3FFD];
	_ =	sdelay $0x3  }
0x14: {  	_ =	strace s2  }
0x15: {  	_ =	strace $0x8FFFFFFF  }
0x16: {  	s20 =	sld [smem:$0x3FDB];
	_ =	sdelay $0x1  }
0x17: {  	s21 =	simm.s32 $_scs_section_size  }
0x18: {  	s5 =	simm.s32 $_size__tile_overlayer_lowered;
	s6 =	simm.s32 $_tile_overlayer_lowered  }
0x19: {  	s7 =	simm.s32 $0x1BFF;
	s22 =	sshll.u32 s6, $0x1;
	s4 =	sadd.s32 s21, s20  }
0x1a: {  	s23 =	simm.s32 $0x0;
	s5 =	sshll.u32 s5, $0x1;
	s6 =	sadd.s32 s22, s4  }
0x1b: {  	[timem:s23], [sflag:s7] =	dma.local [hbm:s6], s5  }
0x1c: {  	_ =	swait.ge [sflag:s7], s5  }
0x1d: {  	s5 =	ssub.s32 $0x0, s5;
	[sflag:s7] =	ssyncset.done $0x0  }
0x1e: {  	[sflag:s7] =	ssyncadd.s32 s5;
	_ =	sdelay $0x1  }
0x1f: {  	s24 =	simm.s32 $0x1B8B  }
0x20: {  	_ =	swait.ge [sflag:s24], $0x1  }
0x21: {  	[sflag:s24] =	ssyncset.done $0x0  }
0x22: {  	[sflag:s24] =	ssyncadd.s32 $0xFFFFFFFF  }
0x23: {  	s5 =	sld [smem:$0x0]  }
0x24: {  	s6 =	sand.u32 $0xFFFFFFFE, s1  }
0x25: {  	p0 =	sne.s32 s1, s6  }
0x26: {  	s6 =	sshll.u32 @p0 s6, $0xE  }
0x27: {  	s6 =	sadd.s32 @p0 $0x11B8D, s6;
	s7 =	sshll.u32 @p0 s5, $0x11  }
0x28: {  	s6 =	sor.u32 @p0 s7, s6  }
0x29: {  	[sflag:s6] =	ssyncadd.remote.s32 @p0 $0x1;
	_ =	sdelay $0x1  }
0x2a: {  	s6 =	simm.s32 @p0 $0x1B8D  }
0x2b: {  	_ =	swait.eq @p0 [sflag:s6], $0x1  }
0x2c: {  	[sflag:s6] =	ssyncadd.s32 @p0 $0xFFFFFFFF  }
0x2d: {  	s7 =	sshll.u32 @!p0 s1, $0xE  }
0x2e: {  	s7 =	sor.u32 @!p0 $0x4000, s7;
	s6 =	simm.s32 @!p0 $0x1B8D  }
0x2f: {  	s5 =	sshll.u32 @!p0 s5, $0x11;
	s7 =	sadd.s32 @!p0 $0x11B8D, s7;
	_ =	swait.eq @!p0 [sflag:s6], $0x1  }
0x30: {  	s5 =	sor.u32 @!p0 s5, s7;
	[sflag:s6] =	ssyncadd.s32 @!p0 $0xFFFFFFFF  }
0x31: {  	s26 =	simm.s32 $0x1B8E;
	s25 =	sld [smem:$0x3FFE];
	[sflag:s5] =	ssyncadd.remote.s32 @!p0 $0x1  }
0x32: {  	s27 =	simm.s32 $execute0_lowered;
	[smem:$0x3FD2] =	sst s26  }
0x33: {  	s6 =	sshll.u32 s27, $0x1;
	_ =	strace $0x8000004F;
	[dreg:$0x1] =	wrdreg $0xFFFFFFFF  }
0x34: {  	s28 =	simm.s32 $_size_execute0_lowered;
	s4 =	sadd.s32 s4, s6;
	[dreg:$0x0] =	wrdreg $0x0  }
0x35: {  	s6 =	sshll.u32 s28, $0x1;
	[dreg:$0x2] =	wrdreg s4  }
0x36: {  	[dreg:$0x3] =	wrdreg s6  }
0x37: {  	[dreg:$0x4] =	wrdreg $0xC0  }
0x38: {  	_ =	task [dreg:s23], $0x5FFFF  }
0x39: {  	[dreg:$0x1] =	wrdreg $0xFFFFFFFF  }
0x3a: {  	[dreg:$0x0] =	wrdreg $0x60  }
0x3b: {  	[dreg:$0x2] =	wrdreg s25  }
0x3c: {  	[dreg:$0x3] =	wrdreg s18  }
0x3d: {  	[dreg:$0x4] =	wrdreg $0x9  }
0x3e: {  	_ =	task.clear_ibuf [dreg:s23], $0x5FFFF;
	_ =	strace $0x9000004F  }
0x3f: {  	s29 =	simm.s32 $0x9;
	_ =	strace $0x80000051  }
0x40: {  	_ =	swait.ge [sflag:s29], $0x1  }
0x41: {  	[sflag:s29] =	ssyncadd.s32 $0xFFFFFFFF  }
0x42: {  	_ =	strace $0x90000051  }
0x43: {  	_ =	sfence  }
0x44: {  	s30 =	sld [smem:$0x0];
	_ =	sdelay $0x2  }
0x45: {  	s31 =	sshll.u32 s1, $0xD;
	s1 =	sshrl.u32 s1, $0x2  }
0x46: {  	s4 =	sand.u32 $0x4000, s31;
	s1 =	sadd.s32 s1, s30  }
0x47: {  	s0 =	sor.u32 s4, s0;
	s1 =	sshll.u32 s1, $0x11  }
0x48: {  	s0 =	sor.u32 s1, s0  }
0x49: {  	s0 =	sadd.s32 $0x8F2B, s0  }
0x4a: {  	[sflag:s0] =	ssyncadd.remote.s32 $0x1  }
0x4b: {  	_ =	sfence.sel $0xFFFF  }
0x4c: {  	[dreg:$0x0] =	wrdreg $0xFFFFFFFF;
	(pc) =	sbr.abs _section_cstart, $3  }
0x4d: {  	[dreg:$0x1] =	wrdreg $0xFFFFFFFF  }
0x4e: {  	_ =	task.clear_ibuf [dreg:s23], $0x2FFFF;
	_ =	strace $0x9FFFFFFF  }
0x4f: {  	(tm) =	ssettm $0x7FFFFFFF  }
tec
execute0_lowered:
.L_overlay_start_1:
0x0: {  	(tag) =	ssettag $0x1  }
0x1: {  	s0 =	srdreg.scid  }
0x2: {  	s1 =	sshll.u32 s0, $0x4  }
0x3: {  	s4 =	rddreg [dreg:$0x0];
	s0 =	stileid.u32;
	s1 =	sand.u32 $0x10, s1  }
0x4: {  	s2 =	rddreg [dreg:$0x1];
	s7 =	simm.s32 $0x1;
	s1 =	sor.u32 s0, s1  }
0x5: {  	s8 =	simm.s32 $0x2;
	s11 =	simm.s32 $0x0;
	s3 =	sshll.u32 s1, $0x7  }
0x6: {  	s10 =	simm.s32 $0x0;
	s4 =	sadd.s32 $0x402200, s4;
	s6 =	ssub.s32 $0x20000, s3  }
.Ltmp0:
0x7: {  	s1 =	rddreg [dreg:$0x2];
	s5 =	sand.u32 $0xF80, s6;
	(pc) =	sbr.rel .LBB1_1-.Ltmp0, $4  }
0x8: {  	_ =	strace $0x80000050;
	s9 =	smov.u32 s3;
	p0 =	sne.s32 s5, $0x0  }
0x9: {  	s6 =	sshrl.u32 s6, $0xC;
	s5 =	simm.s32 $0x1;
	s7 =	simm.s32 @!p0 $0x0  }
0xa: {  	[sflag:s5] =	ssyncpa.u1 $0x0;
	p0 =	por $0x0, $0x0;
	s6 =	sadd.s32 s7, s6  }
0xb: {  	[sflag:s8] =	ssyncpa.u1 $0x0;
	s8 =	simm.s32 $0x100000;
	s7 =	sadd.s32 $0x1, s6  }
.LBB1_4:
0xc: {  	s14 =	sshll.u32 s11, $0x3  }
0xd: {  	s15 =	sand.u32 $0x78, s11;
	s14 =	sand.u32 $0x1FC00, s14  }
0xe: {  	[tilespmem:s13+$0x810 ss:$0x81] =	vst.msk $0xffff, v2;
	s29 =	sand.u32 $0xFC000, s11;
	s30 =	sand.u32 $0x7, s11;
	s14 =	sor.u32 s15, s14  }
0xf: {  	[tilespmem:s13+$0x1020 ss:$0x81] =	vst.msk $0xffff, v0;
	s11 =	sshll.u32 s30, $0x12;
	s15 =	sadd.s32 s2, s29;
	s14 =	sshrl.u32 s14, $0x3  }
0x10: {  	[tilespmem:s13+$0x0 ss:$0x81] =	vst.msk $0xffff, v1;
	s11 =	sor.u32 $0x400, s11;
	s31 =	sadd.s32 s14, s15  }
0x11: {  	[hbm4b:s31+s11] =	stream.strided.scatter [tilespmem:s12], [sflag:$0x2], $0x2000, s8, s11, $0x20;
	[tilespmem:$0x8080] =	vst v63  }
.LBB1_5:
0x12: {  	s13 =	sadd.s32 $0x1000, s9  }
0x13: {  	p2 =	sgt.s32 s13, $0x1FFFF  }
0x14: {  	s13 =	smov.u32 @p2 s3;
	p2 =	sne.s32 s10, s7  }
.Ltmp1:
0x15: {  	p1 =	slt.u32 s10, $0x2;
	(pc) =	sbr.rel @!p2 .LBB1_6-.Ltmp1, $4  }
0x16: {  	s12 =	simm.s32 @!p1 $0x2  }
0x17: {  	s14 =	sadd.s32 $0x1, s10;
	_ =	swait.ge @!p1 [sflag:s12], $0x2000  }
0x18: {  	s11 =	smov.u32 s9;
	p0 =	por !p0, !p0;
	[sflag:s12] =	ssyncset.done @!p1 $0x0  }
0x19: {  	s10 =	smov.u32 s14;
	s9 =	smov.u32 s13;
	[sflag:s12] =	ssyncadd.s32 @!p1 $0xFFFFE000  }
.LBB1_1:
0x1a: {  	p1 =	sge.u32 s10, s6  }
0x1b: {  	s31 =	sadd.s32 $0xFFFFFFFF, s10;
	s12 =	sxor.u32 @!p1 $0xFFFFFFFF, s10;
	s13 =	sshll.u32 @!p1 s9, $0x4  }
0x1c: {  	s14 =	simm.s32 @!p1 $0x40;
	s12 =	sshll.u32 @!p1 s12, $0xD;
	s13 =	sand.u32 @!p1 $0x1FFFF0, s13  }
0x1d: {  	s15 =	simm.s32 @!p1 $0x80;
	s12 =	sand.u32 @!p1 $0x2000, s12;
	s13 =	sadd.s32 @!p1 s4, s13  }
0x1e: {  	[tilespmem:s12], [sflag:$0x1] =	stream.strided.gather @!p1 [hbm4b:s13+s14], $0x2000, s15, s14, $0x38;
	[tilespmem:$0x8080] =	vst v63  }
0x1f: {  	p1 =	sge.u32 s31, s6  }
.Ltmp2:
0x20: {  	_ = 	snop;
	(pc) =	sbr.rel @p1 .LBB1_5-.Ltmp2, $1  }
0x21: {  	_ =	sdelay $0x3  }
0x22: {  	s12 =	simm.s32 $0x1  }
0x23: {  	_ =	swait.ge [sflag:s5], $0x2000;
	s12 =	simm.s32 @!p0 $0x0  }
0x24: {  	[sflag:s5] =	ssyncset.done $0x0;
	s13 =	sshll.u32 s12, $0xD  }
0x25: {  	[sflag:s5] =	ssyncadd.s32 $0xFFFFE000;
	s16 =	sor.u32 $0x20, s13  }
0x26: {  	s12 =	smul.u32 $0x8100, s12;
	v3 =	vld [tilespmem:s16+$0x10]  }
0x27: {  	s30 =	sand.u32 $0x1, s10;
	v2 =	vld [tilespmem:s16+$0xFFFFFFF0]  }
0x28: {  	s13 =	smul.u32 $0x8100, s30;
	s12 =	sshrl.u32 s12, $0x2;
	v0 =	vld [tilespmem:s16+$0x0]  }
0x29: {  	v1 =	vld [tilespmem:s16+$0xFFFFFFE0];
	s14 =	sor.u32 $0x4000, s12  }
0x2a: {  	s31 =	sshrl.u32 s13, $0x2;
	s13 =	sadd.s32 $0x0, s14  }
0x2b: {  	s15 =	simm.s32 $0x4;
	s16 =	sadd.s32 $0x40, s16;
	s12 =	sor.u32 $0x4000, s31;
	[tilespmem:s13+$0x1830 ss:$0x81] =	vst.msk $0xffff, v3  }
.LBB1_3:
0x2c: {  	v3 =	vld [tilespmem:s16+$0x10];
	p1 =	sne.s32 s15, $0x1FC;
	[tilespmem:s13+$0x810 ss:$0x81] =	vst.msk $0xffff, v2;
	s17 =	smov.u32 s15;
	s15 =	sadd.s32 $0x4, s15  }
.Ltmp3:
0x2d: {  	v2 =	vld [tilespmem:s16+$0xFFFFFFF0];
	[tilespmem:s13+$0x1020 ss:$0x81] =	vst.msk $0xffff, v0;
	(pc) =	sbr.rel @p1 .LBB1_3-.Ltmp3, $4  }
0x2e: {  	v0 =	vld [tilespmem:s16+$0x0];
	[tilespmem:s13+$0x0 ss:$0x81] =	vst.msk $0xffff, v1  }
0x2f: {  	s13 =	sshra.s32 s17, $0x2;
	v1 =	vld [tilespmem:s16+$0xFFFFFFE0]  }
0x30: {  	s13 =	sadd.s32 s13, s14  }
0x31: {  	s16 =	sadd.s32 $0x40, s16;
	[tilespmem:s13+$0x1830 ss:$0x81] =	vst.msk $0xffff, v3  }
.Ltmp4:
0x32: {  	_ = 	snop;
	(pc) =	sbr.rel .LBB1_4-.Ltmp4, $1  }
0x33: {  	_ =	sdelay $0x3  }
.LBB1_6:
0x34: {  	_ =	sfence.sel $0x180000  }
0x35: {  	s2 =	simm.s32 $0x1;
	[bflag:$0x0] =	sbarrier.arrive $0xFFFF  }
0x36: {  	s31 =	simm.s32 $0x2;
	[sflag:s2] =	ssyncpa.u1 $0x1  }
0x37: {  	[sflag:s31] =	ssyncpa.u1 $0x1  }
0x38: {  	p0 =	sne.s32 s0, $0x0;
	_ =	strace $0x90000050  }
0x39: {  	s0 =	sadd.s32 @!p0 $0x100000, s1;
	[bflag:$0x2] =	sbarrier.arrive $0xFFFF  }
0x3a: {  	[sflag:s0] =	ssyncadd.tile.s32 @!p0 $0x1;
	_ =	shalt  }
.Lfunc_end1:
_tile_overlayer_lowered:
.L_overlay_start_2:
0x3b: {  	(tag) =	ssettag $0x2  }
0x3c: {  	s0 =	rddreg [dreg:$0x0];
	s2 =	stileid.u32  }
0x3d: {  	s1 =	rddreg [dreg:$0x1];
	p0 =	sne.s32 s2, $0x0  }
0x3e: {  	s3 =	rddreg [dreg:$0x2];
	[bflag:$0x3] =	sbarrier.arrive $0xFFFF;
	s2 =	simm.s32 @!p0 $0x1C01  }
0x3f: {  	[timem:s3], [sflag:s2] =	dma.local @!p0 [hbm:s0], s1  }
0x40: {  	s0 =	simm.s32 @!p0 $0x1  }
0x41: {  	_ =	swait.ge @!p0 [sflag:s0], s1  }
0x42: {  	s1 =	ssub.s32 @!p0 $0x0, s1;
	[sflag:s0] =	ssyncset.done @!p0 $0x0  }
0x43: {  	[sflag:s0] =	ssyncadd.s32 @!p0 s1  }
0x44: {  	[bflag:$0x3] =	sbarrier.arrive $0xFFFF  }
0x45: {  	_ =	shalt  }

</sc_bundles>
